<compile_context>
chip_gen: v7x
topology: tpu7x:2x2x1
jax: 0.10.2.dev20260603
libtpu: 0.0.44.dev20260713+nightly
codegen_flags: <defaults>
</compile_context>

<pallas_src>
import functools

import jax
import jax.numpy as jnp
import numpy as np
from jax import lax
from jax.experimental import pallas as pl
from jax.experimental.pallas import tpu as pltpu
from jax.experimental.pallas import tpu_sc as plsc

_PERCENT_ON = 0.1
_M31 = np.int32(0x7FFFFFFF)

_NC = 2
_NS = 16
_L = 16

def _monotone_key(vals_f32):
    bits = lax.bitcast_convert_type(vals_f32, jnp.int32)
    return bits ^ (lax.shift_right_arithmetic(bits, 31) & _M31)


def _boosted_keys(k, x_ref, duty_ref, bs_ref):
    n = x_ref.shape[1] * x_ref.shape[2]
    target_density = float(k) / float(n)
    bs = bs_ref[0, 0]
    factors = jnp.exp((target_density - duty_ref[...]) * bs)
    return _monotone_key(x_ref[0] * factors)


def _tc_key_body(k, x_ref, duty_ref, bs_ref, key_ref):
    key_ref[0] = _boosted_keys(k, x_ref, duty_ref, bs_ref)


def _sc_select_body(n, k, chunk, key_hbm, out_hbm, histA, histB,
                    buf0, buf1, tv, sem0, sem1):
    row = lax.axis_index("s") * _NC + lax.axis_index("c")
    n_chunks = n // chunk
    n_slices = chunk // _L
    iota = lax.iota(jnp.int32, _L)
    ones = jnp.ones((_L,), jnp.int32)
    zeros = jnp.zeros((_L,), jnp.int32)

    def zero_hists(nbins):
        def z(i, _):
            histA[pl.ds(i * _L, _L)] = zeros
            histB[pl.ds(i * _L, _L)] = zeros
            return 0
        lax.fori_loop(0, nbins, z, 0)

    def scan_hist(nbins, kk):
        ngroups = nbins // _L

        def g_step(i, carry):
            acc, gfound, cabove = carry
            g = (ngroups - 1) - i
            vsum = histA[pl.ds(g * _L * _L, _L)] + histB[pl.ds(g * _L * _L, _L)]
            for j in range(1, _L):
                o = (g * _L + j) * _L
                vsum = vsum + histA[pl.ds(o, _L)] + histB[pl.ds(o, _L)]
            cnt = jnp.sum(vsum)
            nacc = acc + cnt
            hit = jnp.logical_and(acc < kk, nacc >= kk)
            gfound = lax.select(hit, g, gfound)
            cabove = lax.select(hit, acc, cabove)
            return nacc, gfound, cabove

        _, gfound, g_above = lax.fori_loop(
            0, ngroups, g_step, (jnp.int32(0), jnp.int32(0), jnp.int32(0)))

        def b_step(i, carry):
            acc, bfound, cabove = carry
            b = gfound * _L + (_L - 1) - i
            cnt = jnp.sum(histA[pl.ds(b * _L, _L)] + histB[pl.ds(b * _L, _L)])
            nacc = acc + cnt
            hit = jnp.logical_and(acc < kk, nacc >= kk)
            bfound = lax.select(hit, b, bfound)
            cabove = lax.select(hit, acc, cabove)
            return nacc, bfound, cabove

        _, bfound, cabove = lax.fori_loop(
            0, _L, b_step, (g_above, jnp.int32(0), jnp.int32(0)))
        return bfound, cabove

    def copy_chunk(ci, buf, sem):
        return pltpu.async_copy(
            key_hbm.at[row, pl.ds(ci * chunk, chunk)], buf, sem)

    def wait_chunk(buf, sem):
        pltpu.make_async_copy(
            key_hbm.at[row, pl.ds(0, chunk)], buf, sem).wait()

    def stream_row(process_buf, init):
        copy_chunk(0, buf0, sem0)

        def pair(i, carry):
            ci = i * 2
            copy_chunk(ci + 1, buf1, sem1)
            wait_chunk(buf0, sem0)
            carry = process_buf(buf0, carry)

            @pl.when(ci + 2 < n_chunks)
            def _():
                copy_chunk(ci + 2, buf0, sem0)

            wait_chunk(buf1, sem1)
            return process_buf(buf1, carry)

        return lax.fori_loop(0, n_chunks // 2, pair, init)

    zero_hists(2048)

    def p1_buf(buf, carry):
        @plsc.parallel_loop(0, n_slices // 4, unroll=2)
        def p1_q(q):
            for u in range(4):
                key = buf[pl.ds((q * 4 + u) * _L, _L)]
                bin1 = lax.shift_right_arithmetic(key, 21) + 1024
                h = histA if u % 2 == 0 else histB
                plsc.addupdate_scatter(h, [bin1 * _L + iota], ones)

        return carry

    stream_row(p1_buf, 0)

    b1, ca1 = scan_hist(2048, k)
    t11 = b1 - 1024
    k2 = k - ca1

    zero_hists(2048)

    def p2_buf(buf, carry):
        @plsc.parallel_loop(0, n_slices // 4, unroll=2)
        def p2_q(q):
            for u in range(4):
                key = buf[pl.ds((q * 4 + u) * _L, _L)]
                m = lax.shift_right_arithmetic(key, 21) == t11
                bin2 = lax.shift_right_arithmetic(key, 10) & np.int32(0x7FF)
                h = histA if u % 2 == 0 else histB
                plsc.addupdate_scatter(h, [bin2 * _L + iota], ones, mask=m)

        return carry

    stream_row(p2_buf, 0)
    b2, ca2 = scan_hist(2048, k2)
    p2lvl = t11 * 2048 + b2
    k3 = k2 - ca2

    zero_hists(1024)

    def p3_buf(buf, carry):
        @plsc.parallel_loop(0, n_slices // 4, unroll=2)
        def p3_q(q):
            for u in range(4):
                key = buf[pl.ds((q * 4 + u) * _L, _L)]
                m = lax.shift_right_arithmetic(key, 10) == p2lvl
                bin3 = key & np.int32(0x3FF)
                h = histA if u % 2 == 0 else histB
                plsc.addupdate_scatter(h, [bin3 * _L + iota], ones, mask=m)

        return carry

    stream_row(p3_buf, 0)
    b3, _ = scan_hist(1024, k3)
    thresh = p2lvl * 1024 + b3

    tv[...] = jnp.full((_L,), thresh, jnp.int32)
    pltpu.sync_copy(tv, out_hbm.at[row])


def _sc_select(keys2d, n, k, chunk):
    b = keys2d.shape[0]
    mesh = plsc.VectorSubcoreMesh(core_axis_name="c", subcore_axis_name="s")
    body = functools.partial(_sc_select_body, n, k, chunk)
    return pl.kernel(
        body,
        out_type=jax.ShapeDtypeStruct((b, _L), jnp.int32),
        mesh=mesh,
        compiler_params=pltpu.CompilerParams(needs_layout_passes=False),
        scratch_types=[
            pltpu.VMEM((2048 * _L,), jnp.int32),
            pltpu.VMEM((2048 * _L,), jnp.int32),
            pltpu.VMEM((chunk,), jnp.int32),
            pltpu.VMEM((chunk,), jnp.int32),
            pltpu.VMEM((_L,), jnp.int32),
            pltpu.SemaphoreType.DMA,
            pltpu.SemaphoreType.DMA,
        ],
    )(keys2d)


def _tc_mask_body(k, x_ref, duty_ref, bs_ref, th_ref, out_ref):
    ikey = _boosted_keys(k, x_ref, duty_ref, bs_ref)
    thresh = th_ref[0, 0, 0]
    out_ref[0] = jnp.where(ikey >= thresh, x_ref[0], jnp.float32(0.0))


@jax.jit
def kernel(x, duty_cycle, boost_strength):
    b, c, h, w = x.shape
    hw = h * w
    n = c * hw
    k = int(round(n * _PERCENT_ON))
    chunk = 6 * hw
    xr = x.reshape(b, c, hw)
    duty = duty_cycle.reshape(c, 1).astype(jnp.float32)
    bs = jnp.asarray(boost_strength, jnp.float32).reshape(1, 1)

    keys = pl.pallas_call(
        functools.partial(_tc_key_body, k),
        grid=(b,),
        in_specs=[
            pl.BlockSpec((1, c, hw), lambda i: (i, 0, 0)),
            pl.BlockSpec((c, 1), lambda i: (0, 0)),
            pl.BlockSpec((1, 1), lambda i: (0, 0)),
        ],
        out_specs=pl.BlockSpec((1, c, hw), lambda i: (i, 0, 0)),
        out_shape=jax.ShapeDtypeStruct((b, c, hw), jnp.int32),
    )(xr, duty, bs)

    thr = _sc_select(keys.reshape(b, n), n, k, chunk)

    out = pl.pallas_call(
        functools.partial(_tc_mask_body, k),
        grid=(b,),
        in_specs=[
            pl.BlockSpec((1, c, hw), lambda i: (i, 0, 0)),
            pl.BlockSpec((c, 1), lambda i: (0, 0)),
            pl.BlockSpec((1, 1), lambda i: (0, 0)),
            pl.BlockSpec((1, 1, _L), lambda i: (i, 0, 0)),
        ],
        out_specs=pl.BlockSpec((1, c, hw), lambda i: (i, 0, 0)),
        out_shape=jax.ShapeDtypeStruct((b, c, hw), jnp.float32),
    )(xr, duty, bs, thr.reshape(b, 1, _L))
    return out.reshape(b, c, h, w)

# --- scband reference (transcript-rebuilt; emitter-appended) ---
"""Pipeline reference for scband-kwinners2d-61168924230356 (READ-ONLY COPY).

The authoritative reference and input builder live on the scoring server;
editing this copy changes nothing except your own understanding.
"""

import jax, jax.numpy as jnp
import numpy as np

B, C, H, W = 32, 192, 56, 56
PERCENT_ON = 0.1
N_UNITS = C * H * W
K = int(round(N_UNITS * PERCENT_ON))


def setup_inputs(seed: int = 0) -> dict:
    key = jax.random.key(seed)
    kx, = jax.random.split(key, 1)
    x = jax.random.normal(kx, (B, C, H, W), dtype=jnp.float32)
    # Buffers from the module (initial state): duty_cycle zeros, boost_strength = 1.0
    duty_cycle = jnp.zeros((1, C, 1, 1), dtype=jnp.float32)
    boost_strength = jnp.asarray(1.0, dtype=jnp.float32)
    return {"x": x, "duty_cycle": duty_cycle, "boost_strength": boost_strength}


def reference(x, duty_cycle, boost_strength):
    # KWinners2dGlobal.forward (training path, k = round(n * percent_on)).
    batch_size = x.shape[0]
    n = x.shape[1] * x.shape[2] * x.shape[3]
    k = K
    # Boosting: boosted = x.detach() * exp((target_density - duty_cycle) * boost_strength)
    target_density = float(k) / float(n)
    boost_factors = jnp.exp((target_density - duty_cycle) * boost_strength)
    boosted = jax.lax.stop_gradient(x) * boost_factors
    flat_boosted = boosted.reshape(batch_size, -1)
    flat_x = x.reshape(batch_size, -1)
    # top-k over the flattened (C*H*W) units per sample
    _, indices = jax.lax.top_k(flat_boosted, k)
    gathered = jnp.take_along_axis(flat_x, indices, axis=1)
    res = jnp.zeros_like(flat_x)
    rows = jnp.arange(batch_size)[:, None]
    res = res.at[rows, indices].set(gathered)
    return res.reshape(x.shape)

if __name__ == "__main__":
    import jax
    _d = setup_inputs()
    print(jax.jit(kernel)(*tuple(_d.values())))

</pallas_src>

<mosaic_0001>
#map = affine_map<(d0, d1) -> (0, 0)>
module attributes {stable_mosaic.version = 14 : i64} {
  func.func @_sc_select_body(%arg0: i32, %arg1: i32, %arg2: memref<32x602112xi32, #tpu.memory_space<hbm>>, %arg3: memref<32x16xi32, #tpu.memory_space<hbm>>, %arg4: memref<32768xi32, #tpu.memory_space<vmem>>, %arg5: memref<32768xi32, #tpu.memory_space<vmem>>, %arg6: memref<18816xi32, #tpu.memory_space<vmem>>, %arg7: memref<18816xi32, #tpu.memory_space<vmem>>, %arg8: memref<16xi32, #tpu.memory_space<vmem>>, %arg9: memref<!tpu.dma_semaphore, #tpu.memory_space<semaphore_mem>>, %arg10: memref<!tpu.dma_semaphore, #tpu.memory_space<semaphore_mem>>) attributes {dimension_semantics = [#tpu.dimension_semantics<core_parallel>, #tpu.dimension_semantics<subcore_parallel>], iteration_bounds = array<i64: 2, 16>, scalar_prefetch = 0 : i64, scratch_operands = 7 : i64, tpu.core_type = #tpu.core_type<sc_vector_subcore>, window_params = [{transform_indices = #map}, {transform_indices = #map}]} {
    %mul3A = arith.constant 2 : i32
    %mul3A_0 = arith.muli %arg1, %mul3A : i32
    %add3A = arith.addi %mul3A_0, %arg0 : i32
    %iota3A = tpu.iota {dimensions = array<i32: 0>} : vector<16xi32>
    %broadcast_in_dim3A = arith.constant 1 : i32
    %broadcast_in_dim3A_1 = vector.broadcast %broadcast_in_dim3A : i32 to vector<16xi32>
    %broadcast_in_dim3A_2 = arith.constant 0 : i32
    %broadcast_in_dim3A_3 = vector.broadcast %broadcast_in_dim3A_2 : i32 to vector<16xi32>
    %scan3A = arith.constant 0 : i32
    %scan3A_4 = arith.constant 0 : i32
    %scan3A_5 = arith.constant 2048 : i32
    %scan3A_6 = arith.addi %scan3A_4, %scan3A_5 : i32
    %scan3A_7 = arith.constant 1 : i32
    %scan3A_8 = scf.for %scan3A_122 = %scan3A_4 to %scan3A_6 step %scan3A_7 iter_args(%scan3A_123 = %scan3A) -> (i32)  : i32 {
      %mul3A_124 = arith.constant 16 : i32
      %mul3A_125 = arith.muli %scan3A_122, %mul3A_124 : i32
      %swap3A_126 = arith.index_cast %mul3A_125 : i32 to index
      %swap3A_127 = tpu.vector_load %arg4[%swap3A_126] {strides = array<i32>} : memref<32768xi32, #tpu.memory_space<vmem>>, vector<16xi32>,
      tpu.vector_store %arg4[%swap3A_126], %broadcast_in_dim3A_3 {strides = array<i32>} : memref<32768xi32, #tpu.memory_space<vmem>>, vector<16xi32>,
      %mul3A_128 = arith.constant 16 : i32
      %mul3A_129 = arith.muli %scan3A_122, %mul3A_128 : i32
      %swap3A_130 = arith.index_cast %mul3A_129 : i32 to index
      %swap3A_131 = tpu.vector_load %arg5[%swap3A_130] {strides = array<i32>} : memref<32768xi32, #tpu.memory_space<vmem>>, vector<16xi32>,
      tpu.vector_store %arg5[%swap3A_130], %broadcast_in_dim3A_3 {strides = array<i32>} : memref<32768xi32, #tpu.memory_space<vmem>>, vector<16xi32>,
      %scan3A_132 = arith.constant 0 : i32
      scf.yield %scan3A_132 : i32
    }
    %scan3A_9 = arith.constant 2048 : i32
    %dma_start3A = arith.constant 0 : i32
    %dma_start3A_10 = tpu.memref_slice %arg2[%add3A, %dma_start3A] : memref<32x602112xi32, #tpu.memory_space<hbm>> -> memref<1x18816xi32, #tpu.memory_space<hbm>>
    %dma_start3A_11 = tpu.memref_squeeze %dma_start3A_10 : memref<1x18816xi32, #tpu.memory_space<hbm>> -> memref<18816xi32, #tpu.memory_space<hbm>>
    %dma_start3A_12 = arith.constant 0 : i32
    %dma_start3A_13 = tpu.memref_slice %arg2[%add3A, %dma_start3A_12] : memref<32x602112xi32, #tpu.memory_space<hbm>> -> memref<1x18816xi32, #tpu.memory_space<hbm>>
    %dma_start3A_14 = tpu.memref_squeeze %dma_start3A_13 : memref<1x18816xi32, #tpu.memory_space<hbm>> -> memref<18816xi32, #tpu.memory_space<hbm>>
    tpu.enqueue_dma source(%dma_start3A_14 : memref<18816xi32, #tpu.memory_space<hbm>>) target(%arg6 : memref<18816xi32, #tpu.memory_space<vmem>>) target_semaphore(%arg9 : memref<!tpu.dma_semaphore, #tpu.memory_space<semaphore_mem>>)
    %scan3A_15 = arith.constant 0 : i32
    %scan3A_16 = arith.constant 0 : i32
    %scan3A_17 = arith.constant 16 : i32
    %scan3A_18 = arith.addi %scan3A_16, %scan3A_17 : i32
    %scan3A_19 = arith.constant 1 : i32
    scf.for %scan3A_122 = %scan3A_16 to %scan3A_18 step %scan3A_19  : i32 {
      %mul3A_123 = arith.constant 2 : i32
      %mul3A_124 = arith.muli %scan3A_122, %mul3A_123 : i32
      %add3A_125 = arith.constant 1 : i32
      %add3A_126 = arith.addi %mul3A_124, %add3A_125 : i32
      %mul3A_127 = arith.constant 18816 : i32
      %mul3A_128 = arith.muli %add3A_126, %mul3A_127 : i32
      %dma_start3A_129 = tpu.memref_slice %arg2[%add3A, %mul3A_128] : memref<32x602112xi32, #tpu.memory_space<hbm>> -> memref<1x18816xi32, #tpu.memory_space<hbm>>
      %dma_start3A_130 = tpu.memref_squeeze %dma_start3A_129 : memref<1x18816xi32, #tpu.memory_space<hbm>> -> memref<18816xi32, #tpu.memory_space<hbm>>
      %dma_start3A_131 = tpu.memref_slice %arg2[%add3A, %mul3A_128] : memref<32x602112xi32, #tpu.memory_space<hbm>> -> memref<1x18816xi32, #tpu.memory_space<hbm>>
      %dma_start3A_132 = tpu.memref_squeeze %dma_start3A_131 : memref<1x18816xi32, #tpu.memory_space<hbm>> -> memref<18816xi32, #tpu.memory_space<hbm>>
      tpu.enqueue_dma source(%dma_start3A_132 : memref<18816xi32, #tpu.memory_space<hbm>>) target(%arg7 : memref<18816xi32, #tpu.memory_space<vmem>>) target_semaphore(%arg10 : memref<!tpu.dma_semaphore, #tpu.memory_space<semaphore_mem>>)
      %dma_wait3A = arith.constant 0 : i32
      %dma_wait3A_133 = tpu.memref_slice %arg2[%add3A, %dma_wait3A] : memref<32x602112xi32, #tpu.memory_space<hbm>> -> memref<1x18816xi32, #tpu.memory_space<hbm>>
      %dma_wait3A_134 = tpu.memref_squeeze %dma_wait3A_133 : memref<1x18816xi32, #tpu.memory_space<hbm>> -> memref<18816xi32, #tpu.memory_space<hbm>>
      %dma_wait3A_135 = arith.constant 0 : i32
      %dma_wait3A_136 = tpu.memref_slice %arg2[%add3A, %dma_wait3A_135] : memref<32x602112xi32, #tpu.memory_space<hbm>> -> memref<1x18816xi32, #tpu.memory_space<hbm>>
      %dma_wait3A_137 = tpu.memref_squeeze %dma_wait3A_136 : memref<1x18816xi32, #tpu.memory_space<hbm>> -> memref<18816xi32, #tpu.memory_space<hbm>>
      tpu.wait_dma2 semaphore(%arg9 : memref<!tpu.dma_semaphore, #tpu.memory_space<semaphore_mem>>) src(%dma_wait3A_137 : memref<18816xi32, #tpu.memory_space<hbm>>) dst(%arg6 : memref<18816xi32, #tpu.memory_space<vmem>>)
      %parallel_loop3A = arith.constant 0 : i32
      %parallel_loop3A_138 = arith.constant 294 : i32
      %parallel_loop3A_139 = arith.constant 1 : i32
      scf.for %parallel_loop3A_153 = %parallel_loop3A to %parallel_loop3A_138 step %parallel_loop3A_139  : i32 {
        %parallel_loop3A_154 = arith.constant 4 : i32
        %parallel_loop3A_155 = arith.muli %parallel_loop3A_153, %parallel_loop3A_154 : i32
        %parallel_loop3A_156 = arith.constant 0 : i32
        %parallel_loop3A_157 = arith.addi %parallel_loop3A_155, %parallel_loop3A_156 : i32
        %parallel_loop3A_158 = arith.constant 16 : i32
        %parallel_loop3A_159 = arith.muli %parallel_loop3A_157, %parallel_loop3A_158 : i32
        %parallel_loop3A_160 = arith.index_cast %parallel_loop3A_159 : i32 to index
        %parallel_loop3A_161 = tpu.vector_load %arg6[%parallel_loop3A_160] {strides = array<i32>} : memref<18816xi32, #tpu.memory_space<vmem>>, vector<16xi32>,
        %parallel_loop3A_162 = arith.constant 21 : i32
        %parallel_loop3A_163 = vector.broadcast %parallel_loop3A_162 : i32 to vector<16xi32>
        %parallel_loop3A_164 = arith.shrsi %parallel_loop3A_161, %parallel_loop3A_163 : vector<16xi32>
        %parallel_loop3A_165 = arith.constant 1024 : i32
        %parallel_loop3A_166 = vector.broadcast %parallel_loop3A_165 : i32 to vector<16xi32>
        %parallel_loop3A_167 = arith.addi %parallel_loop3A_164, %parallel_loop3A_166 : vector<16xi32>
        %parallel_loop3A_168 = arith.constant 16 : i32
        %parallel_loop3A_169 = vector.broadcast %parallel_loop3A_168 : i32 to vector<16xi32>
        %parallel_loop3A_170 = arith.muli %parallel_loop3A_167, %parallel_loop3A_169 : vector<16xi32>
        %parallel_loop3A_171 = arith.addi %parallel_loop3A_170, %iota3A : vector<16xi32>
        tpu.vector_store_idx %arg4[%parallel_loop3A_171], %broadcast_in_dim3A_1 {add = true} : memref<32768xi32, #tpu.memory_space<vmem>>[vector<16xi32>], vector<16xi32>,
        %parallel_loop3A_172 = arith.constant 4 : i32
        %parallel_loop3A_173 = arith.muli %parallel_loop3A_153, %parallel_loop3A_172 : i32
        %parallel_loop3A_174 = arith.constant 1 : i32
        %parallel_loop3A_175 = arith.addi %parallel_loop3A_173, %parallel_loop3A_174 : i32
        %parallel_loop3A_176 = arith.constant 16 : i32
        %parallel_loop3A_177 = arith.muli %parallel_loop3A_175, %parallel_loop3A_176 : i32
        %parallel_loop3A_178 = arith.index_cast %parallel_loop3A_177 : i32 to index
        %parallel_loop3A_179 = tpu.vector_load %arg6[%parallel_loop3A_178] {strides = array<i32>} : memref<18816xi32, #tpu.memory_space<vmem>>, vector<16xi32>,
        %parallel_loop3A_180 = arith.constant 21 : i32
        %parallel_loop3A_181 = vector.broadcast %parallel_loop3A_180 : i32 to vector<16xi32>
        %parallel_loop3A_182 = arith.shrsi %parallel_loop3A_179, %parallel_loop3A_181 : vector<16xi32>
        %parallel_loop3A_183 = arith.constant 1024 : i32
        %parallel_loop3A_184 = vector.broadcast %parallel_loop3A_183 : i32 to vector<16xi32>
        %parallel_loop3A_185 = arith.addi %parallel_loop3A_182, %parallel_loop3A_184 : vector<16xi32>
        %parallel_loop3A_186 = arith.constant 16 : i32
        %parallel_loop3A_187 = vector.broadcast %parallel_loop3A_186 : i32 to vector<16xi32>
        %parallel_loop3A_188 = arith.muli %parallel_loop3A_185, %parallel_loop3A_187 : vector<16xi32>
        %parallel_loop3A_189 = arith.addi %parallel_loop3A_188, %iota3A : vector<16xi32>
        tpu.vector_store_idx %arg5[%parallel_loop3A_189], %broadcast_in_dim3A_1 {add = true} : memref<32768xi32, #tpu.memory_space<vmem>>[vector<16xi32>], vector<16xi32>,
        %parallel_loop3A_190 = arith.constant 4 : i32
        %parallel_loop3A_191 = arith.muli %parallel_loop3A_153, %parallel_loop3A_190 : i32
        %parallel_loop3A_192 = arith.constant 2 : i32
        %parallel_loop3A_193 = arith.addi %parallel_loop3A_191, %parallel_loop3A_192 : i32
        %parallel_loop3A_194 = arith.constant 16 : i32
        %parallel_loop3A_195 = arith.muli %parallel_loop3A_193, %parallel_loop3A_194 : i32
        %parallel_loop3A_196 = arith.index_cast %parallel_loop3A_195 : i32 to index
        %parallel_loop3A_197 = tpu.vector_load %arg6[%parallel_loop3A_196] {strides = array<i32>} : memref<18816xi32, #tpu.memory_space<vmem>>, vector<16xi32>,
        %parallel_loop3A_198 = arith.constant 21 : i32
        %parallel_loop3A_199 = vector.broadcast %parallel_loop3A_198 : i32 to vector<16xi32>
        %parallel_loop3A_200 = arith.shrsi %parallel_loop3A_197, %parallel_loop3A_199 : vector<16xi32>
        %parallel_loop3A_201 = arith.constant 1024 : i32
        %parallel_loop3A_202 = vector.broadcast %parallel_loop3A_201 : i32 to vector<16xi32>
        %parallel_loop3A_203 = arith.addi %parallel_loop3A_200, %parallel_loop3A_202 : vector<16xi32>
        %parallel_loop3A_204 = arith.constant 16 : i32
        %parallel_loop3A_205 = vector.broadcast %parallel_loop3A_204 : i32 to vector<16xi32>
        %parallel_loop3A_206 = arith.muli %parallel_loop3A_203, %parallel_loop3A_205 : vector<16xi32>
        %parallel_loop3A_207 = arith.addi %parallel_loop3A_206, %iota3A : vector<16xi32>
        tpu.vector_store_idx %arg4[%parallel_loop3A_207], %broadcast_in_dim3A_1 {add = true} : memref<32768xi32, #tpu.memory_space<vmem>>[vector<16xi32>], vector<16xi32>,
        %parallel_loop3A_208 = arith.constant 4 : i32
        %parallel_loop3A_209 = arith.muli %parallel_loop3A_153, %parallel_loop3A_208 : i32
        %parallel_loop3A_210 = arith.constant 3 : i32
        %parallel_loop3A_211 = arith.addi %parallel_loop3A_209, %parallel_loop3A_210 : i32
        %parallel_loop3A_212 = arith.constant 16 : i32
        %parallel_loop3A_213 = arith.muli %parallel_loop3A_211, %parallel_loop3A_212 : i32
        %parallel_loop3A_214 = arith.index_cast %parallel_loop3A_213 : i32 to index
        %parallel_loop3A_215 = tpu.vector_load %arg6[%parallel_loop3A_214] {strides = array<i32>} : memref<18816xi32, #tpu.memory_space<vmem>>, vector<16xi32>,
        %parallel_loop3A_216 = arith.constant 21 : i32
        %parallel_loop3A_217 = vector.broadcast %parallel_loop3A_216 : i32 to vector<16xi32>
        %parallel_loop3A_218 = arith.shrsi %parallel_loop3A_215, %parallel_loop3A_217 : vector<16xi32>
        %parallel_loop3A_219 = arith.constant 1024 : i32
        %parallel_loop3A_220 = vector.broadcast %parallel_loop3A_219 : i32 to vector<16xi32>
        %parallel_loop3A_221 = arith.addi %parallel_loop3A_218, %parallel_loop3A_220 : vector<16xi32>
        %parallel_loop3A_222 = arith.constant 16 : i32
        %parallel_loop3A_223 = vector.broadcast %parallel_loop3A_222 : i32 to vector<16xi32>
        %parallel_loop3A_224 = arith.muli %parallel_loop3A_221, %parallel_loop3A_223 : vector<16xi32>
        %parallel_loop3A_225 = arith.addi %parallel_loop3A_224, %iota3A : vector<16xi32>
        tpu.vector_store_idx %arg5[%parallel_loop3A_225], %broadcast_in_dim3A_1 {add = true} : memref<32768xi32, #tpu.memory_space<vmem>>[vector<16xi32>], vector<16xi32>,
      } {sc.loop_unroll_factor = 2 : i64, sc.parallel_access}
      %add3A_140 = arith.constant 2 : i32
      %add3A_141 = arith.addi %mul3A_124, %add3A_140 : i32
      %lt3A = arith.constant 32 : i32
      %lt3A_142 = arith.cmpi slt, %add3A_141, %lt3A : i32
      %convert_element_type3A = arith.extui %lt3A_142 : i1 to i32
      %cond3A = arith.constant 0 : i32
      %cond3A_143 = arith.cmpi ne, %convert_element_type3A, %cond3A : i32
      scf.if %cond3A_143 {
        %add3A_153 = arith.constant 2 : i32
        %add3A_154 = arith.addi %mul3A_124, %add3A_153 : i32
        %mul3A_155 = arith.constant 18816 : i32
        %mul3A_156 = arith.muli %add3A_154, %mul3A_155 : i32
        %dma_start3A_157 = tpu.memref_slice %arg2[%add3A, %mul3A_156] : memref<32x602112xi32, #tpu.memory_space<hbm>> -> memref<1x18816xi32, #tpu.memory_space<hbm>>
        %dma_start3A_158 = tpu.memref_squeeze %dma_start3A_157 : memref<1x18816xi32, #tpu.memory_space<hbm>> -> memref<18816xi32, #tpu.memory_space<hbm>>
        %dma_start3A_159 = tpu.memref_slice %arg2[%add3A, %mul3A_156] : memref<32x602112xi32, #tpu.memory_space<hbm>> -> memref<1x18816xi32, #tpu.memory_space<hbm>>
        %dma_start3A_160 = tpu.memref_squeeze %dma_start3A_159 : memref<1x18816xi32, #tpu.memory_space<hbm>> -> memref<18816xi32, #tpu.memory_space<hbm>>
        tpu.enqueue_dma source(%dma_start3A_160 : memref<18816xi32, #tpu.memory_space<hbm>>) target(%arg6 : memref<18816xi32, #tpu.memory_space<vmem>>) target_semaphore(%arg9 : memref<!tpu.dma_semaphore, #tpu.memory_space<semaphore_mem>>)
      } else {
      }
      %dma_wait3A_144 = arith.constant 0 : i32
      %dma_wait3A_145 = tpu.memref_slice %arg2[%add3A, %dma_wait3A_144] : memref<32x602112xi32, #tpu.memory_space<hbm>> -> memref<1x18816xi32, #tpu.memory_space<hbm>>
      %dma_wait3A_146 = tpu.memref_squeeze %dma_wait3A_145 : memref<1x18816xi32, #tpu.memory_space<hbm>> -> memref<18816xi32, #tpu.memory_space<hbm>>
      %dma_wait3A_147 = arith.constant 0 : i32
      %dma_wait3A_148 = tpu.memref_slice %arg2[%add3A, %dma_wait3A_147] : memref<32x602112xi32, #tpu.memory_space<hbm>> -> memref<1x18816xi32, #tpu.memory_space<hbm>>
      %dma_wait3A_149 = tpu.memref_squeeze %dma_wait3A_148 : memref<1x18816xi32, #tpu.memory_space<hbm>> -> memref<18816xi32, #tpu.memory_space<hbm>>
      tpu.wait_dma2 semaphore(%arg10 : memref<!tpu.dma_semaphore, #tpu.memory_space<semaphore_mem>>) src(%dma_wait3A_149 : memref<18816xi32, #tpu.memory_space<hbm>>) dst(%arg7 : memref<18816xi32, #tpu.memory_space<vmem>>)
      %parallel_loop3A_150 = arith.constant 0 : i32
      %parallel_loop3A_151 = arith.constant 294 : i32
      %parallel_loop3A_152 = arith.constant 1 : i32
      scf.for %parallel_loop3A_153 = %parallel_loop3A_150 to %parallel_loop3A_151 step %parallel_loop3A_152  : i32 {
        %parallel_loop3A_154 = arith.constant 4 : i32
        %parallel_loop3A_155 = arith.muli %parallel_loop3A_153, %parallel_loop3A_154 : i32
        %parallel_loop3A_156 = arith.constant 0 : i32
        %parallel_loop3A_157 = arith.addi %parallel_loop3A_155, %parallel_loop3A_156 : i32
        %parallel_loop3A_158 = arith.constant 16 : i32
        %parallel_loop3A_159 = arith.muli %parallel_loop3A_157, %parallel_loop3A_158 : i32
        %parallel_loop3A_160 = arith.index_cast %parallel_loop3A_159 : i32 to index
        %parallel_loop3A_161 = tpu.vector_load %arg7[%parallel_loop3A_160] {strides = array<i32>} : memref<18816xi32, #tpu.memory_space<vmem>>, vector<16xi32>,
        %parallel_loop3A_162 = arith.constant 21 : i32
        %parallel_loop3A_163 = vector.broadcast %parallel_loop3A_162 : i32 to vector<16xi32>
        %parallel_loop3A_164 = arith.shrsi %parallel_loop3A_161, %parallel_loop3A_163 : vector<16xi32>
        %parallel_loop3A_165 = arith.constant 1024 : i32
        %parallel_loop3A_166 = vector.broadcast %parallel_loop3A_165 : i32 to vector<16xi32>
        %parallel_loop3A_167 = arith.addi %parallel_loop3A_164, %parallel_loop3A_166 : vector<16xi32>
        %parallel_loop3A_168 = arith.constant 16 : i32
        %parallel_loop3A_169 = vector.broadcast %parallel_loop3A_168 : i32 to vector<16xi32>
        %parallel_loop3A_170 = arith.muli %parallel_loop3A_167, %parallel_loop3A_169 : vector<16xi32>
        %parallel_loop3A_171 = arith.addi %parallel_loop3A_170, %iota3A : vector<16xi32>
        tpu.vector_store_idx %arg4[%parallel_loop3A_171], %broadcast_in_dim3A_1 {add = true} : memref<32768xi32, #tpu.memory_space<vmem>>[vector<16xi32>], vector<16xi32>,
        %parallel_loop3A_172 = arith.constant 4 : i32
        %parallel_loop3A_173 = arith.muli %parallel_loop3A_153, %parallel_loop3A_172 : i32
        %parallel_loop3A_174 = arith.constant 1 : i32
        %parallel_loop3A_175 = arith.addi %parallel_loop3A_173, %parallel_loop3A_174 : i32
        %parallel_loop3A_176 = arith.constant 16 : i32
        %parallel_loop3A_177 = arith.muli %parallel_loop3A_175, %parallel_loop3A_176 : i32
        %parallel_loop3A_178 = arith.index_cast %parallel_loop3A_177 : i32 to index
        %parallel_loop3A_179 = tpu.vector_load %arg7[%parallel_loop3A_178] {strides = array<i32>} : memref<18816xi32, #tpu.memory_space<vmem>>, vector<16xi32>,
        %parallel_loop3A_180 = arith.constant 21 : i32
        %parallel_loop3A_181 = vector.broadcast %parallel_loop3A_180 : i32 to vector<16xi32>
        %parallel_loop3A_182 = arith.shrsi %parallel_loop3A_179, %parallel_loop3A_181 : vector<16xi32>
        %parallel_loop3A_183 = arith.constant 1024 : i32
        %parallel_loop3A_184 = vector.broadcast %parallel_loop3A_183 : i32 to vector<16xi32>
        %parallel_loop3A_185 = arith.addi %parallel_loop3A_182, %parallel_loop3A_184 : vector<16xi32>
        %parallel_loop3A_186 = arith.constant 16 : i32
        %parallel_loop3A_187 = vector.broadcast %parallel_loop3A_186 : i32 to vector<16xi32>
        %parallel_loop3A_188 = arith.muli %parallel_loop3A_185, %parallel_loop3A_187 : vector<16xi32>
        %parallel_loop3A_189 = arith.addi %parallel_loop3A_188, %iota3A : vector<16xi32>
        tpu.vector_store_idx %arg5[%parallel_loop3A_189], %broadcast_in_dim3A_1 {add = true} : memref<32768xi32, #tpu.memory_space<vmem>>[vector<16xi32>], vector<16xi32>,
        %parallel_loop3A_190 = arith.constant 4 : i32
        %parallel_loop3A_191 = arith.muli %parallel_loop3A_153, %parallel_loop3A_190 : i32
        %parallel_loop3A_192 = arith.constant 2 : i32
        %parallel_loop3A_193 = arith.addi %parallel_loop3A_191, %parallel_loop3A_192 : i32
        %parallel_loop3A_194 = arith.constant 16 : i32
        %parallel_loop3A_195 = arith.muli %parallel_loop3A_193, %parallel_loop3A_194 : i32
        %parallel_loop3A_196 = arith.index_cast %parallel_loop3A_195 : i32 to index
        %parallel_loop3A_197 = tpu.vector_load %arg7[%parallel_loop3A_196] {strides = array<i32>} : memref<18816xi32, #tpu.memory_space<vmem>>, vector<16xi32>,
        %parallel_loop3A_198 = arith.constant 21 : i32
        %parallel_loop3A_199 = vector.broadcast %parallel_loop3A_198 : i32 to vector<16xi32>
        %parallel_loop3A_200 = arith.shrsi %parallel_loop3A_197, %parallel_loop3A_199 : vector<16xi32>
        %parallel_loop3A_201 = arith.constant 1024 : i32
        %parallel_loop3A_202 = vector.broadcast %parallel_loop3A_201 : i32 to vector<16xi32>
        %parallel_loop3A_203 = arith.addi %parallel_loop3A_200, %parallel_loop3A_202 : vector<16xi32>
        %parallel_loop3A_204 = arith.constant 16 : i32
        %parallel_loop3A_205 = vector.broadcast %parallel_loop3A_204 : i32 to vector<16xi32>
        %parallel_loop3A_206 = arith.muli %parallel_loop3A_203, %parallel_loop3A_205 : vector<16xi32>
        %parallel_loop3A_207 = arith.addi %parallel_loop3A_206, %iota3A : vector<16xi32>
        tpu.vector_store_idx %arg4[%parallel_loop3A_207], %broadcast_in_dim3A_1 {add = true} : memref<32768xi32, #tpu.memory_space<vmem>>[vector<16xi32>], vector<16xi32>,
        %parallel_loop3A_208 = arith.constant 4 : i32
        %parallel_loop3A_209 = arith.muli %parallel_loop3A_153, %parallel_loop3A_208 : i32
        %parallel_loop3A_210 = arith.constant 3 : i32
        %parallel_loop3A_211 = arith.addi %parallel_loop3A_209, %parallel_loop3A_210 : i32
        %parallel_loop3A_212 = arith.constant 16 : i32
        %parallel_loop3A_213 = arith.muli %parallel_loop3A_211, %parallel_loop3A_212 : i32
        %parallel_loop3A_214 = arith.index_cast %parallel_loop3A_213 : i32 to index
        %parallel_loop3A_215 = tpu.vector_load %arg7[%parallel_loop3A_214] {strides = array<i32>} : memref<18816xi32, #tpu.memory_space<vmem>>, vector<16xi32>,
        %parallel_loop3A_216 = arith.constant 21 : i32
        %parallel_loop3A_217 = vector.broadcast %parallel_loop3A_216 : i32 to vector<16xi32>
        %parallel_loop3A_218 = arith.shrsi %parallel_loop3A_215, %parallel_loop3A_217 : vector<16xi32>
        %parallel_loop3A_219 = arith.constant 1024 : i32
        %parallel_loop3A_220 = vector.broadcast %parallel_loop3A_219 : i32 to vector<16xi32>
        %parallel_loop3A_221 = arith.addi %parallel_loop3A_218, %parallel_loop3A_220 : vector<16xi32>
        %parallel_loop3A_222 = arith.constant 16 : i32
        %parallel_loop3A_223 = vector.broadcast %parallel_loop3A_222 : i32 to vector<16xi32>
        %parallel_loop3A_224 = arith.muli %parallel_loop3A_221, %parallel_loop3A_223 : vector<16xi32>
        %parallel_loop3A_225 = arith.addi %parallel_loop3A_224, %iota3A : vector<16xi32>
        tpu.vector_store_idx %arg5[%parallel_loop3A_225], %broadcast_in_dim3A_1 {add = true} : memref<32768xi32, #tpu.memory_space<vmem>>[vector<16xi32>], vector<16xi32>,
      } {sc.loop_unroll_factor = 2 : i64, sc.parallel_access}
    }
    %scan3A_20 = arith.constant 16 : i32
    %scan3A_21 = arith.constant 0 : i32
    %scan3A_22 = arith.constant 0 : i32
    %scan3A_23 = arith.constant 0 : i32
    %scan3A_24 = arith.constant 0 : i32
    %scan3A_25 = arith.constant 128 : i32
    %scan3A_26 = arith.addi %scan3A_24, %scan3A_25 : i32
    %scan3A_27 = arith.constant 1 : i32
    %scan3A_28:3 = scf.for %scan3A_122 = %scan3A_24 to %scan3A_26 step %scan3A_27 iter_args(%scan3A_123 = %scan3A_21, %scan3A_124 = %scan3A_22, %scan3A_125 = %scan3A_23) -> (i32, i32, i32)  : i32 {
      %sub3A_126 = arith.constant 127 : i32
      %sub3A_127 = arith.subi %sub3A_126, %scan3A_122 : i32
      %mul3A_128 = arith.constant 16 : i32
      %mul3A_129 = arith.muli %sub3A_127, %mul3A_128 : i32
      %mul3A_130 = arith.constant 16 : i32
      %mul3A_131 = arith.muli %mul3A_129, %mul3A_130 : i32
      %get3A = arith.index_cast %mul3A_131 : i32 to index
      %get3A_132 = tpu.vector_load %arg4[%get3A] {strides = array<i32>} : memref<32768xi32, #tpu.memory_space<vmem>>, vector<16xi32>,
      %mul3A_133 = arith.constant 16 : i32
      %mul3A_134 = arith.muli %sub3A_127, %mul3A_133 : i32
      %mul3A_135 = arith.constant 16 : i32
      %mul3A_136 = arith.muli %mul3A_134, %mul3A_135 : i32
      %get3A_137 = arith.index_cast %mul3A_136 : i32 to index
      %get3A_138 = tpu.vector_load %arg5[%get3A_137] {strides = array<i32>} : memref<32768xi32, #tpu.memory_space<vmem>>, vector<16xi32>,
      %add3A_139 = arith.addi %get3A_132, %get3A_138 : vector<16xi32>
      %mul3A_140 = arith.constant 16 : i32
      %mul3A_141 = arith.muli %sub3A_127, %mul3A_140 : i32
      %add3A_142 = arith.constant 1 : i32
      %add3A_143 = arith.addi %mul3A_141, %add3A_142 : i32
      %mul3A_144 = arith.constant 16 : i32
      %mul3A_145 = arith.muli %add3A_143, %mul3A_144 : i32
      %get3A_146 = arith.index_cast %mul3A_145 : i32 to index
      %get3A_147 = tpu.vector_load %arg4[%get3A_146] {strides = array<i32>} : memref<32768xi32, #tpu.memory_space<vmem>>, vector<16xi32>,
      %add3A_148 = arith.addi %add3A_139, %get3A_147 : vector<16xi32>
      %get3A_149 = arith.index_cast %mul3A_145 : i32 to index
      %get3A_150 = tpu.vector_load %arg5[%get3A_149] {strides = array<i32>} : memref<32768xi32, #tpu.memory_space<vmem>>, vector<16xi32>,
      %add3A_151 = arith.addi %add3A_148, %get3A_150 : vector<16xi32>
      %mul3A_152 = arith.constant 16 : i32
      %mul3A_153 = arith.muli %sub3A_127, %mul3A_152 : i32
      %add3A_154 = arith.constant 2 : i32
      %add3A_155 = arith.addi %mul3A_153, %add3A_154 : i32
      %mul3A_156 = arith.constant 16 : i32
      %mul3A_157 = arith.muli %add3A_155, %mul3A_156 : i32
      %get3A_158 = arith.index_cast %mul3A_157 : i32 to index
      %get3A_159 = tpu.vector_load %arg4[%get3A_158] {strides = array<i32>} : memref<32768xi32, #tpu.memory_space<vmem>>, vector<16xi32>,
      %add3A_160 = arith.addi %add3A_151, %get3A_159 : vector<16xi32>
      %get3A_161 = arith.index_cast %mul3A_157 : i32 to index
      %get3A_162 = tpu.vector_load %arg5[%get3A_161] {strides = array<i32>} : memref<32768xi32, #tpu.memory_space<vmem>>, vector<16xi32>,
      %add3A_163 = arith.addi %add3A_160, %get3A_162 : vector<16xi32>
      %mul3A_164 = arith.constant 16 : i32
      %mul3A_165 = arith.muli %sub3A_127, %mul3A_164 : i32
      %add3A_166 = arith.constant 3 : i32
      %add3A_167 = arith.addi %mul3A_165, %add3A_166 : i32
      %mul3A_168 = arith.constant 16 : i32
      %mul3A_169 = arith.muli %add3A_167, %mul3A_168 : i32
      %get3A_170 = arith.index_cast %mul3A_169 : i32 to index
      %get3A_171 = tpu.vector_load %arg4[%get3A_170] {strides = array<i32>} : memref<32768xi32, #tpu.memory_space<vmem>>, vector<16xi32>,
      %add3A_172 = arith.addi %add3A_163, %get3A_171 : vector<16xi32>
      %get3A_173 = arith.index_cast %mul3A_169 : i32 to index
      %get3A_174 = tpu.vector_load %arg5[%get3A_173] {strides = array<i32>} : memref<32768xi32, #tpu.memory_space<vmem>>, vector<16xi32>,
      %add3A_175 = arith.addi %add3A_172, %get3A_174 : vector<16xi32>
      %mul3A_176 = arith.constant 16 : i32
      %mul3A_177 = arith.muli %sub3A_127, %mul3A_176 : i32
      %add3A_178 = arith.constant 4 : i32
      %add3A_179 = arith.addi %mul3A_177, %add3A_178 : i32
      %mul3A_180 = arith.constant 16 : i32
      %mul3A_181 = arith.muli %add3A_179, %mul3A_180 : i32
      %get3A_182 = arith.index_cast %mul3A_181 : i32 to index
      %get3A_183 = tpu.vector_load %arg4[%get3A_182] {strides = array<i32>} : memref<32768xi32, #tpu.memory_space<vmem>>, vector<16xi32>,
      %add3A_184 = arith.addi %add3A_175, %get3A_183 : vector<16xi32>
      %get3A_185 = arith.index_cast %mul3A_181 : i32 to index
      %get3A_186 = tpu.vector_load %arg5[%get3A_185] {strides = array<i32>} : memref<32768xi32, #tpu.memory_space<vmem>>, vector<16xi32>,
      %add3A_187 = arith.addi %add3A_184, %get3A_186 : vector<16xi32>
      %mul3A_188 = arith.constant 16 : i32
      %mul3A_189 = arith.muli %sub3A_127, %mul3A_188 : i32
      %add3A_190 = arith.constant 5 : i32
      %add3A_191 = arith.addi %mul3A_189, %add3A_190 : i32
      %mul3A_192 = arith.constant 16 : i32
      %mul3A_193 = arith.muli %add3A_191, %mul3A_192 : i32
      %get3A_194 = arith.index_cast %mul3A_193 : i32 to index
      %get3A_195 = tpu.vector_load %arg4[%get3A_194] {strides = array<i32>} : memref<32768xi32, #tpu.memory_space<vmem>>, vector<16xi32>,
      %add3A_196 = arith.addi %add3A_187, %get3A_195 : vector<16xi32>
      %get3A_197 = arith.index_cast %mul3A_193 : i32 to index
      %get3A_198 = tpu.vector_load %arg5[%get3A_197] {strides = array<i32>} : memref<32768xi32, #tpu.memory_space<vmem>>, vector<16xi32>,
      %add3A_199 = arith.addi %add3A_196, %get3A_198 : vector<16xi32>
      %mul3A_200 = arith.constant 16 : i32
      %mul3A_201 = arith.muli %sub3A_127, %mul3A_200 : i32
      %add3A_202 = arith.constant 6 : i32
      %add3A_203 = arith.addi %mul3A_201, %add3A_202 : i32
      %mul3A_204 = arith.constant 16 : i32
      %mul3A_205 = arith.muli %add3A_203, %mul3A_204 : i32
      %get3A_206 = arith.index_cast %mul3A_205 : i32 to index
      %get3A_207 = tpu.vector_load %arg4[%get3A_206] {strides = array<i32>} : memref<32768xi32, #tpu.memory_space<vmem>>, vector<16xi32>,
      %add3A_208 = arith.addi %add3A_199, %get3A_207 : vector<16xi32>
      %get3A_209 = arith.index_cast %mul3A_205 : i32 to index
      %get3A_210 = tpu.vector_load %arg5[%get3A_209] {strides = array<i32>} : memref<32768xi32, #tpu.memory_space<vmem>>, vector<16xi32>,
      %add3A_211 = arith.addi %add3A_208, %get3A_210 : vector<16xi32>
      %mul3A_212 = arith.constant 16 : i32
      %mul3A_213 = arith.muli %sub3A_127, %mul3A_212 : i32
      %add3A_214 = arith.constant 7 : i32
      %add3A_215 = arith.addi %mul3A_213, %add3A_214 : i32
      %mul3A_216 = arith.constant 16 : i32
      %mul3A_217 = arith.muli %add3A_215, %mul3A_216 : i32
      %get3A_218 = arith.index_cast %mul3A_217 : i32 to index
      %get3A_219 = tpu.vector_load %arg4[%get3A_218] {strides = array<i32>} : memref<32768xi32, #tpu.memory_space<vmem>>, vector<16xi32>,
      %add3A_220 = arith.addi %add3A_211, %get3A_219 : vector<16xi32>
      %get3A_221 = arith.index_cast %mul3A_217 : i32 to index
      %get3A_222 = tpu.vector_load %arg5[%get3A_221] {strides = array<i32>} : memref<32768xi32, #tpu.memory_space<vmem>>, vector<16xi32>,
      %add3A_223 = arith.addi %add3A_220, %get3A_222 : vector<16xi32>
      %mul3A_224 = arith.constant 16 : i32
      %mul3A_225 = arith.muli %sub3A_127, %mul3A_224 : i32
      %add3A_226 = arith.constant 8 : i32
      %add3A_227 = arith.addi %mul3A_225, %add3A_226 : i32
      %mul3A_228 = arith.constant 16 : i32
      %mul3A_229 = arith.muli %add3A_227, %mul3A_228 : i32
      %get3A_230 = arith.index_cast %mul3A_229 : i32 to index
      %get3A_231 = tpu.vector_load %arg4[%get3A_230] {strides = array<i32>} : memref<32768xi32, #tpu.memory_space<vmem>>, vector<16xi32>,
      %add3A_232 = arith.addi %add3A_223, %get3A_231 : vector<16xi32>
      %get3A_233 = arith.index_cast %mul3A_229 : i32 to index
      %get3A_234 = tpu.vector_load %arg5[%get3A_233] {strides = array<i32>} : memref<32768xi32, #tpu.memory_space<vmem>>, vector<16xi32>,
      %add3A_235 = arith.addi %add3A_232, %get3A_234 : vector<16xi32>
      %mul3A_236 = arith.constant 16 : i32
      %mul3A_237 = arith.muli %sub3A_127, %mul3A_236 : i32
      %add3A_238 = arith.constant 9 : i32
      %add3A_239 = arith.addi %mul3A_237, %add3A_238 : i32
      %mul3A_240 = arith.constant 16 : i32
      %mul3A_241 = arith.muli %add3A_239, %mul3A_240 : i32
      %get3A_242 = arith.index_cast %mul3A_241 : i32 to index
      %get3A_243 = tpu.vector_load %arg4[%get3A_242] {strides = array<i32>} : memref<32768xi32, #tpu.memory_space<vmem>>, vector<16xi32>,
      %add3A_244 = arith.addi %add3A_235, %get3A_243 : vector<16xi32>
      %get3A_245 = arith.index_cast %mul3A_241 : i32 to index
      %get3A_246 = tpu.vector_load %arg5[%get3A_245] {strides = array<i32>} : memref<32768xi32, #tpu.memory_space<vmem>>, vector<16xi32>,
      %add3A_247 = arith.addi %add3A_244, %get3A_246 : vector<16xi32>
      %mul3A_248 = arith.constant 16 : i32
      %mul3A_249 = arith.muli %sub3A_127, %mul3A_248 : i32
      %add3A_250 = arith.constant 10 : i32
      %add3A_251 = arith.addi %mul3A_249, %add3A_250 : i32
      %mul3A_252 = arith.constant 16 : i32
      %mul3A_253 = arith.muli %add3A_251, %mul3A_252 : i32
      %get3A_254 = arith.index_cast %mul3A_253 : i32 to index
      %get3A_255 = tpu.vector_load %arg4[%get3A_254] {strides = array<i32>} : memref<32768xi32, #tpu.memory_space<vmem>>, vector<16xi32>,
      %add3A_256 = arith.addi %add3A_247, %get3A_255 : vector<16xi32>
      %get3A_257 = arith.index_cast %mul3A_253 : i32 to index
      %get3A_258 = tpu.vector_load %arg5[%get3A_257] {strides = array<i32>} : memref<32768xi32, #tpu.memory_space<vmem>>, vector<16xi32>,
      %add3A_259 = arith.addi %add3A_256, %get3A_258 : vector<16xi32>
      %mul3A_260 = arith.constant 16 : i32
      %mul3A_261 = arith.muli %sub3A_127, %mul3A_260 : i32
      %add3A_262 = arith.constant 11 : i32
      %add3A_263 = arith.addi %mul3A_261, %add3A_262 : i32
      %mul3A_264 = arith.constant 16 : i32
      %mul3A_265 = arith.muli %add3A_263, %mul3A_264 : i32
      %get3A_266 = arith.index_cast %mul3A_265 : i32 to index
      %get3A_267 = tpu.vector_load %arg4[%get3A_266] {strides = array<i32>} : memref<32768xi32, #tpu.memory_space<vmem>>, vector<16xi32>,
      %add3A_268 = arith.addi %add3A_259, %get3A_267 : vector<16xi32>
      %get3A_269 = arith.index_cast %mul3A_265 : i32 to index
      %get3A_270 = tpu.vector_load %arg5[%get3A_269] {strides = array<i32>} : memref<32768xi32, #tpu.memory_space<vmem>>, vector<16xi32>,
      %add3A_271 = arith.addi %add3A_268, %get3A_270 : vector<16xi32>
      %mul3A_272 = arith.constant 16 : i32
      %mul3A_273 = arith.muli %sub3A_127, %mul3A_272 : i32
      %add3A_274 = arith.constant 12 : i32
      %add3A_275 = arith.addi %mul3A_273, %add3A_274 : i32
      %mul3A_276 = arith.constant 16 : i32
      %mul3A_277 = arith.muli %add3A_275, %mul3A_276 : i32
      %get3A_278 = arith.index_cast %mul3A_277 : i32 to index
      %get3A_279 = tpu.vector_load %arg4[%get3A_278] {strides = array<i32>} : memref<32768xi32, #tpu.memory_space<vmem>>, vector<16xi32>,
      %add3A_280 = arith.addi %add3A_271, %get3A_279 : vector<16xi32>
      %get3A_281 = arith.index_cast %mul3A_277 : i32 to index
      %get3A_282 = tpu.vector_load %arg5[%get3A_281] {strides = array<i32>} : memref<32768xi32, #tpu.memory_space<vmem>>, vector<16xi32>,
      %add3A_283 = arith.addi %add3A_280, %get3A_282 : vector<16xi32>
      %mul3A_284 = arith.constant 16 : i32
      %mul3A_285 = arith.muli %sub3A_127, %mul3A_284 : i32
      %add3A_286 = arith.constant 13 : i32
      %add3A_287 = arith.addi %mul3A_285, %add3A_286 : i32
      %mul3A_288 = arith.constant 16 : i32
      %mul3A_289 = arith.muli %add3A_287, %mul3A_288 : i32
      %get3A_290 = arith.index_cast %mul3A_289 : i32 to index
      %get3A_291 = tpu.vector_load %arg4[%get3A_290] {strides = array<i32>} : memref<32768xi32, #tpu.memory_space<vmem>>, vector<16xi32>,
      %add3A_292 = arith.addi %add3A_283, %get3A_291 : vector<16xi32>
      %get3A_293 = arith.index_cast %mul3A_289 : i32 to index
      %get3A_294 = tpu.vector_load %arg5[%get3A_293] {strides = array<i32>} : memref<32768xi32, #tpu.memory_space<vmem>>, vector<16xi32>,
      %add3A_295 = arith.addi %add3A_292, %get3A_294 : vector<16xi32>
      %mul3A_296 = arith.constant 16 : i32
      %mul3A_297 = arith.muli %sub3A_127, %mul3A_296 : i32
      %add3A_298 = arith.constant 14 : i32
      %add3A_299 = arith.addi %mul3A_297, %add3A_298 : i32
      %mul3A_300 = arith.constant 16 : i32
      %mul3A_301 = arith.muli %add3A_299, %mul3A_300 : i32
      %get3A_302 = arith.index_cast %mul3A_301 : i32 to index
      %get3A_303 = tpu.vector_load %arg4[%get3A_302] {strides = array<i32>} : memref<32768xi32, #tpu.memory_space<vmem>>, vector<16xi32>,
      %add3A_304 = arith.addi %add3A_295, %get3A_303 : vector<16xi32>
      %get3A_305 = arith.index_cast %mul3A_301 : i32 to index
      %get3A_306 = tpu.vector_load %arg5[%get3A_305] {strides = array<i32>} : memref<32768xi32, #tpu.memory_space<vmem>>, vector<16xi32>,
      %add3A_307 = arith.addi %add3A_304, %get3A_306 : vector<16xi32>
      %mul3A_308 = arith.constant 16 : i32
      %mul3A_309 = arith.muli %sub3A_127, %mul3A_308 : i32
      %add3A_310 = arith.constant 15 : i32
      %add3A_311 = arith.addi %mul3A_309, %add3A_310 : i32
      %mul3A_312 = arith.constant 16 : i32
      %mul3A_313 = arith.muli %add3A_311, %mul3A_312 : i32
      %get3A_314 = arith.index_cast %mul3A_313 : i32 to index
      %get3A_315 = tpu.vector_load %arg4[%get3A_314] {strides = array<i32>} : memref<32768xi32, #tpu.memory_space<vmem>>, vector<16xi32>,
      %add3A_316 = arith.addi %add3A_307, %get3A_315 : vector<16xi32>
      %get3A_317 = arith.index_cast %mul3A_313 : i32 to index
      %get3A_318 = tpu.vector_load %arg5[%get3A_317] {strides = array<i32>} : memref<32768xi32, #tpu.memory_space<vmem>>, vector<16xi32>,
      %add3A_319 = arith.addi %add3A_316, %get3A_318 : vector<16xi32>
      %reduce_sum3A = arith.constant true
      %reduce_sum3A_320 = vector.broadcast %reduce_sum3A : i1 to vector<16xi1>
      %reduce_sum3A_321 = tpu.scan <sum>, %add3A_319 masked %reduce_sum3A_320 : vector<16xi32>, vector<16xi1> -> vector<16xi32>
      %reduce_sum3A_322 = vector.extract %reduce_sum3A_321[15] : i32 from vector<16xi32>
      %add3A_323 = arith.addi %scan3A_123, %reduce_sum3A_322 : i32
      %lt3A = arith.constant 60211 : i32
      %lt3A_324 = arith.cmpi slt, %scan3A_123, %lt3A : i32
      %ge3A = arith.constant 60211 : i32
      %ge3A_325 = arith.cmpi sge, %add3A_323, %ge3A : i32
      %and3A = arith.andi %lt3A_324, %ge3A_325 : i1
      %select_n3A = arith.select %and3A, %sub3A_127, %scan3A_124 : i32
      %select_n3A_326 = arith.select %and3A, %scan3A_123, %scan3A_125 : i32
      scf.yield %add3A_323, %select_n3A, %select_n3A_326 : i32, i32, i32
    }
    %scan3A_29 = arith.constant 128 : i32
    %scan3A_30 = arith.constant 0 : i32
    %scan3A_31 = arith.constant 0 : i32
    %scan3A_32 = arith.constant 0 : i32
    %scan3A_33 = arith.constant 16 : i32
    %scan3A_34 = arith.addi %scan3A_32, %scan3A_33 : i32
    %scan3A_35 = arith.constant 1 : i32
    %scan3A_36:3 = scf.for %scan3A_122 = %scan3A_32 to %scan3A_34 step %scan3A_35 iter_args(%scan3A_123 = %scan3A_28#2, %scan3A_124 = %scan3A_30, %scan3A_125 = %scan3A_31) -> (i32, i32, i32)  : i32 {
      %mul3A_126 = arith.constant 16 : i32
      %mul3A_127 = arith.muli %scan3A_28#1, %mul3A_126 : i32
      %add3A_128 = arith.constant 15 : i32
      %add3A_129 = arith.addi %mul3A_127, %add3A_128 : i32
      %sub3A_130 = arith.subi %add3A_129, %scan3A_122 : i32
      %mul3A_131 = arith.constant 16 : i32
      %mul3A_132 = arith.muli %sub3A_130, %mul3A_131 : i32
      %get3A = arith.index_cast %mul3A_132 : i32 to index
      %get3A_133 = tpu.vector_load %arg4[%get3A] {strides = array<i32>} : memref<32768xi32, #tpu.memory_space<vmem>>, vector<16xi32>,
      %mul3A_134 = arith.constant 16 : i32
      %mul3A_135 = arith.muli %sub3A_130, %mul3A_134 : i32
      %get3A_136 = arith.index_cast %mul3A_135 : i32 to index
      %get3A_137 = tpu.vector_load %arg5[%get3A_136] {strides = array<i32>} : memref<32768xi32, #tpu.memory_space<vmem>>, vector<16xi32>,
      %add3A_138 = arith.addi %get3A_133, %get3A_137 : vector<16xi32>
      %reduce_sum3A = arith.constant true
      %reduce_sum3A_139 = vector.broadcast %reduce_sum3A : i1 to vector<16xi1>
      %reduce_sum3A_140 = tpu.scan <sum>, %add3A_138 masked %reduce_sum3A_139 : vector<16xi32>, vector<16xi1> -> vector<16xi32>
      %reduce_sum3A_141 = vector.extract %reduce_sum3A_140[15] : i32 from vector<16xi32>
      %add3A_142 = arith.addi %scan3A_123, %reduce_sum3A_141 : i32
      %lt3A = arith.constant 60211 : i32
      %lt3A_143 = arith.cmpi slt, %scan3A_123, %lt3A : i32
      %ge3A = arith.constant 60211 : i32
      %ge3A_144 = arith.cmpi sge, %add3A_142, %ge3A : i32
      %and3A = arith.andi %lt3A_143, %ge3A_144 : i1
      %select_n3A = arith.select %and3A, %sub3A_130, %scan3A_124 : i32
      %select_n3A_145 = arith.select %and3A, %scan3A_123, %scan3A_125 : i32
      scf.yield %add3A_142, %select_n3A, %select_n3A_145 : i32, i32, i32
    }
    %scan3A_37 = arith.constant 16 : i32
    %sub3A = arith.constant 1024 : i32
    %sub3A_38 = arith.subi %scan3A_36#1, %sub3A : i32
    %sub3A_39 = arith.constant 60211 : i32
    %sub3A_40 = arith.subi %sub3A_39, %scan3A_36#2 : i32
    %scan3A_41 = arith.constant 0 : i32
    %scan3A_42 = arith.constant 0 : i32
    %scan3A_43 = arith.constant 2048 : i32
    %scan3A_44 = arith.addi %scan3A_42, %scan3A_43 : i32
    %scan3A_45 = arith.constant 1 : i32
    %scan3A_46 = scf.for %scan3A_122 = %scan3A_42 to %scan3A_44 step %scan3A_45 iter_args(%scan3A_123 = %scan3A_41) -> (i32)  : i32 {
      %mul3A_124 = arith.constant 16 : i32
      %mul3A_125 = arith.muli %scan3A_122, %mul3A_124 : i32
      %swap3A_126 = arith.index_cast %mul3A_125 : i32 to index
      %swap3A_127 = tpu.vector_load %arg4[%swap3A_126] {strides = array<i32>} : memref<32768xi32, #tpu.memory_space<vmem>>, vector<16xi32>,
      tpu.vector_store %arg4[%swap3A_126], %broadcast_in_dim3A_3 {strides = array<i32>} : memref<32768xi32, #tpu.memory_space<vmem>>, vector<16xi32>,
      %mul3A_128 = arith.constant 16 : i32
      %mul3A_129 = arith.muli %scan3A_122, %mul3A_128 : i32
      %swap3A_130 = arith.index_cast %mul3A_129 : i32 to index
      %swap3A_131 = tpu.vector_load %arg5[%swap3A_130] {strides = array<i32>} : memref<32768xi32, #tpu.memory_space<vmem>>, vector<16xi32>,
      tpu.vector_store %arg5[%swap3A_130], %broadcast_in_dim3A_3 {strides = array<i32>} : memref<32768xi32, #tpu.memory_space<vmem>>, vector<16xi32>,
      %scan3A_132 = arith.constant 0 : i32
      scf.yield %scan3A_132 : i32
    }
    %scan3A_47 = arith.constant 2048 : i32
    %dma_start3A_48 = arith.constant 0 : i32
    %dma_start3A_49 = tpu.memref_slice %arg2[%add3A, %dma_start3A_48] : memref<32x602112xi32, #tpu.memory_space<hbm>> -> memref<1x18816xi32, #tpu.memory_space<hbm>>
    %dma_start3A_50 = tpu.memref_squeeze %dma_start3A_49 : memref<1x18816xi32, #tpu.memory_space<hbm>> -> memref<18816xi32, #tpu.memory_space<hbm>>
    %dma_start3A_51 = arith.constant 0 : i32
    %dma_start3A_52 = tpu.memref_slice %arg2[%add3A, %dma_start3A_51] : memref<32x602112xi32, #tpu.memory_space<hbm>> -> memref<1x18816xi32, #tpu.memory_space<hbm>>
    %dma_start3A_53 = tpu.memref_squeeze %dma_start3A_52 : memref<1x18816xi32, #tpu.memory_space<hbm>> -> memref<18816xi32, #tpu.memory_space<hbm>>
    tpu.enqueue_dma source(%dma_start3A_53 : memref<18816xi32, #tpu.memory_space<hbm>>) target(%arg6 : memref<18816xi32, #tpu.memory_space<vmem>>) target_semaphore(%arg9 : memref<!tpu.dma_semaphore, #tpu.memory_space<semaphore_mem>>)
    %scan3A_54 = arith.constant 0 : i32
    %scan3A_55 = arith.constant 0 : i32
    %scan3A_56 = arith.constant 16 : i32
    %scan3A_57 = arith.addi %scan3A_55, %scan3A_56 : i32
    %scan3A_58 = arith.constant 1 : i32
    scf.for %scan3A_122 = %scan3A_55 to %scan3A_57 step %scan3A_58  : i32 {
      %mul3A_123 = arith.constant 2 : i32
      %mul3A_124 = arith.muli %scan3A_122, %mul3A_123 : i32
      %add3A_125 = arith.constant 1 : i32
      %add3A_126 = arith.addi %mul3A_124, %add3A_125 : i32
      %mul3A_127 = arith.constant 18816 : i32
      %mul3A_128 = arith.muli %add3A_126, %mul3A_127 : i32
      %dma_start3A_129 = tpu.memref_slice %arg2[%add3A, %mul3A_128] : memref<32x602112xi32, #tpu.memory_space<hbm>> -> memref<1x18816xi32, #tpu.memory_space<hbm>>
      %dma_start3A_130 = tpu.memref_squeeze %dma_start3A_129 : memref<1x18816xi32, #tpu.memory_space<hbm>> -> memref<18816xi32, #tpu.memory_space<hbm>>
      %dma_start3A_131 = tpu.memref_slice %arg2[%add3A, %mul3A_128] : memref<32x602112xi32, #tpu.memory_space<hbm>> -> memref<1x18816xi32, #tpu.memory_space<hbm>>
      %dma_start3A_132 = tpu.memref_squeeze %dma_start3A_131 : memref<1x18816xi32, #tpu.memory_space<hbm>> -> memref<18816xi32, #tpu.memory_space<hbm>>
      tpu.enqueue_dma source(%dma_start3A_132 : memref<18816xi32, #tpu.memory_space<hbm>>) target(%arg7 : memref<18816xi32, #tpu.memory_space<vmem>>) target_semaphore(%arg10 : memref<!tpu.dma_semaphore, #tpu.memory_space<semaphore_mem>>)
      %dma_wait3A = arith.constant 0 : i32
      %dma_wait3A_133 = tpu.memref_slice %arg2[%add3A, %dma_wait3A] : memref<32x602112xi32, #tpu.memory_space<hbm>> -> memref<1x18816xi32, #tpu.memory_space<hbm>>
      %dma_wait3A_134 = tpu.memref_squeeze %dma_wait3A_133 : memref<1x18816xi32, #tpu.memory_space<hbm>> -> memref<18816xi32, #tpu.memory_space<hbm>>
      %dma_wait3A_135 = arith.constant 0 : i32
      %dma_wait3A_136 = tpu.memref_slice %arg2[%add3A, %dma_wait3A_135] : memref<32x602112xi32, #tpu.memory_space<hbm>> -> memref<1x18816xi32, #tpu.memory_space<hbm>>
      %dma_wait3A_137 = tpu.memref_squeeze %dma_wait3A_136 : memref<1x18816xi32, #tpu.memory_space<hbm>> -> memref<18816xi32, #tpu.memory_space<hbm>>
      tpu.wait_dma2 semaphore(%arg9 : memref<!tpu.dma_semaphore, #tpu.memory_space<semaphore_mem>>) src(%dma_wait3A_137 : memref<18816xi32, #tpu.memory_space<hbm>>) dst(%arg6 : memref<18816xi32, #tpu.memory_space<vmem>>)
      %parallel_loop3A = arith.constant 0 : i32
      %parallel_loop3A_138 = arith.constant 294 : i32
      %parallel_loop3A_139 = arith.constant 1 : i32
      scf.for %parallel_loop3A_153 = %parallel_loop3A to %parallel_loop3A_138 step %parallel_loop3A_139  : i32 {
        %parallel_loop3A_154 = arith.constant 4 : i32
        %parallel_loop3A_155 = arith.muli %parallel_loop3A_153, %parallel_loop3A_154 : i32
        %parallel_loop3A_156 = arith.constant 0 : i32
        %parallel_loop3A_157 = arith.addi %parallel_loop3A_155, %parallel_loop3A_156 : i32
        %parallel_loop3A_158 = arith.constant 16 : i32
        %parallel_loop3A_159 = arith.muli %parallel_loop3A_157, %parallel_loop3A_158 : i32
        %parallel_loop3A_160 = arith.index_cast %parallel_loop3A_159 : i32 to index
        %parallel_loop3A_161 = tpu.vector_load %arg6[%parallel_loop3A_160] {strides = array<i32>} : memref<18816xi32, #tpu.memory_space<vmem>>, vector<16xi32>,
        %parallel_loop3A_162 = arith.constant 21 : i32
        %parallel_loop3A_163 = vector.broadcast %parallel_loop3A_162 : i32 to vector<16xi32>
        %parallel_loop3A_164 = arith.shrsi %parallel_loop3A_161, %parallel_loop3A_163 : vector<16xi32>
        %parallel_loop3A_165 = vector.broadcast %sub3A_38 : i32 to vector<16xi32>
        %parallel_loop3A_166 = arith.cmpi eq, %parallel_loop3A_164, %parallel_loop3A_165 : vector<16xi32>
        %parallel_loop3A_167 = arith.constant 10 : i32
        %parallel_loop3A_168 = vector.broadcast %parallel_loop3A_167 : i32 to vector<16xi32>
        %parallel_loop3A_169 = arith.shrsi %parallel_loop3A_161, %parallel_loop3A_168 : vector<16xi32>
        %parallel_loop3A_170 = arith.constant 2047 : i32
        %parallel_loop3A_171 = vector.broadcast %parallel_loop3A_170 : i32 to vector<16xi32>
        %parallel_loop3A_172 = arith.andi %parallel_loop3A_169, %parallel_loop3A_171 : vector<16xi32>
        %parallel_loop3A_173 = arith.constant 16 : i32
        %parallel_loop3A_174 = vector.broadcast %parallel_loop3A_173 : i32 to vector<16xi32>
        %parallel_loop3A_175 = arith.muli %parallel_loop3A_172, %parallel_loop3A_174 : vector<16xi32>
        %parallel_loop3A_176 = arith.addi %parallel_loop3A_175, %iota3A : vector<16xi32>
        tpu.vector_store_idx %arg4[%parallel_loop3A_176], %broadcast_in_dim3A_1 masked %parallel_loop3A_166 {add = true} : memref<32768xi32, #tpu.memory_space<vmem>>[vector<16xi32>], vector<16xi32>, vector<16xi1>
        %parallel_loop3A_177 = arith.constant 4 : i32
        %parallel_loop3A_178 = arith.muli %parallel_loop3A_153, %parallel_loop3A_177 : i32
        %parallel_loop3A_179 = arith.constant 1 : i32
        %parallel_loop3A_180 = arith.addi %parallel_loop3A_178, %parallel_loop3A_179 : i32
        %parallel_loop3A_181 = arith.constant 16 : i32
        %parallel_loop3A_182 = arith.muli %parallel_loop3A_180, %parallel_loop3A_181 : i32
        %parallel_loop3A_183 = arith.index_cast %parallel_loop3A_182 : i32 to index
        %parallel_loop3A_184 = tpu.vector_load %arg6[%parallel_loop3A_183] {strides = array<i32>} : memref<18816xi32, #tpu.memory_space<vmem>>, vector<16xi32>,
        %parallel_loop3A_185 = arith.constant 21 : i32
        %parallel_loop3A_186 = vector.broadcast %parallel_loop3A_185 : i32 to vector<16xi32>
        %parallel_loop3A_187 = arith.shrsi %parallel_loop3A_184, %parallel_loop3A_186 : vector<16xi32>
        %parallel_loop3A_188 = vector.broadcast %sub3A_38 : i32 to vector<16xi32>
        %parallel_loop3A_189 = arith.cmpi eq, %parallel_loop3A_187, %parallel_loop3A_188 : vector<16xi32>
        %parallel_loop3A_190 = arith.constant 10 : i32
        %parallel_loop3A_191 = vector.broadcast %parallel_loop3A_190 : i32 to vector<16xi32>
        %parallel_loop3A_192 = arith.shrsi %parallel_loop3A_184, %parallel_loop3A_191 : vector<16xi32>
        %parallel_loop3A_193 = arith.constant 2047 : i32
        %parallel_loop3A_194 = vector.broadcast %parallel_loop3A_193 : i32 to vector<16xi32>
        %parallel_loop3A_195 = arith.andi %parallel_loop3A_192, %parallel_loop3A_194 : vector<16xi32>
        %parallel_loop3A_196 = arith.constant 16 : i32
        %parallel_loop3A_197 = vector.broadcast %parallel_loop3A_196 : i32 to vector<16xi32>
        %parallel_loop3A_198 = arith.muli %parallel_loop3A_195, %parallel_loop3A_197 : vector<16xi32>
        %parallel_loop3A_199 = arith.addi %parallel_loop3A_198, %iota3A : vector<16xi32>
        tpu.vector_store_idx %arg5[%parallel_loop3A_199], %broadcast_in_dim3A_1 masked %parallel_loop3A_189 {add = true} : memref<32768xi32, #tpu.memory_space<vmem>>[vector<16xi32>], vector<16xi32>, vector<16xi1>
        %parallel_loop3A_200 = arith.constant 4 : i32
        %parallel_loop3A_201 = arith.muli %parallel_loop3A_153, %parallel_loop3A_200 : i32
        %parallel_loop3A_202 = arith.constant 2 : i32
        %parallel_loop3A_203 = arith.addi %parallel_loop3A_201, %parallel_loop3A_202 : i32
        %parallel_loop3A_204 = arith.constant 16 : i32
        %parallel_loop3A_205 = arith.muli %parallel_loop3A_203, %parallel_loop3A_204 : i32
        %parallel_loop3A_206 = arith.index_cast %parallel_loop3A_205 : i32 to index
        %parallel_loop3A_207 = tpu.vector_load %arg6[%parallel_loop3A_206] {strides = array<i32>} : memref<18816xi32, #tpu.memory_space<vmem>>, vector<16xi32>,
        %parallel_loop3A_208 = arith.constant 21 : i32
        %parallel_loop3A_209 = vector.broadcast %parallel_loop3A_208 : i32 to vector<16xi32>
        %parallel_loop3A_210 = arith.shrsi %parallel_loop3A_207, %parallel_loop3A_209 : vector<16xi32>
        %parallel_loop3A_211 = vector.broadcast %sub3A_38 : i32 to vector<16xi32>
        %parallel_loop3A_212 = arith.cmpi eq, %parallel_loop3A_210, %parallel_loop3A_211 : vector<16xi32>
        %parallel_loop3A_213 = arith.constant 10 : i32
        %parallel_loop3A_214 = vector.broadcast %parallel_loop3A_213 : i32 to vector<16xi32>
        %parallel_loop3A_215 = arith.shrsi %parallel_loop3A_207, %parallel_loop3A_214 : vector<16xi32>
        %parallel_loop3A_216 = arith.constant 2047 : i32
        %parallel_loop3A_217 = vector.broadcast %parallel_loop3A_216 : i32 to vector<16xi32>
        %parallel_loop3A_218 = arith.andi %parallel_loop3A_215, %parallel_loop3A_217 : vector<16xi32>
        %parallel_loop3A_219 = arith.constant 16 : i32
        %parallel_loop3A_220 = vector.broadcast %parallel_loop3A_219 : i32 to vector<16xi32>
        %parallel_loop3A_221 = arith.muli %parallel_loop3A_218, %parallel_loop3A_220 : vector<16xi32>
        %parallel_loop3A_222 = arith.addi %parallel_loop3A_221, %iota3A : vector<16xi32>
        tpu.vector_store_idx %arg4[%parallel_loop3A_222], %broadcast_in_dim3A_1 masked %parallel_loop3A_212 {add = true} : memref<32768xi32, #tpu.memory_space<vmem>>[vector<16xi32>], vector<16xi32>, vector<16xi1>
        %parallel_loop3A_223 = arith.constant 4 : i32
        %parallel_loop3A_224 = arith.muli %parallel_loop3A_153, %parallel_loop3A_223 : i32
        %parallel_loop3A_225 = arith.constant 3 : i32
        %parallel_loop3A_226 = arith.addi %parallel_loop3A_224, %parallel_loop3A_225 : i32
        %parallel_loop3A_227 = arith.constant 16 : i32
        %parallel_loop3A_228 = arith.muli %parallel_loop3A_226, %parallel_loop3A_227 : i32
        %parallel_loop3A_229 = arith.index_cast %parallel_loop3A_228 : i32 to index
        %parallel_loop3A_230 = tpu.vector_load %arg6[%parallel_loop3A_229] {strides = array<i32>} : memref<18816xi32, #tpu.memory_space<vmem>>, vector<16xi32>,
        %parallel_loop3A_231 = arith.constant 21 : i32
        %parallel_loop3A_232 = vector.broadcast %parallel_loop3A_231 : i32 to vector<16xi32>
        %parallel_loop3A_233 = arith.shrsi %parallel_loop3A_230, %parallel_loop3A_232 : vector<16xi32>
        %parallel_loop3A_234 = vector.broadcast %sub3A_38 : i32 to vector<16xi32>
        %parallel_loop3A_235 = arith.cmpi eq, %parallel_loop3A_233, %parallel_loop3A_234 : vector<16xi32>
        %parallel_loop3A_236 = arith.constant 10 : i32
        %parallel_loop3A_237 = vector.broadcast %parallel_loop3A_236 : i32 to vector<16xi32>
        %parallel_loop3A_238 = arith.shrsi %parallel_loop3A_230, %parallel_loop3A_237 : vector<16xi32>
        %parallel_loop3A_239 = arith.constant 2047 : i32
        %parallel_loop3A_240 = vector.broadcast %parallel_loop3A_239 : i32 to vector<16xi32>
        %parallel_loop3A_241 = arith.andi %parallel_loop3A_238, %parallel_loop3A_240 : vector<16xi32>
        %parallel_loop3A_242 = arith.constant 16 : i32
        %parallel_loop3A_243 = vector.broadcast %parallel_loop3A_242 : i32 to vector<16xi32>
        %parallel_loop3A_244 = arith.muli %parallel_loop3A_241, %parallel_loop3A_243 : vector<16xi32>
        %parallel_loop3A_245 = arith.addi %parallel_loop3A_244, %iota3A : vector<16xi32>
        tpu.vector_store_idx %arg5[%parallel_loop3A_245], %broadcast_in_dim3A_1 masked %parallel_loop3A_235 {add = true} : memref<32768xi32, #tpu.memory_space<vmem>>[vector<16xi32>], vector<16xi32>, vector<16xi1>
      } {sc.loop_unroll_factor = 2 : i64, sc.parallel_access}
      %add3A_140 = arith.constant 2 : i32
      %add3A_141 = arith.addi %mul3A_124, %add3A_140 : i32
      %lt3A = arith.constant 32 : i32
      %lt3A_142 = arith.cmpi slt, %add3A_141, %lt3A : i32
      %convert_element_type3A = arith.extui %lt3A_142 : i1 to i32
      %cond3A = arith.constant 0 : i32
      %cond3A_143 = arith.cmpi ne, %convert_element_type3A, %cond3A : i32
      scf.if %cond3A_143 {
        %add3A_153 = arith.constant 2 : i32
        %add3A_154 = arith.addi %mul3A_124, %add3A_153 : i32
        %mul3A_155 = arith.constant 18816 : i32
        %mul3A_156 = arith.muli %add3A_154, %mul3A_155 : i32
        %dma_start3A_157 = tpu.memref_slice %arg2[%add3A, %mul3A_156] : memref<32x602112xi32, #tpu.memory_space<hbm>> -> memref<1x18816xi32, #tpu.memory_space<hbm>>
        %dma_start3A_158 = tpu.memref_squeeze %dma_start3A_157 : memref<1x18816xi32, #tpu.memory_space<hbm>> -> memref<18816xi32, #tpu.memory_space<hbm>>
        %dma_start3A_159 = tpu.memref_slice %arg2[%add3A, %mul3A_156] : memref<32x602112xi32, #tpu.memory_space<hbm>> -> memref<1x18816xi32, #tpu.memory_space<hbm>>
        %dma_start3A_160 = tpu.memref_squeeze %dma_start3A_159 : memref<1x18816xi32, #tpu.memory_space<hbm>> -> memref<18816xi32, #tpu.memory_space<hbm>>
        tpu.enqueue_dma source(%dma_start3A_160 : memref<18816xi32, #tpu.memory_space<hbm>>) target(%arg6 : memref<18816xi32, #tpu.memory_space<vmem>>) target_semaphore(%arg9 : memref<!tpu.dma_semaphore, #tpu.memory_space<semaphore_mem>>)
      } else {
      }
      %dma_wait3A_144 = arith.constant 0 : i32
      %dma_wait3A_145 = tpu.memref_slice %arg2[%add3A, %dma_wait3A_144] : memref<32x602112xi32, #tpu.memory_space<hbm>> -> memref<1x18816xi32, #tpu.memory_space<hbm>>
      %dma_wait3A_146 = tpu.memref_squeeze %dma_wait3A_145 : memref<1x18816xi32, #tpu.memory_space<hbm>> -> memref<18816xi32, #tpu.memory_space<hbm>>
      %dma_wait3A_147 = arith.constant 0 : i32
      %dma_wait3A_148 = tpu.memref_slice %arg2[%add3A, %dma_wait3A_147] : memref<32x602112xi32, #tpu.memory_space<hbm>> -> memref<1x18816xi32, #tpu.memory_space<hbm>>
      %dma_wait3A_149 = tpu.memref_squeeze %dma_wait3A_148 : memref<1x18816xi32, #tpu.memory_space<hbm>> -> memref<18816xi32, #tpu.memory_space<hbm>>
      tpu.wait_dma2 semaphore(%arg10 : memref<!tpu.dma_semaphore, #tpu.memory_space<semaphore_mem>>) src(%dma_wait3A_149 : memref<18816xi32, #tpu.memory_space<hbm>>) dst(%arg7 : memref<18816xi32, #tpu.memory_space<vmem>>)
      %parallel_loop3A_150 = arith.constant 0 : i32
      %parallel_loop3A_151 = arith.constant 294 : i32
      %parallel_loop3A_152 = arith.constant 1 : i32
      scf.for %parallel_loop3A_153 = %parallel_loop3A_150 to %parallel_loop3A_151 step %parallel_loop3A_152  : i32 {
        %parallel_loop3A_154 = arith.constant 4 : i32
        %parallel_loop3A_155 = arith.muli %parallel_loop3A_153, %parallel_loop3A_154 : i32
        %parallel_loop3A_156 = arith.constant 0 : i32
        %parallel_loop3A_157 = arith.addi %parallel_loop3A_155, %parallel_loop3A_156 : i32
        %parallel_loop3A_158 = arith.constant 16 : i32
        %parallel_loop3A_159 = arith.muli %parallel_loop3A_157, %parallel_loop3A_158 : i32
        %parallel_loop3A_160 = arith.index_cast %parallel_loop3A_159 : i32 to index
        %parallel_loop3A_161 = tpu.vector_load %arg7[%parallel_loop3A_160] {strides = array<i32>} : memref<18816xi32, #tpu.memory_space<vmem>>, vector<16xi32>,
        %parallel_loop3A_162 = arith.constant 21 : i32
        %parallel_loop3A_163 = vector.broadcast %parallel_loop3A_162 : i32 to vector<16xi32>
        %parallel_loop3A_164 = arith.shrsi %parallel_loop3A_161, %parallel_loop3A_163 : vector<16xi32>
        %parallel_loop3A_165 = vector.broadcast %sub3A_38 : i32 to vector<16xi32>
        %parallel_loop3A_166 = arith.cmpi eq, %parallel_loop3A_164, %parallel_loop3A_165 : vector<16xi32>
        %parallel_loop3A_167 = arith.constant 10 : i32
        %parallel_loop3A_168 = vector.broadcast %parallel_loop3A_167 : i32 to vector<16xi32>
        %parallel_loop3A_169 = arith.shrsi %parallel_loop3A_161, %parallel_loop3A_168 : vector<16xi32>
        %parallel_loop3A_170 = arith.constant 2047 : i32
        %parallel_loop3A_171 = vector.broadcast %parallel_loop3A_170 : i32 to vector<16xi32>
        %parallel_loop3A_172 = arith.andi %parallel_loop3A_169, %parallel_loop3A_171 : vector<16xi32>
        %parallel_loop3A_173 = arith.constant 16 : i32
        %parallel_loop3A_174 = vector.broadcast %parallel_loop3A_173 : i32 to vector<16xi32>
        %parallel_loop3A_175 = arith.muli %parallel_loop3A_172, %parallel_loop3A_174 : vector<16xi32>
        %parallel_loop3A_176 = arith.addi %parallel_loop3A_175, %iota3A : vector<16xi32>
        tpu.vector_store_idx %arg4[%parallel_loop3A_176], %broadcast_in_dim3A_1 masked %parallel_loop3A_166 {add = true} : memref<32768xi32, #tpu.memory_space<vmem>>[vector<16xi32>], vector<16xi32>, vector<16xi1>
        %parallel_loop3A_177 = arith.constant 4 : i32
        %parallel_loop3A_178 = arith.muli %parallel_loop3A_153, %parallel_loop3A_177 : i32
        %parallel_loop3A_179 = arith.constant 1 : i32
        %parallel_loop3A_180 = arith.addi %parallel_loop3A_178, %parallel_loop3A_179 : i32
        %parallel_loop3A_181 = arith.constant 16 : i32
        %parallel_loop3A_182 = arith.muli %parallel_loop3A_180, %parallel_loop3A_181 : i32
        %parallel_loop3A_183 = arith.index_cast %parallel_loop3A_182 : i32 to index
        %parallel_loop3A_184 = tpu.vector_load %arg7[%parallel_loop3A_183] {strides = array<i32>} : memref<18816xi32, #tpu.memory_space<vmem>>, vector<16xi32>,
        %parallel_loop3A_185 = arith.constant 21 : i32
        %parallel_loop3A_186 = vector.broadcast %parallel_loop3A_185 : i32 to vector<16xi32>
        %parallel_loop3A_187 = arith.shrsi %parallel_loop3A_184, %parallel_loop3A_186 : vector<16xi32>
        %parallel_loop3A_188 = vector.broadcast %sub3A_38 : i32 to vector<16xi32>
        %parallel_loop3A_189 = arith.cmpi eq, %parallel_loop3A_187, %parallel_loop3A_188 : vector<16xi32>
        %parallel_loop3A_190 = arith.constant 10 : i32
        %parallel_loop3A_191 = vector.broadcast %parallel_loop3A_190 : i32 to vector<16xi32>
        %parallel_loop3A_192 = arith.shrsi %parallel_loop3A_184, %parallel_loop3A_191 : vector<16xi32>
        %parallel_loop3A_193 = arith.constant 2047 : i32
        %parallel_loop3A_194 = vector.broadcast %parallel_loop3A_193 : i32 to vector<16xi32>
        %parallel_loop3A_195 = arith.andi %parallel_loop3A_192, %parallel_loop3A_194 : vector<16xi32>
        %parallel_loop3A_196 = arith.constant 16 : i32
        %parallel_loop3A_197 = vector.broadcast %parallel_loop3A_196 : i32 to vector<16xi32>
        %parallel_loop3A_198 = arith.muli %parallel_loop3A_195, %parallel_loop3A_197 : vector<16xi32>
        %parallel_loop3A_199 = arith.addi %parallel_loop3A_198, %iota3A : vector<16xi32>
        tpu.vector_store_idx %arg5[%parallel_loop3A_199], %broadcast_in_dim3A_1 masked %parallel_loop3A_189 {add = true} : memref<32768xi32, #tpu.memory_space<vmem>>[vector<16xi32>], vector<16xi32>, vector<16xi1>
        %parallel_loop3A_200 = arith.constant 4 : i32
        %parallel_loop3A_201 = arith.muli %parallel_loop3A_153, %parallel_loop3A_200 : i32
        %parallel_loop3A_202 = arith.constant 2 : i32
        %parallel_loop3A_203 = arith.addi %parallel_loop3A_201, %parallel_loop3A_202 : i32
        %parallel_loop3A_204 = arith.constant 16 : i32
        %parallel_loop3A_205 = arith.muli %parallel_loop3A_203, %parallel_loop3A_204 : i32
        %parallel_loop3A_206 = arith.index_cast %parallel_loop3A_205 : i32 to index
        %parallel_loop3A_207 = tpu.vector_load %arg7[%parallel_loop3A_206] {strides = array<i32>} : memref<18816xi32, #tpu.memory_space<vmem>>, vector<16xi32>,
        %parallel_loop3A_208 = arith.constant 21 : i32
        %parallel_loop3A_209 = vector.broadcast %parallel_loop3A_208 : i32 to vector<16xi32>
        %parallel_loop3A_210 = arith.shrsi %parallel_loop3A_207, %parallel_loop3A_209 : vector<16xi32>
        %parallel_loop3A_211 = vector.broadcast %sub3A_38 : i32 to vector<16xi32>
        %parallel_loop3A_212 = arith.cmpi eq, %parallel_loop3A_210, %parallel_loop3A_211 : vector<16xi32>
        %parallel_loop3A_213 = arith.constant 10 : i32
        %parallel_loop3A_214 = vector.broadcast %parallel_loop3A_213 : i32 to vector<16xi32>
        %parallel_loop3A_215 = arith.shrsi %parallel_loop3A_207, %parallel_loop3A_214 : vector<16xi32>
        %parallel_loop3A_216 = arith.constant 2047 : i32
        %parallel_loop3A_217 = vector.broadcast %parallel_loop3A_216 : i32 to vector<16xi32>
        %parallel_loop3A_218 = arith.andi %parallel_loop3A_215, %parallel_loop3A_217 : vector<16xi32>
        %parallel_loop3A_219 = arith.constant 16 : i32
        %parallel_loop3A_220 = vector.broadcast %parallel_loop3A_219 : i32 to vector<16xi32>
        %parallel_loop3A_221 = arith.muli %parallel_loop3A_218, %parallel_loop3A_220 : vector<16xi32>
        %parallel_loop3A_222 = arith.addi %parallel_loop3A_221, %iota3A : vector<16xi32>
        tpu.vector_store_idx %arg4[%parallel_loop3A_222], %broadcast_in_dim3A_1 masked %parallel_loop3A_212 {add = true} : memref<32768xi32, #tpu.memory_space<vmem>>[vector<16xi32>], vector<16xi32>, vector<16xi1>
        %parallel_loop3A_223 = arith.constant 4 : i32
        %parallel_loop3A_224 = arith.muli %parallel_loop3A_153, %parallel_loop3A_223 : i32
        %parallel_loop3A_225 = arith.constant 3 : i32
        %parallel_loop3A_226 = arith.addi %parallel_loop3A_224, %parallel_loop3A_225 : i32
        %parallel_loop3A_227 = arith.constant 16 : i32
        %parallel_loop3A_228 = arith.muli %parallel_loop3A_226, %parallel_loop3A_227 : i32
        %parallel_loop3A_229 = arith.index_cast %parallel_loop3A_228 : i32 to index
        %parallel_loop3A_230 = tpu.vector_load %arg7[%parallel_loop3A_229] {strides = array<i32>} : memref<18816xi32, #tpu.memory_space<vmem>>, vector<16xi32>,
        %parallel_loop3A_231 = arith.constant 21 : i32
        %parallel_loop3A_232 = vector.broadcast %parallel_loop3A_231 : i32 to vector<16xi32>
        %parallel_loop3A_233 = arith.shrsi %parallel_loop3A_230, %parallel_loop3A_232 : vector<16xi32>
        %parallel_loop3A_234 = vector.broadcast %sub3A_38 : i32 to vector<16xi32>
        %parallel_loop3A_235 = arith.cmpi eq, %parallel_loop3A_233, %parallel_loop3A_234 : vector<16xi32>
        %parallel_loop3A_236 = arith.constant 10 : i32
        %parallel_loop3A_237 = vector.broadcast %parallel_loop3A_236 : i32 to vector<16xi32>
        %parallel_loop3A_238 = arith.shrsi %parallel_loop3A_230, %parallel_loop3A_237 : vector<16xi32>
        %parallel_loop3A_239 = arith.constant 2047 : i32
        %parallel_loop3A_240 = vector.broadcast %parallel_loop3A_239 : i32 to vector<16xi32>
        %parallel_loop3A_241 = arith.andi %parallel_loop3A_238, %parallel_loop3A_240 : vector<16xi32>
        %parallel_loop3A_242 = arith.constant 16 : i32
        %parallel_loop3A_243 = vector.broadcast %parallel_loop3A_242 : i32 to vector<16xi32>
        %parallel_loop3A_244 = arith.muli %parallel_loop3A_241, %parallel_loop3A_243 : vector<16xi32>
        %parallel_loop3A_245 = arith.addi %parallel_loop3A_244, %iota3A : vector<16xi32>
        tpu.vector_store_idx %arg5[%parallel_loop3A_245], %broadcast_in_dim3A_1 masked %parallel_loop3A_235 {add = true} : memref<32768xi32, #tpu.memory_space<vmem>>[vector<16xi32>], vector<16xi32>, vector<16xi1>
      } {sc.loop_unroll_factor = 2 : i64, sc.parallel_access}
    }
    %scan3A_59 = arith.constant 16 : i32
    %scan3A_60 = arith.constant 0 : i32
    %scan3A_61 = arith.constant 0 : i32
    %scan3A_62 = arith.constant 0 : i32
    %scan3A_63 = arith.constant 0 : i32
    %scan3A_64 = arith.constant 128 : i32
    %scan3A_65 = arith.addi %scan3A_63, %scan3A_64 : i32
    %scan3A_66 = arith.constant 1 : i32
    %scan3A_67:3 = scf.for %scan3A_122 = %scan3A_63 to %scan3A_65 step %scan3A_66 iter_args(%scan3A_123 = %scan3A_60, %scan3A_124 = %scan3A_61, %scan3A_125 = %scan3A_62) -> (i32, i32, i32)  : i32 {
      %sub3A_126 = arith.constant 127 : i32
      %sub3A_127 = arith.subi %sub3A_126, %scan3A_122 : i32
      %mul3A_128 = arith.constant 16 : i32
      %mul3A_129 = arith.muli %sub3A_127, %mul3A_128 : i32
      %mul3A_130 = arith.constant 16 : i32
      %mul3A_131 = arith.muli %mul3A_129, %mul3A_130 : i32
      %get3A = arith.index_cast %mul3A_131 : i32 to index
      %get3A_132 = tpu.vector_load %arg4[%get3A] {strides = array<i32>} : memref<32768xi32, #tpu.memory_space<vmem>>, vector<16xi32>,
      %mul3A_133 = arith.constant 16 : i32
      %mul3A_134 = arith.muli %sub3A_127, %mul3A_133 : i32
      %mul3A_135 = arith.constant 16 : i32
      %mul3A_136 = arith.muli %mul3A_134, %mul3A_135 : i32
      %get3A_137 = arith.index_cast %mul3A_136 : i32 to index
      %get3A_138 = tpu.vector_load %arg5[%get3A_137] {strides = array<i32>} : memref<32768xi32, #tpu.memory_space<vmem>>, vector<16xi32>,
      %add3A_139 = arith.addi %get3A_132, %get3A_138 : vector<16xi32>
      %mul3A_140 = arith.constant 16 : i32
      %mul3A_141 = arith.muli %sub3A_127, %mul3A_140 : i32
      %add3A_142 = arith.constant 1 : i32
      %add3A_143 = arith.addi %mul3A_141, %add3A_142 : i32
      %mul3A_144 = arith.constant 16 : i32
      %mul3A_145 = arith.muli %add3A_143, %mul3A_144 : i32
      %get3A_146 = arith.index_cast %mul3A_145 : i32 to index
      %get3A_147 = tpu.vector_load %arg4[%get3A_146] {strides = array<i32>} : memref<32768xi32, #tpu.memory_space<vmem>>, vector<16xi32>,
      %add3A_148 = arith.addi %add3A_139, %get3A_147 : vector<16xi32>
      %get3A_149 = arith.index_cast %mul3A_145 : i32 to index
      %get3A_150 = tpu.vector_load %arg5[%get3A_149] {strides = array<i32>} : memref<32768xi32, #tpu.memory_space<vmem>>, vector<16xi32>,
      %add3A_151 = arith.addi %add3A_148, %get3A_150 : vector<16xi32>
      %mul3A_152 = arith.constant 16 : i32
      %mul3A_153 = arith.muli %sub3A_127, %mul3A_152 : i32
      %add3A_154 = arith.constant 2 : i32
      %add3A_155 = arith.addi %mul3A_153, %add3A_154 : i32
      %mul3A_156 = arith.constant 16 : i32
      %mul3A_157 = arith.muli %add3A_155, %mul3A_156 : i32
      %get3A_158 = arith.index_cast %mul3A_157 : i32 to index
      %get3A_159 = tpu.vector_load %arg4[%get3A_158] {strides = array<i32>} : memref<32768xi32, #tpu.memory_space<vmem>>, vector<16xi32>,
      %add3A_160 = arith.addi %add3A_151, %get3A_159 : vector<16xi32>
      %get3A_161 = arith.index_cast %mul3A_157 : i32 to index
      %get3A_162 = tpu.vector_load %arg5[%get3A_161] {strides = array<i32>} : memref<32768xi32, #tpu.memory_space<vmem>>, vector<16xi32>,
      %add3A_163 = arith.addi %add3A_160, %get3A_162 : vector<16xi32>
      %mul3A_164 = arith.constant 16 : i32
      %mul3A_165 = arith.muli %sub3A_127, %mul3A_164 : i32
      %add3A_166 = arith.constant 3 : i32
      %add3A_167 = arith.addi %mul3A_165, %add3A_166 : i32
      %mul3A_168 = arith.constant 16 : i32
      %mul3A_169 = arith.muli %add3A_167, %mul3A_168 : i32
      %get3A_170 = arith.index_cast %mul3A_169 : i32 to index
      %get3A_171 = tpu.vector_load %arg4[%get3A_170] {strides = array<i32>} : memref<32768xi32, #tpu.memory_space<vmem>>, vector<16xi32>,
      %add3A_172 = arith.addi %add3A_163, %get3A_171 : vector<16xi32>
      %get3A_173 = arith.index_cast %mul3A_169 : i32 to index
      %get3A_174 = tpu.vector_load %arg5[%get3A_173] {strides = array<i32>} : memref<32768xi32, #tpu.memory_space<vmem>>, vector<16xi32>,
      %add3A_175 = arith.addi %add3A_172, %get3A_174 : vector<16xi32>
      %mul3A_176 = arith.constant 16 : i32
      %mul3A_177 = arith.muli %sub3A_127, %mul3A_176 : i32
      %add3A_178 = arith.constant 4 : i32
      %add3A_179 = arith.addi %mul3A_177, %add3A_178 : i32
      %mul3A_180 = arith.constant 16 : i32
      %mul3A_181 = arith.muli %add3A_179, %mul3A_180 : i32
      %get3A_182 = arith.index_cast %mul3A_181 : i32 to index
      %get3A_183 = tpu.vector_load %arg4[%get3A_182] {strides = array<i32>} : memref<32768xi32, #tpu.memory_space<vmem>>, vector<16xi32>,
      %add3A_184 = arith.addi %add3A_175, %get3A_183 : vector<16xi32>
      %get3A_185 = arith.index_cast %mul3A_181 : i32 to index
      %get3A_186 = tpu.vector_load %arg5[%get3A_185] {strides = array<i32>} : memref<32768xi32, #tpu.memory_space<vmem>>, vector<16xi32>,
      %add3A_187 = arith.addi %add3A_184, %get3A_186 : vector<16xi32>
      %mul3A_188 = arith.constant 16 : i32
      %mul3A_189 = arith.muli %sub3A_127, %mul3A_188 : i32
      %add3A_190 = arith.constant 5 : i32
      %add3A_191 = arith.addi %mul3A_189, %add3A_190 : i32
      %mul3A_192 = arith.constant 16 : i32
      %mul3A_193 = arith.muli %add3A_191, %mul3A_192 : i32
      %get3A_194 = arith.index_cast %mul3A_193 : i32 to index
      %get3A_195 = tpu.vector_load %arg4[%get3A_194] {strides = array<i32>} : memref<32768xi32, #tpu.memory_space<vmem>>, vector<16xi32>,
      %add3A_196 = arith.addi %add3A_187, %get3A_195 : vector<16xi32>
      %get3A_197 = arith.index_cast %mul3A_193 : i32 to index
      %get3A_198 = tpu.vector_load %arg5[%get3A_197] {strides = array<i32>} : memref<32768xi32, #tpu.memory_space<vmem>>, vector<16xi32>,
      %add3A_199 = arith.addi %add3A_196, %get3A_198 : vector<16xi32>
      %mul3A_200 = arith.constant 16 : i32
      %mul3A_201 = arith.muli %sub3A_127, %mul3A_200 : i32
      %add3A_202 = arith.constant 6 : i32
      %add3A_203 = arith.addi %mul3A_201, %add3A_202 : i32
      %mul3A_204 = arith.constant 16 : i32
      %mul3A_205 = arith.muli %add3A_203, %mul3A_204 : i32
      %get3A_206 = arith.index_cast %mul3A_205 : i32 to index
      %get3A_207 = tpu.vector_load %arg4[%get3A_206] {strides = array<i32>} : memref<32768xi32, #tpu.memory_space<vmem>>, vector<16xi32>,
      %add3A_208 = arith.addi %add3A_199, %get3A_207 : vector<16xi32>
      %get3A_209 = arith.index_cast %mul3A_205 : i32 to index
      %get3A_210 = tpu.vector_load %arg5[%get3A_209] {strides = array<i32>} : memref<32768xi32, #tpu.memory_space<vmem>>, vector<16xi32>,
      %add3A_211 = arith.addi %add3A_208, %get3A_210 : vector<16xi32>
      %mul3A_212 = arith.constant 16 : i32
      %mul3A_213 = arith.muli %sub3A_127, %mul3A_212 : i32
      %add3A_214 = arith.constant 7 : i32
      %add3A_215 = arith.addi %mul3A_213, %add3A_214 : i32
      %mul3A_216 = arith.constant 16 : i32
      %mul3A_217 = arith.muli %add3A_215, %mul3A_216 : i32
      %get3A_218 = arith.index_cast %mul3A_217 : i32 to index
      %get3A_219 = tpu.vector_load %arg4[%get3A_218] {strides = array<i32>} : memref<32768xi32, #tpu.memory_space<vmem>>, vector<16xi32>,
      %add3A_220 = arith.addi %add3A_211, %get3A_219 : vector<16xi32>
      %get3A_221 = arith.index_cast %mul3A_217 : i32 to index
      %get3A_222 = tpu.vector_load %arg5[%get3A_221] {strides = array<i32>} : memref<32768xi32, #tpu.memory_space<vmem>>, vector<16xi32>,
      %add3A_223 = arith.addi %add3A_220, %get3A_222 : vector<16xi32>
      %mul3A_224 = arith.constant 16 : i32
      %mul3A_225 = arith.muli %sub3A_127, %mul3A_224 : i32
      %add3A_226 = arith.constant 8 : i32
      %add3A_227 = arith.addi %mul3A_225, %add3A_226 : i32
      %mul3A_228 = arith.constant 16 : i32
      %mul3A_229 = arith.muli %add3A_227, %mul3A_228 : i32
      %get3A_230 = arith.index_cast %mul3A_229 : i32 to index
      %get3A_231 = tpu.vector_load %arg4[%get3A_230] {strides = array<i32>} : memref<32768xi32, #tpu.memory_space<vmem>>, vector<16xi32>,
      %add3A_232 = arith.addi %add3A_223, %get3A_231 : vector<16xi32>
      %get3A_233 = arith.index_cast %mul3A_229 : i32 to index
      %get3A_234 = tpu.vector_load %arg5[%get3A_233] {strides = array<i32>} : memref<32768xi32, #tpu.memory_space<vmem>>, vector<16xi32>,
      %add3A_235 = arith.addi %add3A_232, %get3A_234 : vector<16xi32>
      %mul3A_236 = arith.constant 16 : i32
      %mul3A_237 = arith.muli %sub3A_127, %mul3A_236 : i32
      %add3A_238 = arith.constant 9 : i32
      %add3A_239 = arith.addi %mul3A_237, %add3A_238 : i32
      %mul3A_240 = arith.constant 16 : i32
      %mul3A_241 = arith.muli %add3A_239, %mul3A_240 : i32
      %get3A_242 = arith.index_cast %mul3A_241 : i32 to index
      %get3A_243 = tpu.vector_load %arg4[%get3A_242] {strides = array<i32>} : memref<32768xi32, #tpu.memory_space<vmem>>, vector<16xi32>,
      %add3A_244 = arith.addi %add3A_235, %get3A_243 : vector<16xi32>
      %get3A_245 = arith.index_cast %mul3A_241 : i32 to index
      %get3A_246 = tpu.vector_load %arg5[%get3A_245] {strides = array<i32>} : memref<32768xi32, #tpu.memory_space<vmem>>, vector<16xi32>,
      %add3A_247 = arith.addi %add3A_244, %get3A_246 : vector<16xi32>
      %mul3A_248 = arith.constant 16 : i32
      %mul3A_249 = arith.muli %sub3A_127, %mul3A_248 : i32
      %add3A_250 = arith.constant 10 : i32
      %add3A_251 = arith.addi %mul3A_249, %add3A_250 : i32
      %mul3A_252 = arith.constant 16 : i32
      %mul3A_253 = arith.muli %add3A_251, %mul3A_252 : i32
      %get3A_254 = arith.index_cast %mul3A_253 : i32 to index
      %get3A_255 = tpu.vector_load %arg4[%get3A_254] {strides = array<i32>} : memref<32768xi32, #tpu.memory_space<vmem>>, vector<16xi32>,
      %add3A_256 = arith.addi %add3A_247, %get3A_255 : vector<16xi32>
      %get3A_257 = arith.index_cast %mul3A_253 : i32 to index
      %get3A_258 = tpu.vector_load %arg5[%get3A_257] {strides = array<i32>} : memref<32768xi32, #tpu.memory_space<vmem>>, vector<16xi32>,
      %add3A_259 = arith.addi %add3A_256, %get3A_258 : vector<16xi32>
      %mul3A_260 = arith.constant 16 : i32
      %mul3A_261 = arith.muli %sub3A_127, %mul3A_260 : i32
      %add3A_262 = arith.constant 11 : i32
      %add3A_263 = arith.addi %mul3A_261, %add3A_262 : i32
      %mul3A_264 = arith.constant 16 : i32
      %mul3A_265 = arith.muli %add3A_263, %mul3A_264 : i32
      %get3A_266 = arith.index_cast %mul3A_265 : i32 to index
      %get3A_267 = tpu.vector_load %arg4[%get3A_266] {strides = array<i32>} : memref<32768xi32, #tpu.memory_space<vmem>>, vector<16xi32>,
      %add3A_268 = arith.addi %add3A_259, %get3A_267 : vector<16xi32>
      %get3A_269 = arith.index_cast %mul3A_265 : i32 to index
      %get3A_270 = tpu.vector_load %arg5[%get3A_269] {strides = array<i32>} : memref<32768xi32, #tpu.memory_space<vmem>>, vector<16xi32>,
      %add3A_271 = arith.addi %add3A_268, %get3A_270 : vector<16xi32>
      %mul3A_272 = arith.constant 16 : i32
      %mul3A_273 = arith.muli %sub3A_127, %mul3A_272 : i32
      %add3A_274 = arith.constant 12 : i32
      %add3A_275 = arith.addi %mul3A_273, %add3A_274 : i32
      %mul3A_276 = arith.constant 16 : i32
      %mul3A_277 = arith.muli %add3A_275, %mul3A_276 : i32
      %get3A_278 = arith.index_cast %mul3A_277 : i32 to index
      %get3A_279 = tpu.vector_load %arg4[%get3A_278] {strides = array<i32>} : memref<32768xi32, #tpu.memory_space<vmem>>, vector<16xi32>,
      %add3A_280 = arith.addi %add3A_271, %get3A_279 : vector<16xi32>
      %get3A_281 = arith.index_cast %mul3A_277 : i32 to index
      %get3A_282 = tpu.vector_load %arg5[%get3A_281] {strides = array<i32>} : memref<32768xi32, #tpu.memory_space<vmem>>, vector<16xi32>,
      %add3A_283 = arith.addi %add3A_280, %get3A_282 : vector<16xi32>
      %mul3A_284 = arith.constant 16 : i32
      %mul3A_285 = arith.muli %sub3A_127, %mul3A_284 : i32
      %add3A_286 = arith.constant 13 : i32
      %add3A_287 = arith.addi %mul3A_285, %add3A_286 : i32
      %mul3A_288 = arith.constant 16 : i32
      %mul3A_289 = arith.muli %add3A_287, %mul3A_288 : i32
      %get3A_290 = arith.index_cast %mul3A_289 : i32 to index
      %get3A_291 = tpu.vector_load %arg4[%get3A_290] {strides = array<i32>} : memref<32768xi32, #tpu.memory_space<vmem>>, vector<16xi32>,
      %add3A_292 = arith.addi %add3A_283, %get3A_291 : vector<16xi32>
      %get3A_293 = arith.index_cast %mul3A_289 : i32 to index
      %get3A_294 = tpu.vector_load %arg5[%get3A_293] {strides = array<i32>} : memref<32768xi32, #tpu.memory_space<vmem>>, vector<16xi32>,
      %add3A_295 = arith.addi %add3A_292, %get3A_294 : vector<16xi32>
      %mul3A_296 = arith.constant 16 : i32
      %mul3A_297 = arith.muli %sub3A_127, %mul3A_296 : i32
      %add3A_298 = arith.constant 14 : i32
      %add3A_299 = arith.addi %mul3A_297, %add3A_298 : i32
      %mul3A_300 = arith.constant 16 : i32
      %mul3A_301 = arith.muli %add3A_299, %mul3A_300 : i32
      %get3A_302 = arith.index_cast %mul3A_301 : i32 to index
      %get3A_303 = tpu.vector_load %arg4[%get3A_302] {strides = array<i32>} : memref<32768xi32, #tpu.memory_space<vmem>>, vector<16xi32>,
      %add3A_304 = arith.addi %add3A_295, %get3A_303 : vector<16xi32>
      %get3A_305 = arith.index_cast %mul3A_301 : i32 to index
      %get3A_306 = tpu.vector_load %arg5[%get3A_305] {strides = array<i32>} : memref<32768xi32, #tpu.memory_space<vmem>>, vector<16xi32>,
      %add3A_307 = arith.addi %add3A_304, %get3A_306 : vector<16xi32>
      %mul3A_308 = arith.constant 16 : i32
      %mul3A_309 = arith.muli %sub3A_127, %mul3A_308 : i32
      %add3A_310 = arith.constant 15 : i32
      %add3A_311 = arith.addi %mul3A_309, %add3A_310 : i32
      %mul3A_312 = arith.constant 16 : i32
      %mul3A_313 = arith.muli %add3A_311, %mul3A_312 : i32
      %get3A_314 = arith.index_cast %mul3A_313 : i32 to index
      %get3A_315 = tpu.vector_load %arg4[%get3A_314] {strides = array<i32>} : memref<32768xi32, #tpu.memory_space<vmem>>, vector<16xi32>,
      %add3A_316 = arith.addi %add3A_307, %get3A_315 : vector<16xi32>
      %get3A_317 = arith.index_cast %mul3A_313 : i32 to index
      %get3A_318 = tpu.vector_load %arg5[%get3A_317] {strides = array<i32>} : memref<32768xi32, #tpu.memory_space<vmem>>, vector<16xi32>,
      %add3A_319 = arith.addi %add3A_316, %get3A_318 : vector<16xi32>
      %reduce_sum3A = arith.constant true
      %reduce_sum3A_320 = vector.broadcast %reduce_sum3A : i1 to vector<16xi1>
      %reduce_sum3A_321 = tpu.scan <sum>, %add3A_319 masked %reduce_sum3A_320 : vector<16xi32>, vector<16xi1> -> vector<16xi32>
      %reduce_sum3A_322 = vector.extract %reduce_sum3A_321[15] : i32 from vector<16xi32>
      %add3A_323 = arith.addi %scan3A_123, %reduce_sum3A_322 : i32
      %lt3A = arith.cmpi slt, %scan3A_123, %sub3A_40 : i32
      %ge3A = arith.cmpi sge, %add3A_323, %sub3A_40 : i32
      %and3A = arith.andi %lt3A, %ge3A : i1
      %select_n3A = arith.select %and3A, %sub3A_127, %scan3A_124 : i32
      %select_n3A_324 = arith.select %and3A, %scan3A_123, %scan3A_125 : i32
      scf.yield %add3A_323, %select_n3A, %select_n3A_324 : i32, i32, i32
    }
    %scan3A_68 = arith.constant 128 : i32
    %scan3A_69 = arith.constant 0 : i32
    %scan3A_70 = arith.constant 0 : i32
    %scan3A_71 = arith.constant 0 : i32
    %scan3A_72 = arith.constant 16 : i32
    %scan3A_73 = arith.addi %scan3A_71, %scan3A_72 : i32
    %scan3A_74 = arith.constant 1 : i32
    %scan3A_75:3 = scf.for %scan3A_122 = %scan3A_71 to %scan3A_73 step %scan3A_74 iter_args(%scan3A_123 = %scan3A_67#2, %scan3A_124 = %scan3A_69, %scan3A_125 = %scan3A_70) -> (i32, i32, i32)  : i32 {
      %mul3A_126 = arith.constant 16 : i32
      %mul3A_127 = arith.muli %scan3A_67#1, %mul3A_126 : i32
      %add3A_128 = arith.constant 15 : i32
      %add3A_129 = arith.addi %mul3A_127, %add3A_128 : i32
      %sub3A_130 = arith.subi %add3A_129, %scan3A_122 : i32
      %mul3A_131 = arith.constant 16 : i32
      %mul3A_132 = arith.muli %sub3A_130, %mul3A_131 : i32
      %get3A = arith.index_cast %mul3A_132 : i32 to index
      %get3A_133 = tpu.vector_load %arg4[%get3A] {strides = array<i32>} : memref<32768xi32, #tpu.memory_space<vmem>>, vector<16xi32>,
      %mul3A_134 = arith.constant 16 : i32
      %mul3A_135 = arith.muli %sub3A_130, %mul3A_134 : i32
      %get3A_136 = arith.index_cast %mul3A_135 : i32 to index
      %get3A_137 = tpu.vector_load %arg5[%get3A_136] {strides = array<i32>} : memref<32768xi32, #tpu.memory_space<vmem>>, vector<16xi32>,
      %add3A_138 = arith.addi %get3A_133, %get3A_137 : vector<16xi32>
      %reduce_sum3A = arith.constant true
      %reduce_sum3A_139 = vector.broadcast %reduce_sum3A : i1 to vector<16xi1>
      %reduce_sum3A_140 = tpu.scan <sum>, %add3A_138 masked %reduce_sum3A_139 : vector<16xi32>, vector<16xi1> -> vector<16xi32>
      %reduce_sum3A_141 = vector.extract %reduce_sum3A_140[15] : i32 from vector<16xi32>
      %add3A_142 = arith.addi %scan3A_123, %reduce_sum3A_141 : i32
      %lt3A = arith.cmpi slt, %scan3A_123, %sub3A_40 : i32
      %ge3A = arith.cmpi sge, %add3A_142, %sub3A_40 : i32
      %and3A = arith.andi %lt3A, %ge3A : i1
      %select_n3A = arith.select %and3A, %sub3A_130, %scan3A_124 : i32
      %select_n3A_143 = arith.select %and3A, %scan3A_123, %scan3A_125 : i32
      scf.yield %add3A_142, %select_n3A, %select_n3A_143 : i32, i32, i32
    }
    %scan3A_76 = arith.constant 16 : i32
    %mul3A_77 = arith.constant 2048 : i32
    %mul3A_78 = arith.muli %sub3A_38, %mul3A_77 : i32
    %add3A_79 = arith.addi %mul3A_78, %scan3A_75#1 : i32
    %sub3A_80 = arith.subi %sub3A_40, %scan3A_75#2 : i32
    %scan3A_81 = arith.constant 0 : i32
    %scan3A_82 = arith.constant 0 : i32
    %scan3A_83 = arith.constant 1024 : i32
    %scan3A_84 = arith.addi %scan3A_82, %scan3A_83 : i32
    %scan3A_85 = arith.constant 1 : i32
    %scan3A_86 = scf.for %scan3A_122 = %scan3A_82 to %scan3A_84 step %scan3A_85 iter_args(%scan3A_123 = %scan3A_81) -> (i32)  : i32 {
      %mul3A_124 = arith.constant 16 : i32
      %mul3A_125 = arith.muli %scan3A_122, %mul3A_124 : i32
      %swap3A_126 = arith.index_cast %mul3A_125 : i32 to index
      %swap3A_127 = tpu.vector_load %arg4[%swap3A_126] {strides = array<i32>} : memref<32768xi32, #tpu.memory_space<vmem>>, vector<16xi32>,
      tpu.vector_store %arg4[%swap3A_126], %broadcast_in_dim3A_3 {strides = array<i32>} : memref<32768xi32, #tpu.memory_space<vmem>>, vector<16xi32>,
      %mul3A_128 = arith.constant 16 : i32
      %mul3A_129 = arith.muli %scan3A_122, %mul3A_128 : i32
      %swap3A_130 = arith.index_cast %mul3A_129 : i32 to index
      %swap3A_131 = tpu.vector_load %arg5[%swap3A_130] {strides = array<i32>} : memref<32768xi32, #tpu.memory_space<vmem>>, vector<16xi32>,
      tpu.vector_store %arg5[%swap3A_130], %broadcast_in_dim3A_3 {strides = array<i32>} : memref<32768xi32, #tpu.memory_space<vmem>>, vector<16xi32>,
      %scan3A_132 = arith.constant 0 : i32
      scf.yield %scan3A_132 : i32
    }
    %scan3A_87 = arith.constant 1024 : i32
    %dma_start3A_88 = arith.constant 0 : i32
    %dma_start3A_89 = tpu.memref_slice %arg2[%add3A, %dma_start3A_88] : memref<32x602112xi32, #tpu.memory_space<hbm>> -> memref<1x18816xi32, #tpu.memory_space<hbm>>
    %dma_start3A_90 = tpu.memref_squeeze %dma_start3A_89 : memref<1x18816xi32, #tpu.memory_space<hbm>> -> memref<18816xi32, #tpu.memory_space<hbm>>
    %dma_start3A_91 = arith.constant 0 : i32
    %dma_start3A_92 = tpu.memref_slice %arg2[%add3A, %dma_start3A_91] : memref<32x602112xi32, #tpu.memory_space<hbm>> -> memref<1x18816xi32, #tpu.memory_space<hbm>>
    %dma_start3A_93 = tpu.memref_squeeze %dma_start3A_92 : memref<1x18816xi32, #tpu.memory_space<hbm>> -> memref<18816xi32, #tpu.memory_space<hbm>>
    tpu.enqueue_dma source(%dma_start3A_93 : memref<18816xi32, #tpu.memory_space<hbm>>) target(%arg6 : memref<18816xi32, #tpu.memory_space<vmem>>) target_semaphore(%arg9 : memref<!tpu.dma_semaphore, #tpu.memory_space<semaphore_mem>>)
    %scan3A_94 = arith.constant 0 : i32
    %scan3A_95 = arith.constant 0 : i32
    %scan3A_96 = arith.constant 16 : i32
    %scan3A_97 = arith.addi %scan3A_95, %scan3A_96 : i32
    %scan3A_98 = arith.constant 1 : i32
    scf.for %scan3A_122 = %scan3A_95 to %scan3A_97 step %scan3A_98  : i32 {
      %mul3A_123 = arith.constant 2 : i32
      %mul3A_124 = arith.muli %scan3A_122, %mul3A_123 : i32
      %add3A_125 = arith.constant 1 : i32
      %add3A_126 = arith.addi %mul3A_124, %add3A_125 : i32
      %mul3A_127 = arith.constant 18816 : i32
      %mul3A_128 = arith.muli %add3A_126, %mul3A_127 : i32
      %dma_start3A_129 = tpu.memref_slice %arg2[%add3A, %mul3A_128] : memref<32x602112xi32, #tpu.memory_space<hbm>> -> memref<1x18816xi32, #tpu.memory_space<hbm>>
      %dma_start3A_130 = tpu.memref_squeeze %dma_start3A_129 : memref<1x18816xi32, #tpu.memory_space<hbm>> -> memref<18816xi32, #tpu.memory_space<hbm>>
      %dma_start3A_131 = tpu.memref_slice %arg2[%add3A, %mul3A_128] : memref<32x602112xi32, #tpu.memory_space<hbm>> -> memref<1x18816xi32, #tpu.memory_space<hbm>>
      %dma_start3A_132 = tpu.memref_squeeze %dma_start3A_131 : memref<1x18816xi32, #tpu.memory_space<hbm>> -> memref<18816xi32, #tpu.memory_space<hbm>>
      tpu.enqueue_dma source(%dma_start3A_132 : memref<18816xi32, #tpu.memory_space<hbm>>) target(%arg7 : memref<18816xi32, #tpu.memory_space<vmem>>) target_semaphore(%arg10 : memref<!tpu.dma_semaphore, #tpu.memory_space<semaphore_mem>>)
      %dma_wait3A = arith.constant 0 : i32
      %dma_wait3A_133 = tpu.memref_slice %arg2[%add3A, %dma_wait3A] : memref<32x602112xi32, #tpu.memory_space<hbm>> -> memref<1x18816xi32, #tpu.memory_space<hbm>>
      %dma_wait3A_134 = tpu.memref_squeeze %dma_wait3A_133 : memref<1x18816xi32, #tpu.memory_space<hbm>> -> memref<18816xi32, #tpu.memory_space<hbm>>
      %dma_wait3A_135 = arith.constant 0 : i32
      %dma_wait3A_136 = tpu.memref_slice %arg2[%add3A, %dma_wait3A_135] : memref<32x602112xi32, #tpu.memory_space<hbm>> -> memref<1x18816xi32, #tpu.memory_space<hbm>>
      %dma_wait3A_137 = tpu.memref_squeeze %dma_wait3A_136 : memref<1x18816xi32, #tpu.memory_space<hbm>> -> memref<18816xi32, #tpu.memory_space<hbm>>
      tpu.wait_dma2 semaphore(%arg9 : memref<!tpu.dma_semaphore, #tpu.memory_space<semaphore_mem>>) src(%dma_wait3A_137 : memref<18816xi32, #tpu.memory_space<hbm>>) dst(%arg6 : memref<18816xi32, #tpu.memory_space<vmem>>)
      %parallel_loop3A = arith.constant 0 : i32
      %parallel_loop3A_138 = arith.constant 294 : i32
      %parallel_loop3A_139 = arith.constant 1 : i32
      scf.for %parallel_loop3A_153 = %parallel_loop3A to %parallel_loop3A_138 step %parallel_loop3A_139  : i32 {
        %parallel_loop3A_154 = arith.constant 4 : i32
        %parallel_loop3A_155 = arith.muli %parallel_loop3A_153, %parallel_loop3A_154 : i32
        %parallel_loop3A_156 = arith.constant 0 : i32
        %parallel_loop3A_157 = arith.addi %parallel_loop3A_155, %parallel_loop3A_156 : i32
        %parallel_loop3A_158 = arith.constant 16 : i32
        %parallel_loop3A_159 = arith.muli %parallel_loop3A_157, %parallel_loop3A_158 : i32
        %parallel_loop3A_160 = arith.index_cast %parallel_loop3A_159 : i32 to index
        %parallel_loop3A_161 = tpu.vector_load %arg6[%parallel_loop3A_160] {strides = array<i32>} : memref<18816xi32, #tpu.memory_space<vmem>>, vector<16xi32>,
        %parallel_loop3A_162 = arith.constant 10 : i32
        %parallel_loop3A_163 = vector.broadcast %parallel_loop3A_162 : i32 to vector<16xi32>
        %parallel_loop3A_164 = arith.shrsi %parallel_loop3A_161, %parallel_loop3A_163 : vector<16xi32>
        %parallel_loop3A_165 = vector.broadcast %add3A_79 : i32 to vector<16xi32>
        %parallel_loop3A_166 = arith.cmpi eq, %parallel_loop3A_164, %parallel_loop3A_165 : vector<16xi32>
        %parallel_loop3A_167 = arith.constant 1023 : i32
        %parallel_loop3A_168 = vector.broadcast %parallel_loop3A_167 : i32 to vector<16xi32>
        %parallel_loop3A_169 = arith.andi %parallel_loop3A_161, %parallel_loop3A_168 : vector<16xi32>
        %parallel_loop3A_170 = arith.constant 16 : i32
        %parallel_loop3A_171 = vector.broadcast %parallel_loop3A_170 : i32 to vector<16xi32>
        %parallel_loop3A_172 = arith.muli %parallel_loop3A_169, %parallel_loop3A_171 : vector<16xi32>
        %parallel_loop3A_173 = arith.addi %parallel_loop3A_172, %iota3A : vector<16xi32>
        tpu.vector_store_idx %arg4[%parallel_loop3A_173], %broadcast_in_dim3A_1 masked %parallel_loop3A_166 {add = true} : memref<32768xi32, #tpu.memory_space<vmem>>[vector<16xi32>], vector<16xi32>, vector<16xi1>
        %parallel_loop3A_174 = arith.constant 4 : i32
        %parallel_loop3A_175 = arith.muli %parallel_loop3A_153, %parallel_loop3A_174 : i32
        %parallel_loop3A_176 = arith.constant 1 : i32
        %parallel_loop3A_177 = arith.addi %parallel_loop3A_175, %parallel_loop3A_176 : i32
        %parallel_loop3A_178 = arith.constant 16 : i32
        %parallel_loop3A_179 = arith.muli %parallel_loop3A_177, %parallel_loop3A_178 : i32
        %parallel_loop3A_180 = arith.index_cast %parallel_loop3A_179 : i32 to index
        %parallel_loop3A_181 = tpu.vector_load %arg6[%parallel_loop3A_180] {strides = array<i32>} : memref<18816xi32, #tpu.memory_space<vmem>>, vector<16xi32>,
        %parallel_loop3A_182 = arith.constant 10 : i32
        %parallel_loop3A_183 = vector.broadcast %parallel_loop3A_182 : i32 to vector<16xi32>
        %parallel_loop3A_184 = arith.shrsi %parallel_loop3A_181, %parallel_loop3A_183 : vector<16xi32>
        %parallel_loop3A_185 = vector.broadcast %add3A_79 : i32 to vector<16xi32>
        %parallel_loop3A_186 = arith.cmpi eq, %parallel_loop3A_184, %parallel_loop3A_185 : vector<16xi32>
        %parallel_loop3A_187 = arith.constant 1023 : i32
        %parallel_loop3A_188 = vector.broadcast %parallel_loop3A_187 : i32 to vector<16xi32>
        %parallel_loop3A_189 = arith.andi %parallel_loop3A_181, %parallel_loop3A_188 : vector<16xi32>
        %parallel_loop3A_190 = arith.constant 16 : i32
        %parallel_loop3A_191 = vector.broadcast %parallel_loop3A_190 : i32 to vector<16xi32>
        %parallel_loop3A_192 = arith.muli %parallel_loop3A_189, %parallel_loop3A_191 : vector<16xi32>
        %parallel_loop3A_193 = arith.addi %parallel_loop3A_192, %iota3A : vector<16xi32>
        tpu.vector_store_idx %arg5[%parallel_loop3A_193], %broadcast_in_dim3A_1 masked %parallel_loop3A_186 {add = true} : memref<32768xi32, #tpu.memory_space<vmem>>[vector<16xi32>], vector<16xi32>, vector<16xi1>
        %parallel_loop3A_194 = arith.constant 4 : i32
        %parallel_loop3A_195 = arith.muli %parallel_loop3A_153, %parallel_loop3A_194 : i32
        %parallel_loop3A_196 = arith.constant 2 : i32
        %parallel_loop3A_197 = arith.addi %parallel_loop3A_195, %parallel_loop3A_196 : i32
        %parallel_loop3A_198 = arith.constant 16 : i32
        %parallel_loop3A_199 = arith.muli %parallel_loop3A_197, %parallel_loop3A_198 : i32
        %parallel_loop3A_200 = arith.index_cast %parallel_loop3A_199 : i32 to index
        %parallel_loop3A_201 = tpu.vector_load %arg6[%parallel_loop3A_200] {strides = array<i32>} : memref<18816xi32, #tpu.memory_space<vmem>>, vector<16xi32>,
        %parallel_loop3A_202 = arith.constant 10 : i32
        %parallel_loop3A_203 = vector.broadcast %parallel_loop3A_202 : i32 to vector<16xi32>
        %parallel_loop3A_204 = arith.shrsi %parallel_loop3A_201, %parallel_loop3A_203 : vector<16xi32>
        %parallel_loop3A_205 = vector.broadcast %add3A_79 : i32 to vector<16xi32>
        %parallel_loop3A_206 = arith.cmpi eq, %parallel_loop3A_204, %parallel_loop3A_205 : vector<16xi32>
        %parallel_loop3A_207 = arith.constant 1023 : i32
        %parallel_loop3A_208 = vector.broadcast %parallel_loop3A_207 : i32 to vector<16xi32>
        %parallel_loop3A_209 = arith.andi %parallel_loop3A_201, %parallel_loop3A_208 : vector<16xi32>
        %parallel_loop3A_210 = arith.constant 16 : i32
        %parallel_loop3A_211 = vector.broadcast %parallel_loop3A_210 : i32 to vector<16xi32>
        %parallel_loop3A_212 = arith.muli %parallel_loop3A_209, %parallel_loop3A_211 : vector<16xi32>
        %parallel_loop3A_213 = arith.addi %parallel_loop3A_212, %iota3A : vector<16xi32>
        tpu.vector_store_idx %arg4[%parallel_loop3A_213], %broadcast_in_dim3A_1 masked %parallel_loop3A_206 {add = true} : memref<32768xi32, #tpu.memory_space<vmem>>[vector<16xi32>], vector<16xi32>, vector<16xi1>
        %parallel_loop3A_214 = arith.constant 4 : i32
        %parallel_loop3A_215 = arith.muli %parallel_loop3A_153, %parallel_loop3A_214 : i32
        %parallel_loop3A_216 = arith.constant 3 : i32
        %parallel_loop3A_217 = arith.addi %parallel_loop3A_215, %parallel_loop3A_216 : i32
        %parallel_loop3A_218 = arith.constant 16 : i32
        %parallel_loop3A_219 = arith.muli %parallel_loop3A_217, %parallel_loop3A_218 : i32
        %parallel_loop3A_220 = arith.index_cast %parallel_loop3A_219 : i32 to index
        %parallel_loop3A_221 = tpu.vector_load %arg6[%parallel_loop3A_220] {strides = array<i32>} : memref<18816xi32, #tpu.memory_space<vmem>>, vector<16xi32>,
        %parallel_loop3A_222 = arith.constant 10 : i32
        %parallel_loop3A_223 = vector.broadcast %parallel_loop3A_222 : i32 to vector<16xi32>
        %parallel_loop3A_224 = arith.shrsi %parallel_loop3A_221, %parallel_loop3A_223 : vector<16xi32>
        %parallel_loop3A_225 = vector.broadcast %add3A_79 : i32 to vector<16xi32>
        %parallel_loop3A_226 = arith.cmpi eq, %parallel_loop3A_224, %parallel_loop3A_225 : vector<16xi32>
        %parallel_loop3A_227 = arith.constant 1023 : i32
        %parallel_loop3A_228 = vector.broadcast %parallel_loop3A_227 : i32 to vector<16xi32>
        %parallel_loop3A_229 = arith.andi %parallel_loop3A_221, %parallel_loop3A_228 : vector<16xi32>
        %parallel_loop3A_230 = arith.constant 16 : i32
        %parallel_loop3A_231 = vector.broadcast %parallel_loop3A_230 : i32 to vector<16xi32>
        %parallel_loop3A_232 = arith.muli %parallel_loop3A_229, %parallel_loop3A_231 : vector<16xi32>
        %parallel_loop3A_233 = arith.addi %parallel_loop3A_232, %iota3A : vector<16xi32>
        tpu.vector_store_idx %arg5[%parallel_loop3A_233], %broadcast_in_dim3A_1 masked %parallel_loop3A_226 {add = true} : memref<32768xi32, #tpu.memory_space<vmem>>[vector<16xi32>], vector<16xi32>, vector<16xi1>
      } {sc.loop_unroll_factor = 2 : i64, sc.parallel_access}
      %add3A_140 = arith.constant 2 : i32
      %add3A_141 = arith.addi %mul3A_124, %add3A_140 : i32
      %lt3A = arith.constant 32 : i32
      %lt3A_142 = arith.cmpi slt, %add3A_141, %lt3A : i32
      %convert_element_type3A = arith.extui %lt3A_142 : i1 to i32
      %cond3A = arith.constant 0 : i32
      %cond3A_143 = arith.cmpi ne, %convert_element_type3A, %cond3A : i32
      scf.if %cond3A_143 {
        %add3A_153 = arith.constant 2 : i32
        %add3A_154 = arith.addi %mul3A_124, %add3A_153 : i32
        %mul3A_155 = arith.constant 18816 : i32
        %mul3A_156 = arith.muli %add3A_154, %mul3A_155 : i32
        %dma_start3A_157 = tpu.memref_slice %arg2[%add3A, %mul3A_156] : memref<32x602112xi32, #tpu.memory_space<hbm>> -> memref<1x18816xi32, #tpu.memory_space<hbm>>
        %dma_start3A_158 = tpu.memref_squeeze %dma_start3A_157 : memref<1x18816xi32, #tpu.memory_space<hbm>> -> memref<18816xi32, #tpu.memory_space<hbm>>
        %dma_start3A_159 = tpu.memref_slice %arg2[%add3A, %mul3A_156] : memref<32x602112xi32, #tpu.memory_space<hbm>> -> memref<1x18816xi32, #tpu.memory_space<hbm>>
        %dma_start3A_160 = tpu.memref_squeeze %dma_start3A_159 : memref<1x18816xi32, #tpu.memory_space<hbm>> -> memref<18816xi32, #tpu.memory_space<hbm>>
        tpu.enqueue_dma source(%dma_start3A_160 : memref<18816xi32, #tpu.memory_space<hbm>>) target(%arg6 : memref<18816xi32, #tpu.memory_space<vmem>>) target_semaphore(%arg9 : memref<!tpu.dma_semaphore, #tpu.memory_space<semaphore_mem>>)
      } else {
      }
      %dma_wait3A_144 = arith.constant 0 : i32
      %dma_wait3A_145 = tpu.memref_slice %arg2[%add3A, %dma_wait3A_144] : memref<32x602112xi32, #tpu.memory_space<hbm>> -> memref<1x18816xi32, #tpu.memory_space<hbm>>
      %dma_wait3A_146 = tpu.memref_squeeze %dma_wait3A_145 : memref<1x18816xi32, #tpu.memory_space<hbm>> -> memref<18816xi32, #tpu.memory_space<hbm>>
      %dma_wait3A_147 = arith.constant 0 : i32
      %dma_wait3A_148 = tpu.memref_slice %arg2[%add3A, %dma_wait3A_147] : memref<32x602112xi32, #tpu.memory_space<hbm>> -> memref<1x18816xi32, #tpu.memory_space<hbm>>
      %dma_wait3A_149 = tpu.memref_squeeze %dma_wait3A_148 : memref<1x18816xi32, #tpu.memory_space<hbm>> -> memref<18816xi32, #tpu.memory_space<hbm>>
      tpu.wait_dma2 semaphore(%arg10 : memref<!tpu.dma_semaphore, #tpu.memory_space<semaphore_mem>>) src(%dma_wait3A_149 : memref<18816xi32, #tpu.memory_space<hbm>>) dst(%arg7 : memref<18816xi32, #tpu.memory_space<vmem>>)
      %parallel_loop3A_150 = arith.constant 0 : i32
      %parallel_loop3A_151 = arith.constant 294 : i32
      %parallel_loop3A_152 = arith.constant 1 : i32
      scf.for %parallel_loop3A_153 = %parallel_loop3A_150 to %parallel_loop3A_151 step %parallel_loop3A_152  : i32 {
        %parallel_loop3A_154 = arith.constant 4 : i32
        %parallel_loop3A_155 = arith.muli %parallel_loop3A_153, %parallel_loop3A_154 : i32
        %parallel_loop3A_156 = arith.constant 0 : i32
        %parallel_loop3A_157 = arith.addi %parallel_loop3A_155, %parallel_loop3A_156 : i32
        %parallel_loop3A_158 = arith.constant 16 : i32
        %parallel_loop3A_159 = arith.muli %parallel_loop3A_157, %parallel_loop3A_158 : i32
        %parallel_loop3A_160 = arith.index_cast %parallel_loop3A_159 : i32 to index
        %parallel_loop3A_161 = tpu.vector_load %arg7[%parallel_loop3A_160] {strides = array<i32>} : memref<18816xi32, #tpu.memory_space<vmem>>, vector<16xi32>,
        %parallel_loop3A_162 = arith.constant 10 : i32
        %parallel_loop3A_163 = vector.broadcast %parallel_loop3A_162 : i32 to vector<16xi32>
        %parallel_loop3A_164 = arith.shrsi %parallel_loop3A_161, %parallel_loop3A_163 : vector<16xi32>
        %parallel_loop3A_165 = vector.broadcast %add3A_79 : i32 to vector<16xi32>
        %parallel_loop3A_166 = arith.cmpi eq, %parallel_loop3A_164, %parallel_loop3A_165 : vector<16xi32>
        %parallel_loop3A_167 = arith.constant 1023 : i32
        %parallel_loop3A_168 = vector.broadcast %parallel_loop3A_167 : i32 to vector<16xi32>
        %parallel_loop3A_169 = arith.andi %parallel_loop3A_161, %parallel_loop3A_168 : vector<16xi32>
        %parallel_loop3A_170 = arith.constant 16 : i32
        %parallel_loop3A_171 = vector.broadcast %parallel_loop3A_170 : i32 to vector<16xi32>
        %parallel_loop3A_172 = arith.muli %parallel_loop3A_169, %parallel_loop3A_171 : vector<16xi32>
        %parallel_loop3A_173 = arith.addi %parallel_loop3A_172, %iota3A : vector<16xi32>
        tpu.vector_store_idx %arg4[%parallel_loop3A_173], %broadcast_in_dim3A_1 masked %parallel_loop3A_166 {add = true} : memref<32768xi32, #tpu.memory_space<vmem>>[vector<16xi32>], vector<16xi32>, vector<16xi1>
        %parallel_loop3A_174 = arith.constant 4 : i32
        %parallel_loop3A_175 = arith.muli %parallel_loop3A_153, %parallel_loop3A_174 : i32
        %parallel_loop3A_176 = arith.constant 1 : i32
        %parallel_loop3A_177 = arith.addi %parallel_loop3A_175, %parallel_loop3A_176 : i32
        %parallel_loop3A_178 = arith.constant 16 : i32
        %parallel_loop3A_179 = arith.muli %parallel_loop3A_177, %parallel_loop3A_178 : i32
        %parallel_loop3A_180 = arith.index_cast %parallel_loop3A_179 : i32 to index
        %parallel_loop3A_181 = tpu.vector_load %arg7[%parallel_loop3A_180] {strides = array<i32>} : memref<18816xi32, #tpu.memory_space<vmem>>, vector<16xi32>,
        %parallel_loop3A_182 = arith.constant 10 : i32
        %parallel_loop3A_183 = vector.broadcast %parallel_loop3A_182 : i32 to vector<16xi32>
        %parallel_loop3A_184 = arith.shrsi %parallel_loop3A_181, %parallel_loop3A_183 : vector<16xi32>
        %parallel_loop3A_185 = vector.broadcast %add3A_79 : i32 to vector<16xi32>
        %parallel_loop3A_186 = arith.cmpi eq, %parallel_loop3A_184, %parallel_loop3A_185 : vector<16xi32>
        %parallel_loop3A_187 = arith.constant 1023 : i32
        %parallel_loop3A_188 = vector.broadcast %parallel_loop3A_187 : i32 to vector<16xi32>
        %parallel_loop3A_189 = arith.andi %parallel_loop3A_181, %parallel_loop3A_188 : vector<16xi32>
        %parallel_loop3A_190 = arith.constant 16 : i32
        %parallel_loop3A_191 = vector.broadcast %parallel_loop3A_190 : i32 to vector<16xi32>
        %parallel_loop3A_192 = arith.muli %parallel_loop3A_189, %parallel_loop3A_191 : vector<16xi32>
        %parallel_loop3A_193 = arith.addi %parallel_loop3A_192, %iota3A : vector<16xi32>
        tpu.vector_store_idx %arg5[%parallel_loop3A_193], %broadcast_in_dim3A_1 masked %parallel_loop3A_186 {add = true} : memref<32768xi32, #tpu.memory_space<vmem>>[vector<16xi32>], vector<16xi32>, vector<16xi1>
        %parallel_loop3A_194 = arith.constant 4 : i32
        %parallel_loop3A_195 = arith.muli %parallel_loop3A_153, %parallel_loop3A_194 : i32
        %parallel_loop3A_196 = arith.constant 2 : i32
        %parallel_loop3A_197 = arith.addi %parallel_loop3A_195, %parallel_loop3A_196 : i32
        %parallel_loop3A_198 = arith.constant 16 : i32
        %parallel_loop3A_199 = arith.muli %parallel_loop3A_197, %parallel_loop3A_198 : i32
        %parallel_loop3A_200 = arith.index_cast %parallel_loop3A_199 : i32 to index
        %parallel_loop3A_201 = tpu.vector_load %arg7[%parallel_loop3A_200] {strides = array<i32>} : memref<18816xi32, #tpu.memory_space<vmem>>, vector<16xi32>,
        %parallel_loop3A_202 = arith.constant 10 : i32
        %parallel_loop3A_203 = vector.broadcast %parallel_loop3A_202 : i32 to vector<16xi32>
        %parallel_loop3A_204 = arith.shrsi %parallel_loop3A_201, %parallel_loop3A_203 : vector<16xi32>
        %parallel_loop3A_205 = vector.broadcast %add3A_79 : i32 to vector<16xi32>
        %parallel_loop3A_206 = arith.cmpi eq, %parallel_loop3A_204, %parallel_loop3A_205 : vector<16xi32>
        %parallel_loop3A_207 = arith.constant 1023 : i32
        %parallel_loop3A_208 = vector.broadcast %parallel_loop3A_207 : i32 to vector<16xi32>
        %parallel_loop3A_209 = arith.andi %parallel_loop3A_201, %parallel_loop3A_208 : vector<16xi32>
        %parallel_loop3A_210 = arith.constant 16 : i32
        %parallel_loop3A_211 = vector.broadcast %parallel_loop3A_210 : i32 to vector<16xi32>
        %parallel_loop3A_212 = arith.muli %parallel_loop3A_209, %parallel_loop3A_211 : vector<16xi32>
        %parallel_loop3A_213 = arith.addi %parallel_loop3A_212, %iota3A : vector<16xi32>
        tpu.vector_store_idx %arg4[%parallel_loop3A_213], %broadcast_in_dim3A_1 masked %parallel_loop3A_206 {add = true} : memref<32768xi32, #tpu.memory_space<vmem>>[vector<16xi32>], vector<16xi32>, vector<16xi1>
        %parallel_loop3A_214 = arith.constant 4 : i32
        %parallel_loop3A_215 = arith.muli %parallel_loop3A_153, %parallel_loop3A_214 : i32
        %parallel_loop3A_216 = arith.constant 3 : i32
        %parallel_loop3A_217 = arith.addi %parallel_loop3A_215, %parallel_loop3A_216 : i32
        %parallel_loop3A_218 = arith.constant 16 : i32
        %parallel_loop3A_219 = arith.muli %parallel_loop3A_217, %parallel_loop3A_218 : i32
        %parallel_loop3A_220 = arith.index_cast %parallel_loop3A_219 : i32 to index
        %parallel_loop3A_221 = tpu.vector_load %arg7[%parallel_loop3A_220] {strides = array<i32>} : memref<18816xi32, #tpu.memory_space<vmem>>, vector<16xi32>,
        %parallel_loop3A_222 = arith.constant 10 : i32
        %parallel_loop3A_223 = vector.broadcast %parallel_loop3A_222 : i32 to vector<16xi32>
        %parallel_loop3A_224 = arith.shrsi %parallel_loop3A_221, %parallel_loop3A_223 : vector<16xi32>
        %parallel_loop3A_225 = vector.broadcast %add3A_79 : i32 to vector<16xi32>
        %parallel_loop3A_226 = arith.cmpi eq, %parallel_loop3A_224, %parallel_loop3A_225 : vector<16xi32>
        %parallel_loop3A_227 = arith.constant 1023 : i32
        %parallel_loop3A_228 = vector.broadcast %parallel_loop3A_227 : i32 to vector<16xi32>
        %parallel_loop3A_229 = arith.andi %parallel_loop3A_221, %parallel_loop3A_228 : vector<16xi32>
        %parallel_loop3A_230 = arith.constant 16 : i32
        %parallel_loop3A_231 = vector.broadcast %parallel_loop3A_230 : i32 to vector<16xi32>
        %parallel_loop3A_232 = arith.muli %parallel_loop3A_229, %parallel_loop3A_231 : vector<16xi32>
        %parallel_loop3A_233 = arith.addi %parallel_loop3A_232, %iota3A : vector<16xi32>
        tpu.vector_store_idx %arg5[%parallel_loop3A_233], %broadcast_in_dim3A_1 masked %parallel_loop3A_226 {add = true} : memref<32768xi32, #tpu.memory_space<vmem>>[vector<16xi32>], vector<16xi32>, vector<16xi1>
      } {sc.loop_unroll_factor = 2 : i64, sc.parallel_access}
    }
    %scan3A_99 = arith.constant 16 : i32
    %scan3A_100 = arith.constant 0 : i32
    %scan3A_101 = arith.constant 0 : i32
    %scan3A_102 = arith.constant 0 : i32
    %scan3A_103 = arith.constant 0 : i32
    %scan3A_104 = arith.constant 64 : i32
    %scan3A_105 = arith.addi %scan3A_103, %scan3A_104 : i32
    %scan3A_106 = arith.constant 1 : i32
    %scan3A_107:3 = scf.for %scan3A_122 = %scan3A_103 to %scan3A_105 step %scan3A_106 iter_args(%scan3A_123 = %scan3A_100, %scan3A_124 = %scan3A_101, %scan3A_125 = %scan3A_102) -> (i32, i32, i32)  : i32 {
      %sub3A_126 = arith.constant 63 : i32
      %sub3A_127 = arith.subi %sub3A_126, %scan3A_122 : i32
      %mul3A_128 = arith.constant 16 : i32
      %mul3A_129 = arith.muli %sub3A_127, %mul3A_128 : i32
      %mul3A_130 = arith.constant 16 : i32
      %mul3A_131 = arith.muli %mul3A_129, %mul3A_130 : i32
      %get3A = arith.index_cast %mul3A_131 : i32 to index
      %get3A_132 = tpu.vector_load %arg4[%get3A] {strides = array<i32>} : memref<32768xi32, #tpu.memory_space<vmem>>, vector<16xi32>,
      %mul3A_133 = arith.constant 16 : i32
      %mul3A_134 = arith.muli %sub3A_127, %mul3A_133 : i32
      %mul3A_135 = arith.constant 16 : i32
      %mul3A_136 = arith.muli %mul3A_134, %mul3A_135 : i32
      %get3A_137 = arith.index_cast %mul3A_136 : i32 to index
      %get3A_138 = tpu.vector_load %arg5[%get3A_137] {strides = array<i32>} : memref<32768xi32, #tpu.memory_space<vmem>>, vector<16xi32>,
      %add3A_139 = arith.addi %get3A_132, %get3A_138 : vector<16xi32>
      %mul3A_140 = arith.constant 16 : i32
      %mul3A_141 = arith.muli %sub3A_127, %mul3A_140 : i32
      %add3A_142 = arith.constant 1 : i32
      %add3A_143 = arith.addi %mul3A_141, %add3A_142 : i32
      %mul3A_144 = arith.constant 16 : i32
      %mul3A_145 = arith.muli %add3A_143, %mul3A_144 : i32
      %get3A_146 = arith.index_cast %mul3A_145 : i32 to index
      %get3A_147 = tpu.vector_load %arg4[%get3A_146] {strides = array<i32>} : memref<32768xi32, #tpu.memory_space<vmem>>, vector<16xi32>,
      %add3A_148 = arith.addi %add3A_139, %get3A_147 : vector<16xi32>
      %get3A_149 = arith.index_cast %mul3A_145 : i32 to index
      %get3A_150 = tpu.vector_load %arg5[%get3A_149] {strides = array<i32>} : memref<32768xi32, #tpu.memory_space<vmem>>, vector<16xi32>,
      %add3A_151 = arith.addi %add3A_148, %get3A_150 : vector<16xi32>
      %mul3A_152 = arith.constant 16 : i32
      %mul3A_153 = arith.muli %sub3A_127, %mul3A_152 : i32
      %add3A_154 = arith.constant 2 : i32
      %add3A_155 = arith.addi %mul3A_153, %add3A_154 : i32
      %mul3A_156 = arith.constant 16 : i32
      %mul3A_157 = arith.muli %add3A_155, %mul3A_156 : i32
      %get3A_158 = arith.index_cast %mul3A_157 : i32 to index
      %get3A_159 = tpu.vector_load %arg4[%get3A_158] {strides = array<i32>} : memref<32768xi32, #tpu.memory_space<vmem>>, vector<16xi32>,
      %add3A_160 = arith.addi %add3A_151, %get3A_159 : vector<16xi32>
      %get3A_161 = arith.index_cast %mul3A_157 : i32 to index
      %get3A_162 = tpu.vector_load %arg5[%get3A_161] {strides = array<i32>} : memref<32768xi32, #tpu.memory_space<vmem>>, vector<16xi32>,
      %add3A_163 = arith.addi %add3A_160, %get3A_162 : vector<16xi32>
      %mul3A_164 = arith.constant 16 : i32
      %mul3A_165 = arith.muli %sub3A_127, %mul3A_164 : i32
      %add3A_166 = arith.constant 3 : i32
      %add3A_167 = arith.addi %mul3A_165, %add3A_166 : i32
      %mul3A_168 = arith.constant 16 : i32
      %mul3A_169 = arith.muli %add3A_167, %mul3A_168 : i32
      %get3A_170 = arith.index_cast %mul3A_169 : i32 to index
      %get3A_171 = tpu.vector_load %arg4[%get3A_170] {strides = array<i32>} : memref<32768xi32, #tpu.memory_space<vmem>>, vector<16xi32>,
      %add3A_172 = arith.addi %add3A_163, %get3A_171 : vector<16xi32>
      %get3A_173 = arith.index_cast %mul3A_169 : i32 to index
      %get3A_174 = tpu.vector_load %arg5[%get3A_173] {strides = array<i32>} : memref<32768xi32, #tpu.memory_space<vmem>>, vector<16xi32>,
      %add3A_175 = arith.addi %add3A_172, %get3A_174 : vector<16xi32>
      %mul3A_176 = arith.constant 16 : i32
      %mul3A_177 = arith.muli %sub3A_127, %mul3A_176 : i32
      %add3A_178 = arith.constant 4 : i32
      %add3A_179 = arith.addi %mul3A_177, %add3A_178 : i32
      %mul3A_180 = arith.constant 16 : i32
      %mul3A_181 = arith.muli %add3A_179, %mul3A_180 : i32
      %get3A_182 = arith.index_cast %mul3A_181 : i32 to index
      %get3A_183 = tpu.vector_load %arg4[%get3A_182] {strides = array<i32>} : memref<32768xi32, #tpu.memory_space<vmem>>, vector<16xi32>,
      %add3A_184 = arith.addi %add3A_175, %get3A_183 : vector<16xi32>
      %get3A_185 = arith.index_cast %mul3A_181 : i32 to index
      %get3A_186 = tpu.vector_load %arg5[%get3A_185] {strides = array<i32>} : memref<32768xi32, #tpu.memory_space<vmem>>, vector<16xi32>,
      %add3A_187 = arith.addi %add3A_184, %get3A_186 : vector<16xi32>
      %mul3A_188 = arith.constant 16 : i32
      %mul3A_189 = arith.muli %sub3A_127, %mul3A_188 : i32
      %add3A_190 = arith.constant 5 : i32
      %add3A_191 = arith.addi %mul3A_189, %add3A_190 : i32
      %mul3A_192 = arith.constant 16 : i32
      %mul3A_193 = arith.muli %add3A_191, %mul3A_192 : i32
      %get3A_194 = arith.index_cast %mul3A_193 : i32 to index
      %get3A_195 = tpu.vector_load %arg4[%get3A_194] {strides = array<i32>} : memref<32768xi32, #tpu.memory_space<vmem>>, vector<16xi32>,
      %add3A_196 = arith.addi %add3A_187, %get3A_195 : vector<16xi32>
      %get3A_197 = arith.index_cast %mul3A_193 : i32 to index
      %get3A_198 = tpu.vector_load %arg5[%get3A_197] {strides = array<i32>} : memref<32768xi32, #tpu.memory_space<vmem>>, vector<16xi32>,
      %add3A_199 = arith.addi %add3A_196, %get3A_198 : vector<16xi32>
      %mul3A_200 = arith.constant 16 : i32
      %mul3A_201 = arith.muli %sub3A_127, %mul3A_200 : i32
      %add3A_202 = arith.constant 6 : i32
      %add3A_203 = arith.addi %mul3A_201, %add3A_202 : i32
      %mul3A_204 = arith.constant 16 : i32
      %mul3A_205 = arith.muli %add3A_203, %mul3A_204 : i32
      %get3A_206 = arith.index_cast %mul3A_205 : i32 to index
      %get3A_207 = tpu.vector_load %arg4[%get3A_206] {strides = array<i32>} : memref<32768xi32, #tpu.memory_space<vmem>>, vector<16xi32>,
      %add3A_208 = arith.addi %add3A_199, %get3A_207 : vector<16xi32>
      %get3A_209 = arith.index_cast %mul3A_205 : i32 to index
      %get3A_210 = tpu.vector_load %arg5[%get3A_209] {strides = array<i32>} : memref<32768xi32, #tpu.memory_space<vmem>>, vector<16xi32>,
      %add3A_211 = arith.addi %add3A_208, %get3A_210 : vector<16xi32>
      %mul3A_212 = arith.constant 16 : i32
      %mul3A_213 = arith.muli %sub3A_127, %mul3A_212 : i32
      %add3A_214 = arith.constant 7 : i32
      %add3A_215 = arith.addi %mul3A_213, %add3A_214 : i32
      %mul3A_216 = arith.constant 16 : i32
      %mul3A_217 = arith.muli %add3A_215, %mul3A_216 : i32
      %get3A_218 = arith.index_cast %mul3A_217 : i32 to index
      %get3A_219 = tpu.vector_load %arg4[%get3A_218] {strides = array<i32>} : memref<32768xi32, #tpu.memory_space<vmem>>, vector<16xi32>,
      %add3A_220 = arith.addi %add3A_211, %get3A_219 : vector<16xi32>
      %get3A_221 = arith.index_cast %mul3A_217 : i32 to index
      %get3A_222 = tpu.vector_load %arg5[%get3A_221] {strides = array<i32>} : memref<32768xi32, #tpu.memory_space<vmem>>, vector<16xi32>,
      %add3A_223 = arith.addi %add3A_220, %get3A_222 : vector<16xi32>
      %mul3A_224 = arith.constant 16 : i32
      %mul3A_225 = arith.muli %sub3A_127, %mul3A_224 : i32
      %add3A_226 = arith.constant 8 : i32
      %add3A_227 = arith.addi %mul3A_225, %add3A_226 : i32
      %mul3A_228 = arith.constant 16 : i32
      %mul3A_229 = arith.muli %add3A_227, %mul3A_228 : i32
      %get3A_230 = arith.index_cast %mul3A_229 : i32 to index
      %get3A_231 = tpu.vector_load %arg4[%get3A_230] {strides = array<i32>} : memref<32768xi32, #tpu.memory_space<vmem>>, vector<16xi32>,
      %add3A_232 = arith.addi %add3A_223, %get3A_231 : vector<16xi32>
      %get3A_233 = arith.index_cast %mul3A_229 : i32 to index
      %get3A_234 = tpu.vector_load %arg5[%get3A_233] {strides = array<i32>} : memref<32768xi32, #tpu.memory_space<vmem>>, vector<16xi32>,
      %add3A_235 = arith.addi %add3A_232, %get3A_234 : vector<16xi32>
      %mul3A_236 = arith.constant 16 : i32
      %mul3A_237 = arith.muli %sub3A_127, %mul3A_236 : i32
      %add3A_238 = arith.constant 9 : i32
      %add3A_239 = arith.addi %mul3A_237, %add3A_238 : i32
      %mul3A_240 = arith.constant 16 : i32
      %mul3A_241 = arith.muli %add3A_239, %mul3A_240 : i32
      %get3A_242 = arith.index_cast %mul3A_241 : i32 to index
      %get3A_243 = tpu.vector_load %arg4[%get3A_242] {strides = array<i32>} : memref<32768xi32, #tpu.memory_space<vmem>>, vector<16xi32>,
      %add3A_244 = arith.addi %add3A_235, %get3A_243 : vector<16xi32>
      %get3A_245 = arith.index_cast %mul3A_241 : i32 to index
      %get3A_246 = tpu.vector_load %arg5[%get3A_245] {strides = array<i32>} : memref<32768xi32, #tpu.memory_space<vmem>>, vector<16xi32>,
      %add3A_247 = arith.addi %add3A_244, %get3A_246 : vector<16xi32>
      %mul3A_248 = arith.constant 16 : i32
      %mul3A_249 = arith.muli %sub3A_127, %mul3A_248 : i32
      %add3A_250 = arith.constant 10 : i32
      %add3A_251 = arith.addi %mul3A_249, %add3A_250 : i32
      %mul3A_252 = arith.constant 16 : i32
      %mul3A_253 = arith.muli %add3A_251, %mul3A_252 : i32
      %get3A_254 = arith.index_cast %mul3A_253 : i32 to index
      %get3A_255 = tpu.vector_load %arg4[%get3A_254] {strides = array<i32>} : memref<32768xi32, #tpu.memory_space<vmem>>, vector<16xi32>,
      %add3A_256 = arith.addi %add3A_247, %get3A_255 : vector<16xi32>
      %get3A_257 = arith.index_cast %mul3A_253 : i32 to index
      %get3A_258 = tpu.vector_load %arg5[%get3A_257] {strides = array<i32>} : memref<32768xi32, #tpu.memory_space<vmem>>, vector<16xi32>,
      %add3A_259 = arith.addi %add3A_256, %get3A_258 : vector<16xi32>
      %mul3A_260 = arith.constant 16 : i32
      %mul3A_261 = arith.muli %sub3A_127, %mul3A_260 : i32
      %add3A_262 = arith.constant 11 : i32
      %add3A_263 = arith.addi %mul3A_261, %add3A_262 : i32
      %mul3A_264 = arith.constant 16 : i32
      %mul3A_265 = arith.muli %add3A_263, %mul3A_264 : i32
      %get3A_266 = arith.index_cast %mul3A_265 : i32 to index
      %get3A_267 = tpu.vector_load %arg4[%get3A_266] {strides = array<i32>} : memref<32768xi32, #tpu.memory_space<vmem>>, vector<16xi32>,
      %add3A_268 = arith.addi %add3A_259, %get3A_267 : vector<16xi32>
      %get3A_269 = arith.index_cast %mul3A_265 : i32 to index
      %get3A_270 = tpu.vector_load %arg5[%get3A_269] {strides = array<i32>} : memref<32768xi32, #tpu.memory_space<vmem>>, vector<16xi32>,
      %add3A_271 = arith.addi %add3A_268, %get3A_270 : vector<16xi32>
      %mul3A_272 = arith.constant 16 : i32
      %mul3A_273 = arith.muli %sub3A_127, %mul3A_272 : i32
      %add3A_274 = arith.constant 12 : i32
      %add3A_275 = arith.addi %mul3A_273, %add3A_274 : i32
      %mul3A_276 = arith.constant 16 : i32
      %mul3A_277 = arith.muli %add3A_275, %mul3A_276 : i32
      %get3A_278 = arith.index_cast %mul3A_277 : i32 to index
      %get3A_279 = tpu.vector_load %arg4[%get3A_278] {strides = array<i32>} : memref<32768xi32, #tpu.memory_space<vmem>>, vector<16xi32>,
      %add3A_280 = arith.addi %add3A_271, %get3A_279 : vector<16xi32>
      %get3A_281 = arith.index_cast %mul3A_277 : i32 to index
      %get3A_282 = tpu.vector_load %arg5[%get3A_281] {strides = array<i32>} : memref<32768xi32, #tpu.memory_space<vmem>>, vector<16xi32>,
      %add3A_283 = arith.addi %add3A_280, %get3A_282 : vector<16xi32>
      %mul3A_284 = arith.constant 16 : i32
      %mul3A_285 = arith.muli %sub3A_127, %mul3A_284 : i32
      %add3A_286 = arith.constant 13 : i32
      %add3A_287 = arith.addi %mul3A_285, %add3A_286 : i32
      %mul3A_288 = arith.constant 16 : i32
      %mul3A_289 = arith.muli %add3A_287, %mul3A_288 : i32
      %get3A_290 = arith.index_cast %mul3A_289 : i32 to index
      %get3A_291 = tpu.vector_load %arg4[%get3A_290] {strides = array<i32>} : memref<32768xi32, #tpu.memory_space<vmem>>, vector<16xi32>,
      %add3A_292 = arith.addi %add3A_283, %get3A_291 : vector<16xi32>
      %get3A_293 = arith.index_cast %mul3A_289 : i32 to index
      %get3A_294 = tpu.vector_load %arg5[%get3A_293] {strides = array<i32>} : memref<32768xi32, #tpu.memory_space<vmem>>, vector<16xi32>,
      %add3A_295 = arith.addi %add3A_292, %get3A_294 : vector<16xi32>
      %mul3A_296 = arith.constant 16 : i32
      %mul3A_297 = arith.muli %sub3A_127, %mul3A_296 : i32
      %add3A_298 = arith.constant 14 : i32
      %add3A_299 = arith.addi %mul3A_297, %add3A_298 : i32
      %mul3A_300 = arith.constant 16 : i32
      %mul3A_301 = arith.muli %add3A_299, %mul3A_300 : i32
      %get3A_302 = arith.index_cast %mul3A_301 : i32 to index
      %get3A_303 = tpu.vector_load %arg4[%get3A_302] {strides = array<i32>} : memref<32768xi32, #tpu.memory_space<vmem>>, vector<16xi32>,
      %add3A_304 = arith.addi %add3A_295, %get3A_303 : vector<16xi32>
      %get3A_305 = arith.index_cast %mul3A_301 : i32 to index
      %get3A_306 = tpu.vector_load %arg5[%get3A_305] {strides = array<i32>} : memref<32768xi32, #tpu.memory_space<vmem>>, vector<16xi32>,
      %add3A_307 = arith.addi %add3A_304, %get3A_306 : vector<16xi32>
      %mul3A_308 = arith.constant 16 : i32
      %mul3A_309 = arith.muli %sub3A_127, %mul3A_308 : i32
      %add3A_310 = arith.constant 15 : i32
      %add3A_311 = arith.addi %mul3A_309, %add3A_310 : i32
      %mul3A_312 = arith.constant 16 : i32
      %mul3A_313 = arith.muli %add3A_311, %mul3A_312 : i32
      %get3A_314 = arith.index_cast %mul3A_313 : i32 to index
      %get3A_315 = tpu.vector_load %arg4[%get3A_314] {strides = array<i32>} : memref<32768xi32, #tpu.memory_space<vmem>>, vector<16xi32>,
      %add3A_316 = arith.addi %add3A_307, %get3A_315 : vector<16xi32>
      %get3A_317 = arith.index_cast %mul3A_313 : i32 to index
      %get3A_318 = tpu.vector_load %arg5[%get3A_317] {strides = array<i32>} : memref<32768xi32, #tpu.memory_space<vmem>>, vector<16xi32>,
      %add3A_319 = arith.addi %add3A_316, %get3A_318 : vector<16xi32>
      %reduce_sum3A = arith.constant true
      %reduce_sum3A_320 = vector.broadcast %reduce_sum3A : i1 to vector<16xi1>
      %reduce_sum3A_321 = tpu.scan <sum>, %add3A_319 masked %reduce_sum3A_320 : vector<16xi32>, vector<16xi1> -> vector<16xi32>
      %reduce_sum3A_322 = vector.extract %reduce_sum3A_321[15] : i32 from vector<16xi32>
      %add3A_323 = arith.addi %scan3A_123, %reduce_sum3A_322 : i32
      %lt3A = arith.cmpi slt, %scan3A_123, %sub3A_80 : i32
      %ge3A = arith.cmpi sge, %add3A_323, %sub3A_80 : i32
      %and3A = arith.andi %lt3A, %ge3A : i1
      %select_n3A = arith.select %and3A, %sub3A_127, %scan3A_124 : i32
      %select_n3A_324 = arith.select %and3A, %scan3A_123, %scan3A_125 : i32
      scf.yield %add3A_323, %select_n3A, %select_n3A_324 : i32, i32, i32
    }
    %scan3A_108 = arith.constant 64 : i32
    %scan3A_109 = arith.constant 0 : i32
    %scan3A_110 = arith.constant 0 : i32
    %scan3A_111 = arith.constant 0 : i32
    %scan3A_112 = arith.constant 16 : i32
    %scan3A_113 = arith.addi %scan3A_111, %scan3A_112 : i32
    %scan3A_114 = arith.constant 1 : i32
    %scan3A_115:3 = scf.for %scan3A_122 = %scan3A_111 to %scan3A_113 step %scan3A_114 iter_args(%scan3A_123 = %scan3A_107#2, %scan3A_124 = %scan3A_109, %scan3A_125 = %scan3A_110) -> (i32, i32, i32)  : i32 {
      %mul3A_126 = arith.constant 16 : i32
      %mul3A_127 = arith.muli %scan3A_107#1, %mul3A_126 : i32
      %add3A_128 = arith.constant 15 : i32
      %add3A_129 = arith.addi %mul3A_127, %add3A_128 : i32
      %sub3A_130 = arith.subi %add3A_129, %scan3A_122 : i32
      %mul3A_131 = arith.constant 16 : i32
      %mul3A_132 = arith.muli %sub3A_130, %mul3A_131 : i32
      %get3A = arith.index_cast %mul3A_132 : i32 to index
      %get3A_133 = tpu.vector_load %arg4[%get3A] {strides = array<i32>} : memref<32768xi32, #tpu.memory_space<vmem>>, vector<16xi32>,
      %mul3A_134 = arith.constant 16 : i32
      %mul3A_135 = arith.muli %sub3A_130, %mul3A_134 : i32
      %get3A_136 = arith.index_cast %mul3A_135 : i32 to index
      %get3A_137 = tpu.vector_load %arg5[%get3A_136] {strides = array<i32>} : memref<32768xi32, #tpu.memory_space<vmem>>, vector<16xi32>,
      %add3A_138 = arith.addi %get3A_133, %get3A_137 : vector<16xi32>
      %reduce_sum3A = arith.constant true
      %reduce_sum3A_139 = vector.broadcast %reduce_sum3A : i1 to vector<16xi1>
      %reduce_sum3A_140 = tpu.scan <sum>, %add3A_138 masked %reduce_sum3A_139 : vector<16xi32>, vector<16xi1> -> vector<16xi32>
      %reduce_sum3A_141 = vector.extract %reduce_sum3A_140[15] : i32 from vector<16xi32>
      %add3A_142 = arith.addi %scan3A_123, %reduce_sum3A_141 : i32
      %lt3A = arith.cmpi slt, %scan3A_123, %sub3A_80 : i32
      %ge3A = arith.cmpi sge, %add3A_142, %sub3A_80 : i32
      %and3A = arith.andi %lt3A, %ge3A : i1
      %select_n3A = arith.select %and3A, %sub3A_130, %scan3A_124 : i32
      %select_n3A_143 = arith.select %and3A, %scan3A_123, %scan3A_125 : i32
      scf.yield %add3A_142, %select_n3A, %select_n3A_143 : i32, i32, i32
    }
    %scan3A_116 = arith.constant 16 : i32
    %mul3A_117 = arith.constant 1024 : i32
    %mul3A_118 = arith.muli %add3A_79, %mul3A_117 : i32
    %add3A_119 = arith.addi %mul3A_118, %scan3A_115#1 : i32
    %broadcast_in_dim3A_120 = vector.broadcast %add3A_119 : i32 to vector<16xi32>
    %swap3A = arith.constant 0 : index
    %swap3A_121 = tpu.vector_load %arg8[%swap3A] {strides = array<i32>} : memref<16xi32, #tpu.memory_space<vmem>>, vector<16xi32>,
    tpu.vector_store %arg8[%swap3A], %broadcast_in_dim3A_120 {strides = array<i32>} : memref<16xi32, #tpu.memory_space<vmem>>, vector<16xi32>,
    "tpu.region"() ({
      %run_scoped3A = tpu.sem_alloc : memref<!tpu.dma_semaphore, #tpu.memory_space<semaphore_mem>>
      %dma_start3A_122 = arith.constant 0 : i32
      %dma_start3A_123 = tpu.memref_slice %arg3[%add3A, %dma_start3A_122] : memref<32x16xi32, #tpu.memory_space<hbm>> -> memref<1x16xi32, #tpu.memory_space<hbm>>
      %dma_start3A_124 = tpu.memref_squeeze %dma_start3A_123 : memref<1x16xi32, #tpu.memory_space<hbm>> -> memref<16xi32, #tpu.memory_space<hbm>>
      %dma_start3A_125 = arith.constant 0 : i32
      %dma_start3A_126 = tpu.memref_slice %arg3[%add3A, %dma_start3A_125] : memref<32x16xi32, #tpu.memory_space<hbm>> -> memref<1x16xi32, #tpu.memory_space<hbm>>
      %dma_start3A_127 = tpu.memref_squeeze %dma_start3A_126 : memref<1x16xi32, #tpu.memory_space<hbm>> -> memref<16xi32, #tpu.memory_space<hbm>>
      tpu.enqueue_dma source(%arg8 : memref<16xi32, #tpu.memory_space<vmem>>) target(%dma_start3A_127 : memref<16xi32, #tpu.memory_space<hbm>>) target_semaphore(%run_scoped3A : memref<!tpu.dma_semaphore, #tpu.memory_space<semaphore_mem>>)
      %dma_wait3A = arith.constant 0 : i32
      %dma_wait3A_128 = tpu.memref_slice %arg3[%add3A, %dma_wait3A] : memref<32x16xi32, #tpu.memory_space<hbm>> -> memref<1x16xi32, #tpu.memory_space<hbm>>
      %dma_wait3A_129 = tpu.memref_squeeze %dma_wait3A_128 : memref<1x16xi32, #tpu.memory_space<hbm>> -> memref<16xi32, #tpu.memory_space<hbm>>
      %dma_wait3A_130 = arith.constant 0 : i32
      %dma_wait3A_131 = tpu.memref_slice %arg3[%add3A, %dma_wait3A_130] : memref<32x16xi32, #tpu.memory_space<hbm>> -> memref<1x16xi32, #tpu.memory_space<hbm>>
      %dma_wait3A_132 = tpu.memref_squeeze %dma_wait3A_131 : memref<1x16xi32, #tpu.memory_space<hbm>> -> memref<16xi32, #tpu.memory_space<hbm>>
      tpu.wait_dma2 semaphore(%run_scoped3A : memref<!tpu.dma_semaphore, #tpu.memory_space<semaphore_mem>>) src(%arg8 : memref<16xi32, #tpu.memory_space<vmem>>) dst(%dma_wait3A_132 : memref<16xi32, #tpu.memory_space<hbm>>)
      tpu.yield
    }) : () -> ()
    return
  }
}

module attributes {stable_mosaic.version = 14 : i64} {
  func.func @_tc_key_body(%arg0: i32, %arg1: memref<1x192x3136xf32, #tpu.memory_space<vmem>>, %arg2: memref<192x1xf32, #tpu.memory_space<vmem>>, %arg3: memref<1x1xf32, #tpu.memory_space<vmem>>, %arg4: memref<1x192x3136xi32, #tpu.memory_space<vmem>>) attributes {dimension_semantics = [#tpu.dimension_semantics<arbitrary>], iteration_bounds = array<i64: 32>, scalar_prefetch = 0 : i64, scratch_operands = 0 : i64, tpu.core_type = #tpu.core_type<tc>, window_params = [{transform_indices = @transform_0, window_bounds = array<i64: 1, 192, 3136>}, {pipeline_mode = #tpu.pipeline_mode<synchronous>, transform_indices = @transform_1, window_bounds = array<i64: 192, 1>}, {pipeline_mode = #tpu.pipeline_mode<synchronous>, transform_indices = @transform_2, window_bounds = array<i64: 1, 1>}, {transform_indices = @transform_3, window_bounds = array<i64: 1, 192, 3136>}]} {
    %get3A = arith.constant 0 : index
    %get3A_0 = arith.constant 0 : index
    %get3A_1 = vector.load %arg3[%get3A, %get3A_0] : memref<1x1xf32, #tpu.memory_space<vmem>>, vector<1x1xf32>
    %get3A_2 = vector.extract %get3A_1[0, 0] : f32 from vector<1x1xf32>
    %get3A_3 = arith.constant 0 : index
    %get3A_4 = arith.constant 0 : index
    %get3A_5 = vector.load %arg2[%get3A_3, %get3A_4] : memref<192x1xf32, #tpu.memory_space<vmem>>, vector<192x1xf32>
    %sub3A = arith.constant 0.0999996662 : f32
    %sub3A_6 = vector.broadcast %sub3A : f32 to vector<192x1xf32>
    %sub3A_7 = arith.subf %sub3A_6, %get3A_5 : vector<192x1xf32>
    %mul3A = vector.broadcast %get3A_2 : f32 to vector<192x1xf32>
    %mul3A_8 = arith.mulf %sub3A_7, %mul3A : vector<192x1xf32>
    %exp3A = math.exp %mul3A_8 : vector<192x1xf32>
    %get3A_9 = arith.constant 0 : index
    %get3A_10 = arith.constant 0 : index
    %get3A_11 = arith.constant 0 : index
    %get3A_12 = vector.load %arg1[%get3A_9, %get3A_10, %get3A_11] : memref<1x192x3136xf32, #tpu.memory_space<vmem>>, vector<1x192x3136xf32>
    %get3A_13 = vector.shape_cast %get3A_12 : vector<1x192x3136xf32> to vector<192x3136xf32>
    %mul3A_14 = vector.broadcast %exp3A : vector<192x1xf32> to vector<192x3136xf32>
    %mul3A_15 = arith.mulf %get3A_13, %mul3A_14 : vector<192x3136xf32>
    %bitcast_convert_type3A = tpu.bitcast %mul3A_15 : vector<192x3136xf32> -> vector<192x3136xi32>
    %shift_right_arithmetic3A = arith.constant 31 : i32
    %shift_right_arithmetic3A_16 = vector.broadcast %shift_right_arithmetic3A : i32 to vector<192x3136xi32>
    %shift_right_arithmetic3A_17 = arith.shrsi %bitcast_convert_type3A, %shift_right_arithmetic3A_16 : vector<192x3136xi32>
    %and3A = arith.constant 2147483647 : i32
    %and3A_18 = vector.broadcast %and3A : i32 to vector<192x3136xi32>
    %and3A_19 = arith.andi %shift_right_arithmetic3A_17, %and3A_18 : vector<192x3136xi32>
    %xor3A = arith.xori %bitcast_convert_type3A, %and3A_19 : vector<192x3136xi32>
    %swap3A = arith.constant 0 : index
    %swap3A_20 = arith.constant 0 : index
    %swap3A_21 = arith.constant 0 : index
    %swap3A_22 = vector.load %arg4[%swap3A, %swap3A_20, %swap3A_21] : memref<1x192x3136xi32, #tpu.memory_space<vmem>>, vector<1x192x3136xi32>
    %swap3A_23 = vector.shape_cast %swap3A_22 : vector<1x192x3136xi32> to vector<192x3136xi32>
    %swap3A_24 = vector.shape_cast %xor3A : vector<192x3136xi32> to vector<1x192x3136xi32>
    tpu.vector_store %arg4[%swap3A, %swap3A_20, %swap3A_21], %swap3A_24 {strides = array<i32>} : memref<1x192x3136xi32, #tpu.memory_space<vmem>>, vector<1x192x3136xi32>,
    return
  }
  func.func @transform_0(%arg0: i32) -> (i32, i32, i32) {
    %c0_i32 = arith.constant 0 : i32
    %c0_i32_0 = arith.constant 0 : i32
    %c0_i32_1 = arith.constant 0 : i32
    return %arg0, %c0_i32, %c0_i32_0 : i32, i32, i32
  }
  func.func @transform_1(%arg0: i32) -> (i32, i32) {
    %c0_i32 = arith.constant 0 : i32
    %c0_i32_0 = arith.constant 0 : i32
    %c0_i32_1 = arith.constant 0 : i32
    return %c0_i32, %c0_i32_0 : i32, i32
  }
  func.func @transform_2(%arg0: i32) -> (i32, i32) {
    %c0_i32 = arith.constant 0 : i32
    %c0_i32_0 = arith.constant 0 : i32
    %c0_i32_1 = arith.constant 0 : i32
    return %c0_i32, %c0_i32_0 : i32, i32
  }
  func.func @transform_3(%arg0: i32) -> (i32, i32, i32) {
    %c0_i32 = arith.constant 0 : i32
    %c0_i32_0 = arith.constant 0 : i32
    %c0_i32_1 = arith.constant 0 : i32
    return %arg0, %c0_i32, %c0_i32_0 : i32, i32, i32
  }
}

module attributes {stable_mosaic.version = 14 : i64} {
  func.func @_tc_mask_body(%arg0: i32, %arg1: memref<1x192x3136xf32, #tpu.memory_space<vmem>>, %arg2: memref<192x1xf32, #tpu.memory_space<vmem>>, %arg3: memref<1x1xf32, #tpu.memory_space<vmem>>, %arg4: memref<1x1x16xi32, #tpu.memory_space<vmem>>, %arg5: memref<1x192x3136xf32, #tpu.memory_space<vmem>>) attributes {dimension_semantics = [#tpu.dimension_semantics<arbitrary>], iteration_bounds = array<i64: 32>, scalar_prefetch = 0 : i64, scratch_operands = 0 : i64, tpu.core_type = #tpu.core_type<tc>, window_params = [{transform_indices = @transform_0, window_bounds = array<i64: 1, 192, 3136>}, {pipeline_mode = #tpu.pipeline_mode<synchronous>, transform_indices = @transform_1, window_bounds = array<i64: 192, 1>}, {pipeline_mode = #tpu.pipeline_mode<synchronous>, transform_indices = @transform_2, window_bounds = array<i64: 1, 1>}, {transform_indices = @transform_3, window_bounds = array<i64: 1, 1, 16>}, {transform_indices = @transform_4, window_bounds = array<i64: 1, 192, 3136>}]} {
    %get3A = arith.constant 0 : index
    %get3A_0 = arith.constant 0 : index
    %get3A_1 = vector.load %arg3[%get3A, %get3A_0] : memref<1x1xf32, #tpu.memory_space<vmem>>, vector<1x1xf32>
    %get3A_2 = vector.extract %get3A_1[0, 0] : f32 from vector<1x1xf32>
    %get3A_3 = arith.constant 0 : index
    %get3A_4 = arith.constant 0 : index
    %get3A_5 = vector.load %arg2[%get3A_3, %get3A_4] : memref<192x1xf32, #tpu.memory_space<vmem>>, vector<192x1xf32>
    %sub3A = arith.constant 0.0999996662 : f32
    %sub3A_6 = vector.broadcast %sub3A : f32 to vector<192x1xf32>
    %sub3A_7 = arith.subf %sub3A_6, %get3A_5 : vector<192x1xf32>
    %mul3A = vector.broadcast %get3A_2 : f32 to vector<192x1xf32>
    %mul3A_8 = arith.mulf %sub3A_7, %mul3A : vector<192x1xf32>
    %exp3A = math.exp %mul3A_8 : vector<192x1xf32>
    %get3A_9 = arith.constant 0 : index
    %get3A_10 = arith.constant 0 : index
    %get3A_11 = arith.constant 0 : index
    %get3A_12 = vector.load %arg1[%get3A_9, %get3A_10, %get3A_11] : memref<1x192x3136xf32, #tpu.memory_space<vmem>>, vector<1x192x3136xf32>
    %get3A_13 = vector.shape_cast %get3A_12 : vector<1x192x3136xf32> to vector<192x3136xf32>
    %mul3A_14 = vector.broadcast %exp3A : vector<192x1xf32> to vector<192x3136xf32>
    %mul3A_15 = arith.mulf %get3A_13, %mul3A_14 : vector<192x3136xf32>
    %bitcast_convert_type3A = tpu.bitcast %mul3A_15 : vector<192x3136xf32> -> vector<192x3136xi32>
    %shift_right_arithmetic3A = arith.constant 31 : i32
    %shift_right_arithmetic3A_16 = vector.broadcast %shift_right_arithmetic3A : i32 to vector<192x3136xi32>
    %shift_right_arithmetic3A_17 = arith.shrsi %bitcast_convert_type3A, %shift_right_arithmetic3A_16 : vector<192x3136xi32>
    %and3A = arith.constant 2147483647 : i32
    %and3A_18 = vector.broadcast %and3A : i32 to vector<192x3136xi32>
    %and3A_19 = arith.andi %shift_right_arithmetic3A_17, %and3A_18 : vector<192x3136xi32>
    %xor3A = arith.xori %bitcast_convert_type3A, %and3A_19 : vector<192x3136xi32>
    %get3A_20 = arith.constant 0 : index
    %get3A_21 = arith.constant 0 : index
    %get3A_22 = arith.constant 0 : index
    %get3A_23 = vector.load %arg4[%get3A_20, %get3A_21, %get3A_22] : memref<1x1x16xi32, #tpu.memory_space<vmem>>, vector<1x1x1xi32>
    %get3A_24 = vector.extract %get3A_23[0, 0, 0] : i32 from vector<1x1x1xi32>
    %ge3A = vector.broadcast %get3A_24 : i32 to vector<192x3136xi32>
    %ge3A_25 = arith.cmpi sge, %xor3A, %ge3A : vector<192x3136xi32>
    %get3A_26 = arith.constant 0 : index
    %get3A_27 = arith.constant 0 : index
    %get3A_28 = arith.constant 0 : index
    %get3A_29 = vector.load %arg1[%get3A_26, %get3A_27, %get3A_28] : memref<1x192x3136xf32, #tpu.memory_space<vmem>>, vector<1x192x3136xf32>
    %get3A_30 = vector.shape_cast %get3A_29 : vector<1x192x3136xf32> to vector<192x3136xf32>
    %jit3A = arith.constant 0.000000e+00 : f32
    %broadcast_in_dim3A = vector.broadcast %jit3A : f32 to vector<192x3136xf32>
    %select_n3A = arith.select %ge3A_25, %get3A_30, %broadcast_in_dim3A : vector<192x3136xi1>, vector<192x3136xf32>
    %swap3A = arith.constant 0 : index
    %swap3A_31 = arith.constant 0 : index
    %swap3A_32 = arith.constant 0 : index
    %swap3A_33 = vector.load %arg5[%swap3A, %swap3A_31, %swap3A_32] : memref<1x192x3136xf32, #tpu.memory_space<vmem>>, vector<1x192x3136xf32>
    %swap3A_34 = vector.shape_cast %swap3A_33 : vector<1x192x3136xf32> to vector<192x3136xf32>
    %swap3A_35 = vector.shape_cast %select_n3A : vector<192x3136xf32> to vector<1x192x3136xf32>
    tpu.vector_store %arg5[%swap3A, %swap3A_31, %swap3A_32], %swap3A_35 {strides = array<i32>} : memref<1x192x3136xf32, #tpu.memory_space<vmem>>, vector<1x192x3136xf32>,
    return
  }
  func.func @transform_0(%arg0: i32) -> (i32, i32, i32) {
    %c0_i32 = arith.constant 0 : i32
    %c0_i32_0 = arith.constant 0 : i32
    %c0_i32_1 = arith.constant 0 : i32
    return %arg0, %c0_i32, %c0_i32_0 : i32, i32, i32
  }
  func.func @transform_1(%arg0: i32) -> (i32, i32) {
    %c0_i32 = arith.constant 0 : i32
    %c0_i32_0 = arith.constant 0 : i32
    %c0_i32_1 = arith.constant 0 : i32
    return %c0_i32, %c0_i32_0 : i32, i32
  }
  func.func @transform_2(%arg0: i32) -> (i32, i32) {
    %c0_i32 = arith.constant 0 : i32
    %c0_i32_0 = arith.constant 0 : i32
    %c0_i32_1 = arith.constant 0 : i32
    return %c0_i32, %c0_i32_0 : i32, i32
  }
  func.func @transform_3(%arg0: i32) -> (i32, i32, i32) {
    %c0_i32 = arith.constant 0 : i32
    %c0_i32_0 = arith.constant 0 : i32
    %c0_i32_1 = arith.constant 0 : i32
    return %arg0, %c0_i32, %c0_i32_0 : i32, i32, i32
  }
  func.func @transform_4(%arg0: i32) -> (i32, i32, i32) {
    %c0_i32 = arith.constant 0 : i32
    %c0_i32_0 = arith.constant 0 : i32
    %c0_i32_1 = arith.constant 0 : i32
    return %arg0, %c0_i32, %c0_i32_0 : i32, i32, i32
  }
}

</mosaic_0001>

<sc_bundles>
// kernel: kernel.5.cloned.1.call-start
scs
__scs_entry_jumppad:
0x0: {  	(pc) =	sbr.rel $0x88, $3  }
0x1: {  	(tag) =	ssettag $0x0;
	lr =	simm.s32 $0x1  }
0x2: {  	[smem:$0x3F9E] =	sst lr;
	_ =	strace $0xD0000000  }
0x3: {  	_ = 	snop  }
0x4: {  	_ = 	snop  }
0x5: {  	_ = 	snop  }
0x6: {  	_ = 	snop  }
0x7: {  	_ = 	snop  }
__scs_overlays_trampoline_lowered:
0x8: {  	[smem:$0x3FAD] =	sst s0  }
0x9: {  	[smem:$0x3FAE] =	sst s1  }
0xa: {  	[smem:$0x3FAF] =	sst s2  }
0xb: {  	[smem:$0x3FB0] =	sst s3  }
0xc: {  	[smem:$0x3FB1] =	sst s4  }
0xd: {  	[smem:$0x3FB2] =	sst s5  }
0xe: {  	[smem:$0x3FB3] =	sst s6  }
0xf: {  	[smem:$0x3FB4] =	sst s7  }
0x10: {  	[smem:$0x3FB5] =	sst s8  }
0x11: {  	[smem:$0x3FB6] =	sst s9;
	s0 =	simm.s32 @!p0 $0x0  }
0x12: {  	s1 =	sld [smem:$0x3F9C];
	s0 =	simm.s32 @p0 $0x1  }
0x13: {  	[smem:$0x3FB7] =	sst s0;
	s0 =	simm.s32 @!p1 $0x0  }
0x14: {  	s2 =	sld [smem:$0x3F9B];
	s0 =	simm.s32 @p1 $0x1  }
0x15: {  	[smem:$0x3FB8] =	sst s0;
	s0 =	simm.s32 @!p2 $0x0  }
0x16: {  	s3 =	sld [smem:$0x3FDB];
	s0 =	simm.s32 @p2 $0x1  }
0x17: {  	s4 =	simm.s32 $0x1BF5;
	[smem:$0x3FBA] =	sst s0  }
0x18: {  	s0 =	sld [smem:$0x3F9D];
	_ =	swait.ge [sflag:s4], $0x0  }
0x19: {  	s7 =	sld [smem:$0x3F9E]  }
0x1a: {  	s8 =	sadd.s32 $0xFFFFE003, lr  }
0x1b: {  	s9 =	sadd.s32 $0xFFFFFEF7, lr;
	s5 =	simm.s32 $0xFFFFFFFF;
	p2 =	slt.u32 s8, $0xFFFFF086  }
0x1c: {  	p1 =	slt.u32 s9, $0xF7A;
	s5 =	simm.s32 @!p2 $0x0  }
0x1d: {  	s5 =	simm.s32 @p1 $0x1;
	p0 =	seq.s32 s7, s2  }
0x1e: {  	s7 =	smul.u32 @!p0 $0xF7A, s2;
	p2 =	seq.s32 @!p0 s5, $0x0  }
0x1f: {  	s9 =	smul.u32 $0xF7A, s1;
	s8 =	simm.s32 @!p0 $0x1BF5;
	p2 =	por !p2, p0  }
0x20: {  	[sflag:s8] =	ssyncset.s32 @!p0 $0xFFFFF086;
	s6 =	sadd.s32 @!p0 s3, s7;
	s7 =	simm.s32 @!p0 $0x108  }
0x21: {  	s3 =	sadd.s32 s3, s9;
	s6 =	sadd.s32 @!p0 $0x88, s6;
	s7 =	simm.s32 @p2 $0x1082  }
0x22: {  	[simem:s7], [sflag:s8] =	dma.local @!p0 [hbm:s6], $0xF7A  }
0x23: {  	s9 =	sor.u32 $0xD0000000, s2;
	s6 =	simm.s32 $0x108;
	_ =	swait.ge @!p0 [sflag:s8], $0x0  }
0x24: {  	s3 =	sadd.s32 $0x88, s3;
	s6 =	simm.s32 @!p1 $0x1082;
	[sflag:s4] =	ssyncset.s32 $0xFFFFF086  }
0x25: {  	[simem:s6], [sflag:s4] =	dma.local [hbm:s3], $0xF7A  }
0x26: {  	[smem:$0x3F9E] =	sst s1;
	(tag) =	ssettag s2;
	_ =	strace s9  }
0x27: {  	s1 =	sld [smem:$0x3FAE]  }
0x28: {  	s2 =	sld [smem:$0x3FAF]  }
0x29: {  	s4 =	sld [smem:$0x3FB1]  }
0x2a: {  	p0 =	seq.s32 s5, $0x0;
	s5 =	sld [smem:$0x3FB2]  }
0x2b: {  	s6 =	sld [smem:$0x3FB3]  }
0x2c: {  	s7 =	sld [smem:$0x3FB4]  }
0x2d: {  	s3 =	simm.s32 $0x108;
	s8 =	sld [smem:$0x3FB5]  }
0x2e: {  	s3 =	simm.s32 @!p0 $0x1082;
	s9 =	sld [smem:$0x3FB6]  }
0x2f: {  	lr =	sadd.s32 s0, s3;
	s0 =	sld [smem:$0x3FAD]  }
0x30: {  	s3 =	sld [smem:$0x3FB0]  }
0x31: {  	[smem:$0x3FB9] =	sst s10  }
0x32: {  	s10 =	sld [smem:$0x3FB7];
	_ =	sdelay $0x3  }
0x33: {  	p0 =	seq.s32 s10, $0x1;
	s10 =	sld [smem:$0x3FB9];
	_ =	sdelay $0x3  }
0x34: {  	[smem:$0x3FB9] =	sst s10  }
0x35: {  	s10 =	sld [smem:$0x3FB8];
	_ =	sdelay $0x3  }
0x36: {  	p1 =	seq.s32 s10, $0x1;
	s10 =	sld [smem:$0x3FB9];
	_ =	sdelay $0x3  }
0x37: {  	[smem:$0x3FB9] =	sst s10  }
0x38: {  	s10 =	sld [smem:$0x3FBA]  }
0x39: {  	_ = 	snop;
	(pc) =	sbr.ind lr, $3  }
0x3a: {  	_ = 	snop  }
0x3b: {  	_ = 	snop  }
0x3c: {  	p2 =	seq.s32 s10, $0x1;
	s10 =	sld [smem:$0x3FB9]  }
0x3d: {  	_ =	shalt  }
0x3e: {  	_ =	shalt  }
0x3f: {  	_ =	shalt  }
0x40: {  	_ =	shalt  }
0x41: {  	_ =	shalt  }
0x42: {  	_ =	shalt  }
0x43: {  	_ =	shalt  }
0x44: {  	_ =	shalt  }
0x45: {  	_ =	shalt  }
0x46: {  	_ =	shalt  }
0x47: {  	_ =	shalt  }
0x48: {  	_ =	shalt  }
0x49: {  	_ =	shalt  }
0x4a: {  	_ =	shalt  }
0x4b: {  	_ =	shalt  }
0x4c: {  	_ =	shalt  }
0x4d: {  	_ =	shalt  }
0x4e: {  	_ =	shalt  }
0x4f: {  	_ =	shalt  }
0x50: {  	_ =	shalt  }
0x51: {  	_ =	shalt  }
0x52: {  	_ =	shalt  }
0x53: {  	_ =	shalt  }
0x54: {  	_ =	shalt  }
0x55: {  	_ =	shalt  }
0x56: {  	_ =	shalt  }
0x57: {  	_ =	shalt  }
0x58: {  	_ =	shalt  }
0x59: {  	_ =	shalt  }
0x5a: {  	_ =	shalt  }
0x5b: {  	_ =	shalt  }
0x5c: {  	_ =	shalt  }
0x5d: {  	_ =	shalt  }
0x5e: {  	_ =	shalt  }
0x5f: {  	_ =	shalt  }
0x60: {  	_ =	shalt  }
0x61: {  	_ =	shalt  }
0x62: {  	_ =	shalt  }
0x63: {  	_ =	shalt  }
0x64: {  	_ =	shalt  }
0x65: {  	_ =	shalt  }
0x66: {  	_ =	shalt  }
0x67: {  	_ =	shalt  }
0x68: {  	_ =	shalt  }
0x69: {  	_ =	shalt  }
0x6a: {  	_ =	shalt  }
0x6b: {  	_ =	shalt  }
0x6c: {  	_ =	shalt  }
0x6d: {  	_ =	shalt  }
0x6e: {  	_ =	shalt  }
0x6f: {  	_ =	shalt  }
0x70: {  	_ =	shalt  }
0x71: {  	_ =	shalt  }
0x72: {  	_ =	shalt  }
0x73: {  	_ =	shalt  }
0x74: {  	_ =	shalt  }
0x75: {  	_ =	shalt  }
0x76: {  	_ =	shalt  }
0x77: {  	_ =	shalt  }
0x78: {  	_ =	shalt  }
0x79: {  	_ =	shalt  }
0x7a: {  	_ =	shalt  }
0x7b: {  	_ =	shalt  }
0x7c: {  	_ =	shalt  }
0x7d: {  	_ =	shalt  }
0x7e: {  	_ =	shalt  }
0x7f: {  	_ =	shalt  }
0x80: {  	_ =	shalt  }
0x81: {  	_ =	shalt  }
0x82: {  	_ =	shalt  }
0x83: {  	_ =	shalt  }
0x84: {  	_ =	shalt  }
0x85: {  	_ =	shalt  }
0x86: {  	_ =	shalt  }
0x87: {  	_ =	shalt  }
.Lfunc_end0:
.L_simem_size_0:
called_computation_lowered:
.L_overlay_start_0:
0x88: {  	s2 =	sld [smem:$0x3FD9]  }
0x89: {  	s3 =	sld [smem:$0x3FFE];
	_ =	sdelay $0x1  }
0x8a: {  	s1 =	srdreg.scid  }
0x8b: {  	s0 =	sand.u32 $0x1, s1  }
0x8c: {  	s16 =	sshll.u32 s0, $0xA;
	s2 =	sadd.s32 s3, s2  }
0x8d: {  	s2 =	sadd.s32 s2, s16  }
0x8e: {  	[smem:$0x3FC5] =	sst s2  }
0x8f: {  	_ = 	snop  }
0x90: {  	(tm) =	ssettm $0x1  }
0x91: {  	s17 =	sld [smem:$0x3FFB];
	_ =	sdelay $0x3  }
0x92: {  	_ =	strace s17  }
0x93: {  	s2 =	sld [smem:$0x3FFC];
	_ =	sdelay $0x3  }
0x94: {  	_ =	strace s2  }
0x95: {  	s2 =	sld [smem:$0x3FFD];
	_ =	sdelay $0x3  }
0x96: {  	_ =	strace s2  }
0x97: {  	_ =	strace $0x8FFFFFFF  }
0x98: {  	s18 =	sld [smem:$0x3FDB];
	_ =	sdelay $0x1  }
0x99: {  	s19 =	simm.s32 $_scs_section_size  }
0x9a: {  	s4 =	simm.s32 $_size__tile_overlayer_lowered;
	s5 =	simm.s32 $_tile_overlayer_lowered  }
0x9b: {  	s22 =	simm.s32 $0x1BFF;
	s21 =	sshll.u32 s5, $0x1;
	s2 =	sadd.s32 s19, s18  }
0x9c: {  	s6 =	simm.s32 $0x0;
	s20 =	sshll.u32 s4, $0x1;
	s4 =	sadd.s32 s21, s2  }
0x9d: {  	[timem:s6], [sflag:s22] =	dma.local [hbm:s4], s20  }
0x9e: {  	_ =	swait.ge [sflag:s22], s20  }
0x9f: {  	s3 =	ssub.s32 $0x0, s20;
	[sflag:s22] =	ssyncset.done $0x0  }
0xa0: {  	[sflag:s22] =	ssyncadd.s32 s3;
	_ =	sdelay $0x1  }
0xa1: {  	s23 =	simm.s32 $0x1B8B  }
0xa2: {  	_ =	swait.ge [sflag:s23], $0x1  }
0xa3: {  	[sflag:s23] =	ssyncset.done $0x0  }
0xa4: {  	s25 =	simm.s32 $0x1B8E;
	s24 =	sld [smem:$0x3FFE];
	[sflag:s23] =	ssyncadd.s32 $0xFFFFFFFF  }
0xa5: {  	s26 =	simm.s32 $execute0_lowered;
	[smem:$0x3FD2] =	sst s25  }
0xa6: {  	s4 =	sshll.u32 s26, $0x1;
	_ =	strace $0x80000046;
	[dreg:$0x1] =	wrdreg $0xFFFFFFFF  }
0xa7: {  	s28 =	simm.s32 $_size_execute0_lowered;
	s2 =	sadd.s32 s2, s4;
	[dreg:$0x0] =	wrdreg $0x0  }
0xa8: {  	s4 =	sshll.u32 s28, $0x1;
	[dreg:$0x2] =	wrdreg s2  }
0xa9: {  	[dreg:$0x3] =	wrdreg s4  }
0xaa: {  	[dreg:$0x4] =	wrdreg $0xC0  }
0xab: {  	_ =	task [dreg:s6], $0x5FFFF  }
0xac: {  	[dreg:$0x1] =	wrdreg $0xFFFFFFFF  }
0xad: {  	[dreg:$0x0] =	wrdreg $0x60  }
0xae: {  	[dreg:$0x2] =	wrdreg s24  }
0xaf: {  	[dreg:$0x3] =	wrdreg $0x9  }
0xb0: {  	_ =	task.clear_ibuf [dreg:s6], $0x4FFFF;
	_ =	strace $0x90000046  }
0xb1: {  	s29 =	simm.s32 $0x9;
	_ =	strace $0x80000048  }
0xb2: {  	_ =	swait.ge [sflag:s29], $0x1  }
0xb3: {  	[sflag:s29] =	ssyncadd.s32 $0xFFFFFFFF  }
0xb4: {  	_ =	strace $0x90000048  }
0xb5: {  	_ =	sfence  }
0xb6: {  	s30 =	sld [smem:$0x0];
	_ =	sdelay $0x2  }
0xb7: {  	s31 =	sshll.u32 s1, $0xD;
	s1 =	sshrl.u32 s1, $0x2  }
0xb8: {  	s3 =	sand.u32 $0x4000, s31;
	s1 =	sadd.s32 s1, s30  }
0xb9: {  	s0 =	sor.u32 s3, s0;
	s1 =	sshll.u32 s1, $0x11  }
0xba: {  	s0 =	sor.u32 s1, s0  }
0xbb: {  	s0 =	sadd.s32 $0x8F2B, s0  }
0xbc: {  	[sflag:s0] =	ssyncadd.remote.s32 $0x1  }
0xbd: {  	_ =	sfence.sel $0xFFFF  }
0xbe: {  	[dreg:$0x0] =	wrdreg $0xFFFFFFFF;
	(pc) =	sbr.abs _section_cstart, $3  }
0xbf: {  	[dreg:$0x1] =	wrdreg $0xFFFFFFFF  }
0xc0: {  	_ =	task.clear_ibuf [dreg:s6], $0x2FFFF;
	_ =	strace $0x9FFFFFFF  }
0xc1: {  	(tm) =	ssettm $0x7FFFFFFF  }
tec
execute0_lowered:
.L_overlay_start_1:
0x0: {  	(tag) =	ssettag $0x1  }
0x1: {  	s4 =	rddreg [dreg:$0x0];
	s2 =	simm.s32 $0x0  }
0x2: {  	s3 =	srdreg.scid;
	s1 =	stileid.u32;
	s10 =	simm.s32 $0x400  }
0x3: {  	s11 =	simm.s32 $0x10000;
	s12 =	simm.s32 $0x14980;
	s13 =	simm.s32 $0x1  }
0x4: {  	s14 =	simm.s32 $0x8000;
	s15 =	simm.s32 $0x2;
	s16 =	simm.s32 $0x19300  }
0x5: {  	s17 =	simm.s32 $0x3;
	s18 =	simm.s32 $0x0;
	[smem:$0x7FF] =	sst s2  }
0x6: {  	s5 =	sand.u32 $0x1, s3;
	s28 =	sshll.u32 s1, $0x8;
	s6 =	sshrl.u32 s1, $0x2  }
0x7: {  	_ =	strace $0x80000047;
	s7 =	sshll.u32 s5, $0x7;
	s3 =	sand.u32 $0x300, s28  }
0x8: {  	s8 =	sshll.u32 s6, $0xA;
	s6 =	smul.u32 $0x498000, s6;
	s5 =	ssub.s32 $0x2, s5  }
0x9: {  	s7 =	sor.u32 s7, s3;
	s3 =	sadd.s32 $0x258800, s4;
	s9 =	sshrl.u32 s5, $0x1  }
0xa: {  	s8 =	sor.u32 s8, s7;
	s6 =	sor.u32 s6, s7;
	s30 =	ssub.s32 s5, s9  }
0xb: {  	s9 =	simm.s32 $0x80;
	s8 =	sshrl.u32 s8, $0x3;
	s31 =	sshrl.u32 s6, $0x3  }
0xc: {  	v0 =	vlaneseq.u32;
	s5 =	sadd.s32 $0x24C00, s6;
	s6 =	sadd.s32 $0x49800, s6;
	s29 =	sadd.s32 s8, s4  }
0xd: {  	v1 =	vimm.s32 $0x0;
	v3 =	vimm.s32 $0x1;
	v2 =	vor.u32 $0x4000, v0;
	s4 =	sadd.s32 s3, s31;
	s8 =	smax.u32 s30, $0x1;
	s7 =	sadd.s32 $0x800, s29  }
.LBB2_1:
0xe: {  	s19 =	simm.s32 $0x40;
	s20 =	simm.s32 $0x0  }
.LBB2_2:
0xf: {  	p0 =	sne.s32 s19, $0x1FFC0;
	[tilespmem:s20+$0x0] =	vst v1;
	s21 =	smov.u32 s19;
	s19 =	sadd.s32 $0x40, s19  }
.Ltmp0:
0x10: {  	[tilespmem:s20+$0x8000] =	vst v1;
	(pc) =	sbr.rel @p0 .LBB2_2-.Ltmp0, $2  }
0x11: {  	_ =	sdelay $0x2  }
0x12: {  	s20 =	sshra.s32 s21, $0x2  }
0x13: {  	[tilespmem:s20+$0x0] =	vst v1  }
0x14: {  	[tilespmem:s20+$0x8000] =	vst v1;
	s19 =	simm.s32 $0x0  }
0x15: {  	[tilespmem:s11], [sflag:$0x1] =	stream.strided.gather [hbm4b:s4+s9], $0x4980, s10, s9, $0x38;
	[tilespmem:$0x19380] =	vst v63  }
.LBB2_4:
0x16: {  	s20 =	smul.u32 $0x49800, s19;
	_ =	sdelay $0x1  }
0x17: {  	s21 =	sadd.s32 s20, s5  }
0x18: {  	s21 =	sshrl.u32 s21, $0x3  }
0x19: {  	s21 =	sadd.s32 s3, s21  }
0x1a: {  	[tilespmem:s12], [sflag:$0x2] =	stream.strided.gather [hbm4b:s21+s9], $0x4980, s10, s9, $0x38;
	[tilespmem:$0x19380] =	vst v63  }
0x1b: {  	_ =	swait.ge [sflag:s13], $0x4980  }
0x1c: {  	[sflag:s13] =	ssyncset.done $0x0  }
0x1d: {  	s24 =	simm.s32 $0x10040;
	[sflag:s13] =	ssyncadd.s32 $0xFFFFB680  }
0x1e: {  	v4 =	vld [tilespmem:s24+$0x0];
	_ =	sdelay $0x3  }
0x1f: {  	v5 =	vld [tilespmem:s24+$0xFFFFFFC0]  }
0x20: {  	v4 =	vshra.s32 v4, $0x11  }
0x21: {  	v4 =	vand.u32 $0xFFFFFFF0, v4  }
0x22: {  	v4 =	vadd.s32 v2, v4;
	_ =	sdelay $0x1  }
0x23: {  	v5 =	vshra.s32 v5, $0x11  }
0x24: {  	s21 =	simm.s32 $0x100C0;
	v5 =	vand.u32 $0xFFFFFFF0, v5  }
0x25: {  	v6 =	vld [tilespmem:s21+$0x0];
	v5 =	vadd.s32 v2, v5  }
0x26: {  	[tilespmem:v4+s2+$0x0] =	vst.idx.add.s32.msk $0xffff, v3  }
0x27: {  	v4 =	vld [tilespmem:s24+$0x10];
	_ =	sdelay $0x2  }
0x28: {  	v6 =	vshra.s32 v6, $0x11;
	[tilespmem:v5+s2+$0x0] =	vst.idx.add.s32.msk $0xffff, v3  }
0x29: {  	v5 =	vand.u32 $0xFFFFFFF0, v6;
	v6 =	vld [tilespmem:s21+$0xFFFFFFC0]  }
0x2a: {  	v5 =	vadd.s32 v2, v5;
	v4 =	vshra.s32 v4, $0x11  }
0x2b: {  	v4 =	vand.u32 $0xFFFFFFF0, v4  }
0x2c: {  	v4 =	vadd.s32 v2, v4;
	_ =	sdelay $0x1  }
0x2d: {  	v7 =	vld [tilespmem:s24+$0xFFFFFFD0];
	v6 =	vshra.s32 v6, $0x11  }
0x2e: {  	[tilespmem:v5+s2+$0x0] =	vst.idx.add.s32.msk $0xffff, v3;
	v5 =	vand.u32 $0xFFFFFFF0, v6  }
0x2f: {  	v6 =	vld [tilespmem:s21+$0x10];
	v5 =	vadd.s32 v2, v5  }
0x30: {  	[tilespmem:v4+s14+$0x0] =	vst.idx.add.s32.msk $0xffff, v3  }
0x31: {  	v4 =	vld [tilespmem:s24+$0x20];
	_ =	sdelay $0x1  }
0x32: {  	v7 =	vshra.s32 v7, $0x11  }
0x33: {  	v7 =	vand.u32 $0xFFFFFFF0, v7;
	v6 =	vshra.s32 v6, $0x11;
	[tilespmem:v5+s2+$0x0] =	vst.idx.add.s32.msk $0xffff, v3  }
0x34: {  	s22 =	simm.s32 $0x10140;
	v7 =	vadd.s32 v2, v7;
	v5 =	vand.u32 $0xFFFFFFF0, v6;
	v6 =	vld [tilespmem:s21+$0xFFFFFFD0]  }
0x35: {  	v8 =	vld [tilespmem:s22+$0x0];
	v5 =	vadd.s32 v2, v5;
	v4 =	vshra.s32 v4, $0x11  }
0x36: {  	v4 =	vand.u32 $0xFFFFFFF0, v4  }
0x37: {  	v9 =	vld [tilespmem:s22+$0xFFFFFFC0];
	v4 =	vadd.s32 v2, v4;
	_ =	sdelay $0x1  }
0x38: {  	[tilespmem:v7+s14+$0x0] =	vst.idx.add.s32.msk $0xffff, v3;
	v6 =	vshra.s32 v6, $0x11  }
0x39: {  	v8 =	vshra.s32 v8, $0x11;
	[tilespmem:v5+s14+$0x0] =	vst.idx.add.s32.msk $0xffff, v3;
	v5 =	vand.u32 $0xFFFFFFF0, v6  }
0x3a: {  	v7 =	vand.u32 $0xFFFFFFF0, v8;
	v6 =	vld [tilespmem:s21+$0x20];
	v5 =	vadd.s32 v2, v5  }
0x3b: {  	v8 =	vshra.s32 v9, $0x11;
	[tilespmem:v4+s2+$0x0] =	vst.idx.add.s32.msk $0xffff, v3;
	v4 =	vadd.s32 v2, v7  }
0x3c: {  	v7 =	vand.u32 $0xFFFFFFF0, v8;
	v8 =	vld [tilespmem:s24+$0x30]  }
0x3d: {  	v9 =	vld [tilespmem:s24+$0xFFFFFFE0];
	v7 =	vadd.s32 v2, v7;
	_ =	sdelay $0x1  }
0x3e: {  	[tilespmem:v5+s14+$0x0] =	vst.idx.add.s32.msk $0xffff, v3  }
0x3f: {  	v6 =	vshra.s32 v6, $0x11;
	[tilespmem:v4+s2+$0x0] =	vst.idx.add.s32.msk $0xffff, v3  }
0x40: {  	v5 =	vand.u32 $0xFFFFFFF0, v6;
	v4 =	vshra.s32 v8, $0x11;
	v8 =	vld [tilespmem:s22+$0x10]  }
0x41: {  	v9 =	vshra.s32 v9, $0x11;
	v5 =	vadd.s32 v2, v5;
	[tilespmem:v7+s2+$0x0] =	vst.idx.add.s32.msk $0xffff, v3;
	v4 =	vand.u32 $0xFFFFFFF0, v4  }
0x42: {  	s23 =	simm.s32 $0x101C0;
	v7 =	vand.u32 $0xFFFFFFF0, v9;
	v9 =	vld [tilespmem:s22+$0xFFFFFFD0];
	v4 =	vadd.s32 v2, v4  }
0x43: {  	v10 =	vld [tilespmem:s23+$0x0];
	v7 =	vadd.s32 v2, v7  }
0x44: {  	v6 =	vld [tilespmem:s23+$0xFFFFFFC0]  }
0x45: {  	v11 =	vld [tilespmem:s21+$0xFFFFFFE0];
	v8 =	vshra.s32 v8, $0x11  }
0x46: {  	[tilespmem:v5+s2+$0x0] =	vst.idx.add.s32.msk $0xffff, v3;
	v8 =	vand.u32 $0xFFFFFFF0, v8  }
0x47: {  	[tilespmem:v4+s14+$0x0] =	vst.idx.add.s32.msk $0xffff, v3;
	v4 =	vshra.s32 v9, $0x11;
	v8 =	vadd.s32 v2, v8  }
0x48: {  	[tilespmem:v7+s2+$0x0] =	vst.idx.add.s32.msk $0xffff, v3;
	v7 =	vshra.s32 v10, $0x11;
	v4 =	vand.u32 $0xFFFFFFF0, v4  }
0x49: {  	v9 =	vld [tilespmem:s24+$0xFFFFFFF0];
	v7 =	vand.u32 $0xFFFFFFF0, v7;
	v4 =	vadd.s32 v2, v4  }
0x4a: {  	v6 =	vshra.s32 v6, $0x11;
	v5 =	vadd.s32 v2, v7;
	v7 =	vld [tilespmem:s21+$0x30]  }
0x4b: {  	v6 =	vand.u32 $0xFFFFFFF0, v6  }
0x4c: {  	v10 =	vadd.s32 v2, v6;
	[tilespmem:v8+s14+$0x0] =	vst.idx.add.s32.msk $0xffff, v3  }
0x4d: {  	v12 =	vld [tilespmem:s22+$0x20]  }
0x4e: {  	[tilespmem:v4+s14+$0x0] =	vst.idx.add.s32.msk $0xffff, v3;
	v4 =	vshra.s32 v11, $0x11  }
0x4f: {  	[tilespmem:v5+s2+$0x0] =	vst.idx.add.s32.msk $0xffff, v3;
	v5 =	vshra.s32 v9, $0x11;
	v8 =	vshra.s32 v7, $0x11;
	v4 =	vand.u32 $0xFFFFFFF0, v4  }
0x50: {  	v7 =	vld [tilespmem:s23+$0x10];
	v6 =	vadd.s32 v2, v4;
	v4 =	vand.u32 $0xFFFFFFF0, v5;
	v5 =	vand.u32 $0xFFFFFFF0, v8  }
0x51: {  	[tilespmem:v10+s2+$0x0] =	vst.idx.add.s32.msk $0xffff, v3;
	v5 =	vadd.s32 v2, v5  }
0x52: {  	s25 =	simm.s32 $0x10240;
	s24 =	simm.s32 $0x6;
	v8 =	vld [tilespmem:s23+$0xFFFFFFD0];
	v4 =	vadd.s32 v2, v4;
	v9 =	vshra.s32 v12, $0x11  }
.LBB2_5:
0x53: {  	v10 =	vld [tilespmem:s25+$0x0];
	s24 =	sadd.s32 $0x2, s24;
	v9 =	vand.u32 $0xFFFFFFF0, v9  }
0x54: {  	v11 =	vld [tilespmem:s25+$0xFFFFFFC0];
	p0 =	slt.u32 s24, $0x124;
	v9 =	vadd.s32 v2, v9  }
0x55: {  	v7 =	vshra.s32 v7, $0x11;
	v12 =	vld [tilespmem:s22+$0xFFFFFFE0]  }
0x56: {  	v7 =	vand.u32 $0xFFFFFFF0, v7;
	[tilespmem:v5+s14+$0x0] =	vst.idx.add.s32.msk $0xffff, v3  }
0x57: {  	v5 =	vshra.s32 v8, $0x11;
	v7 =	vadd.s32 v2, v7;
	[tilespmem:v6+s2+$0x0] =	vst.idx.add.s32.msk $0xffff, v3  }
0x58: {  	v6 =	vshra.s32 v10, $0x11;
	v5 =	vand.u32 $0xFFFFFFF0, v5;
	v8 =	vld [tilespmem:s21+$0xFFFFFFF0];
	s21 =	smov.u32 s22;
	s22 =	smov.u32 s23;
	s23 =	smov.u32 s25  }
0x59: {  	v10 =	vshra.s32 v11, $0x11;
	v6 =	vand.u32 $0xFFFFFFF0, v6;
	v5 =	vadd.s32 v2, v5;
	[tilespmem:v9+s2+$0x0] =	vst.idx.add.s32.msk $0xffff, v3  }
0x5a: {  	v9 =	vand.u32 $0xFFFFFFF0, v10;
	v10 =	vadd.s32 v2, v6;
	v6 =	vshra.s32 v12, $0x11;
	v11 =	vld [tilespmem:s21+$0x30]  }
0x5b: {  	v9 =	vadd.s32 v2, v9;
	v6 =	vand.u32 $0xFFFFFFF0, v6;
	[tilespmem:v4+s14+$0x0] =	vst.idx.add.s32.msk $0xffff, v3  }
0x5c: {  	[tilespmem:v7+s14+$0x0] =	vst.idx.add.s32.msk $0xffff, v3;
	v6 =	vadd.s32 v2, v6  }
0x5d: {  	v12 =	vld [tilespmem:s22+$0x20];
	v4 =	vshra.s32 v8, $0x11  }
.Ltmp1:
0x5e: {  	[tilespmem:v5+s14+$0x0] =	vst.idx.add.s32.msk $0xffff, v3;
	v4 =	vand.u32 $0xFFFFFFF0, v4;
	(pc) =	sbr.rel @p0 .LBB2_5-.Ltmp1, $4  }
0x5f: {  	[tilespmem:v10+s2+$0x0] =	vst.idx.add.s32.msk $0xffff, v3;
	v5 =	vshra.s32 v11, $0x11;
	v4 =	vadd.s32 v2, v4  }
0x60: {  	v7 =	vld [tilespmem:s25+$0x10];
	v5 =	vand.u32 $0xFFFFFFF0, v5  }
0x61: {  	[tilespmem:v9+s2+$0x0] =	vst.idx.add.s32.msk $0xffff, v3;
	v5 =	vadd.s32 v2, v5  }
0x62: {  	s25 =	sadd.s32 $0x80, s25;
	v8 =	vld [tilespmem:s23+$0xFFFFFFD0];
	v9 =	vshra.s32 v12, $0x11  }
0x63: {  	_ =	sdelay $0x1  }
0x64: {  	v7 =	vshra.s32 v7, $0x11  }
0x65: {  	v7 =	vand.u32 $0xFFFFFFF0, v7  }
0x66: {  	v8 =	vshra.s32 v8, $0x11;
	v7 =	vadd.s32 v2, v7  }
0x67: {  	v10 =	vld [tilespmem:s22+$0xFFFFFFE0];
	v8 =	vand.u32 $0xFFFFFFF0, v8  }
0x68: {  	v8 =	vadd.s32 v2, v8;
	_ =	sdelay $0x2  }
0x69: {  	[tilespmem:v7+s14+$0x0] =	vst.idx.add.s32.msk $0xffff, v3  }
0x6a: {  	v10 =	vshra.s32 v10, $0x11;
	v7 =	vld [tilespmem:s23+$0x20]  }
0x6b: {  	v10 =	vand.u32 $0xFFFFFFF0, v10;
	[tilespmem:v8+s14+$0x0] =	vst.idx.add.s32.msk $0xffff, v3  }
0x6c: {  	v10 =	vadd.s32 v2, v10;
	v8 =	vand.u32 $0xFFFFFFF0, v9;
	v9 =	vld [tilespmem:s23+$0xFFFFFFE0]  }
0x6d: {  	v8 =	vadd.s32 v2, v8;
	_ =	sdelay $0x1  }
0x6e: {  	v7 =	vshra.s32 v7, $0x11  }
0x6f: {  	[tilespmem:v6+s2+$0x0] =	vst.idx.add.s32.msk $0xffff, v3;
	v6 =	vand.u32 $0xFFFFFFF0, v7  }
0x70: {  	[tilespmem:v10+s2+$0x0] =	vst.idx.add.s32.msk $0xffff, v3;
	v6 =	vadd.s32 v2, v6;
	v9 =	vshra.s32 v9, $0x11  }
0x71: {  	[tilespmem:v8+s2+$0x0] =	vst.idx.add.s32.msk $0xffff, v3;
	v8 =	vand.u32 $0xFFFFFFF0, v9  }
0x72: {  	v10 =	vld [tilespmem:s22+$0xFFFFFFF0];
	v8 =	vadd.s32 v2, v8  }
0x73: {  	v7 =	vld [tilespmem:s21+$0xFFFFFFF0]  }
0x74: {  	v9 =	vld [tilespmem:s22+$0x30]  }
0x75: {  	[tilespmem:v6+s2+$0x0] =	vst.idx.add.s32.msk $0xffff, v3  }
0x76: {  	v6 =	vld [tilespmem:s23+$0x30]  }
0x77: {  	[tilespmem:v8+s2+$0x0] =	vst.idx.add.s32.msk $0xffff, v3  }
0x78: {  	v8 =	vld [tilespmem:s23+$0xFFFFFFF0]  }
0x79: {  	v10 =	vshra.s32 v10, $0x11  }
0x7a: {  	v10 =	vand.u32 $0xFFFFFFF0, v10;
	v7 =	vshra.s32 v7, $0x11  }
0x7b: {  	[tilespmem:v5+s14+$0x0] =	vst.idx.add.s32.msk $0xffff, v3;
	v5 =	vadd.s32 v2, v10;
	v7 =	vand.u32 $0xFFFFFFF0, v7;
	v9 =	vshra.s32 v9, $0x11  }
0x7c: {  	v7 =	vadd.s32 v2, v7;
	v9 =	vand.u32 $0xFFFFFFF0, v9;
	v6 =	vshra.s32 v6, $0x11  }
0x7d: {  	v9 =	vadd.s32 v2, v9;
	v6 =	vand.u32 $0xFFFFFFF0, v6;
	v8 =	vshra.s32 v8, $0x11  }
0x7e: {  	v6 =	vadd.s32 v2, v6;
	v8 =	vand.u32 $0xFFFFFFF0, v8  }
0x7f: {  	[tilespmem:v4+s14+$0x0] =	vst.idx.add.s32.msk $0xffff, v3;
	v4 =	vadd.s32 v2, v8  }
0x80: {  	p0 =	seq.s32 s19, $0xF;
	[tilespmem:v5+s14+$0x0] =	vst.idx.add.s32.msk $0xffff, v3  }
0x81: {  	s20 =	sadd.s32 @!p0 s20, s6;
	[tilespmem:v7+s14+$0x0] =	vst.idx.add.s32.msk $0xffff, v3  }
0x82: {  	s20 =	sshrl.u32 @!p0 s20, $0x3;
	[tilespmem:v9+s14+$0x0] =	vst.idx.add.s32.msk $0xffff, v3  }
0x83: {  	s20 =	sadd.s32 @!p0 s3, s20;
	[tilespmem:v6+s14+$0x0] =	vst.idx.add.s32.msk $0xffff, v3  }
0x84: {  	s21 =	simm.s32 @!p0 $0x80;
	s22 =	simm.s32 @!p0 $0x400;
	s23 =	simm.s32 @!p0 $0x10000;
	[tilespmem:v4+s14+$0x0] =	vst.idx.add.s32.msk $0xffff, v3  }
0x85: {  	[tilespmem:s23], [sflag:$0x1] =	stream.strided.gather @!p0 [hbm4b:s20+s21], $0x4980, s22, s21, $0x38;
	[tilespmem:$0x19380] =	vst v63  }
0x86: {  	_ =	swait.ge [sflag:s15], $0x4980  }
0x87: {  	[sflag:s15] =	ssyncset.done $0x0  }
0x88: {  	s31 =	simm.s32 $0x149C0;
	[sflag:s15] =	ssyncadd.s32 $0xFFFFB680  }
0x89: {  	v4 =	vld [tilespmem:s31+$0x0];
	_ =	sdelay $0x3  }
0x8a: {  	v5 =	vld [tilespmem:s31+$0xFFFFFFC0]  }
0x8b: {  	v4 =	vshra.s32 v4, $0x11  }
0x8c: {  	v4 =	vand.u32 $0xFFFFFFF0, v4  }
0x8d: {  	v4 =	vadd.s32 v2, v4;
	_ =	sdelay $0x1  }
0x8e: {  	v5 =	vshra.s32 v5, $0x11  }
0x8f: {  	s20 =	simm.s32 $0x14A40;
	v5 =	vand.u32 $0xFFFFFFF0, v5  }
0x90: {  	v6 =	vld [tilespmem:s20+$0x0];
	v5 =	vadd.s32 v2, v5  }
0x91: {  	[tilespmem:v4+s2+$0x0] =	vst.idx.add.s32.msk $0xffff, v3  }
0x92: {  	v4 =	vld [tilespmem:s31+$0x10];
	_ =	sdelay $0x2  }
0x93: {  	v6 =	vshra.s32 v6, $0x11;
	[tilespmem:v5+s2+$0x0] =	vst.idx.add.s32.msk $0xffff, v3  }
0x94: {  	v5 =	vand.u32 $0xFFFFFFF0, v6;
	v6 =	vld [tilespmem:s20+$0xFFFFFFC0]  }
0x95: {  	v5 =	vadd.s32 v2, v5;
	v4 =	vshra.s32 v4, $0x11  }
0x96: {  	v4 =	vand.u32 $0xFFFFFFF0, v4  }
0x97: {  	v4 =	vadd.s32 v2, v4;
	_ =	sdelay $0x1  }
0x98: {  	v7 =	vld [tilespmem:s31+$0xFFFFFFD0];
	v6 =	vshra.s32 v6, $0x11  }
0x99: {  	[tilespmem:v5+s2+$0x0] =	vst.idx.add.s32.msk $0xffff, v3;
	v5 =	vand.u32 $0xFFFFFFF0, v6  }
0x9a: {  	v6 =	vld [tilespmem:s20+$0x10];
	v5 =	vadd.s32 v2, v5  }
0x9b: {  	[tilespmem:v4+s14+$0x0] =	vst.idx.add.s32.msk $0xffff, v3  }
0x9c: {  	v4 =	vld [tilespmem:s31+$0x20];
	_ =	sdelay $0x1  }
0x9d: {  	v7 =	vshra.s32 v7, $0x11  }
0x9e: {  	v7 =	vand.u32 $0xFFFFFFF0, v7;
	v6 =	vshra.s32 v6, $0x11;
	[tilespmem:v5+s2+$0x0] =	vst.idx.add.s32.msk $0xffff, v3  }
0x9f: {  	s21 =	simm.s32 $0x14AC0;
	v7 =	vadd.s32 v2, v7;
	v5 =	vand.u32 $0xFFFFFFF0, v6;
	v6 =	vld [tilespmem:s20+$0xFFFFFFD0]  }
0xa0: {  	v8 =	vld [tilespmem:s21+$0x0];
	v5 =	vadd.s32 v2, v5;
	v4 =	vshra.s32 v4, $0x11  }
0xa1: {  	v4 =	vand.u32 $0xFFFFFFF0, v4  }
0xa2: {  	v9 =	vld [tilespmem:s21+$0xFFFFFFC0];
	v4 =	vadd.s32 v2, v4;
	_ =	sdelay $0x1  }
0xa3: {  	[tilespmem:v7+s14+$0x0] =	vst.idx.add.s32.msk $0xffff, v3;
	v6 =	vshra.s32 v6, $0x11  }
0xa4: {  	v8 =	vshra.s32 v8, $0x11;
	[tilespmem:v5+s14+$0x0] =	vst.idx.add.s32.msk $0xffff, v3;
	v5 =	vand.u32 $0xFFFFFFF0, v6  }
0xa5: {  	v7 =	vand.u32 $0xFFFFFFF0, v8;
	v6 =	vld [tilespmem:s20+$0x20];
	v5 =	vadd.s32 v2, v5  }
0xa6: {  	v8 =	vshra.s32 v9, $0x11;
	[tilespmem:v4+s2+$0x0] =	vst.idx.add.s32.msk $0xffff, v3;
	v4 =	vadd.s32 v2, v7  }
0xa7: {  	v7 =	vand.u32 $0xFFFFFFF0, v8;
	v8 =	vld [tilespmem:s31+$0x30]  }
0xa8: {  	v9 =	vld [tilespmem:s31+$0xFFFFFFE0];
	v7 =	vadd.s32 v2, v7;
	_ =	sdelay $0x1  }
0xa9: {  	[tilespmem:v5+s14+$0x0] =	vst.idx.add.s32.msk $0xffff, v3  }
0xaa: {  	v6 =	vshra.s32 v6, $0x11;
	[tilespmem:v4+s2+$0x0] =	vst.idx.add.s32.msk $0xffff, v3  }
0xab: {  	v5 =	vand.u32 $0xFFFFFFF0, v6;
	v4 =	vshra.s32 v8, $0x11;
	v8 =	vld [tilespmem:s21+$0x10]  }
0xac: {  	v9 =	vshra.s32 v9, $0x11;
	v5 =	vadd.s32 v2, v5;
	[tilespmem:v7+s2+$0x0] =	vst.idx.add.s32.msk $0xffff, v3;
	v4 =	vand.u32 $0xFFFFFFF0, v4  }
0xad: {  	s22 =	simm.s32 $0x14B40;
	v7 =	vand.u32 $0xFFFFFFF0, v9;
	v9 =	vld [tilespmem:s21+$0xFFFFFFD0];
	v4 =	vadd.s32 v2, v4  }
0xae: {  	v10 =	vld [tilespmem:s22+$0x0];
	v7 =	vadd.s32 v2, v7  }
0xaf: {  	v6 =	vld [tilespmem:s22+$0xFFFFFFC0]  }
0xb0: {  	v11 =	vld [tilespmem:s20+$0xFFFFFFE0];
	v8 =	vshra.s32 v8, $0x11  }
0xb1: {  	[tilespmem:v5+s2+$0x0] =	vst.idx.add.s32.msk $0xffff, v3;
	v8 =	vand.u32 $0xFFFFFFF0, v8  }
0xb2: {  	[tilespmem:v4+s14+$0x0] =	vst.idx.add.s32.msk $0xffff, v3;
	v4 =	vshra.s32 v9, $0x11;
	v8 =	vadd.s32 v2, v8  }
0xb3: {  	[tilespmem:v7+s2+$0x0] =	vst.idx.add.s32.msk $0xffff, v3;
	v7 =	vshra.s32 v10, $0x11;
	v4 =	vand.u32 $0xFFFFFFF0, v4  }
0xb4: {  	v9 =	vld [tilespmem:s31+$0xFFFFFFF0];
	v7 =	vand.u32 $0xFFFFFFF0, v7;
	v4 =	vadd.s32 v2, v4  }
0xb5: {  	v6 =	vshra.s32 v6, $0x11;
	v5 =	vadd.s32 v2, v7;
	v7 =	vld [tilespmem:s20+$0x30]  }
0xb6: {  	v6 =	vand.u32 $0xFFFFFFF0, v6  }
0xb7: {  	v10 =	vadd.s32 v2, v6;
	[tilespmem:v8+s14+$0x0] =	vst.idx.add.s32.msk $0xffff, v3  }
0xb8: {  	v12 =	vld [tilespmem:s21+$0x20]  }
0xb9: {  	[tilespmem:v4+s14+$0x0] =	vst.idx.add.s32.msk $0xffff, v3;
	v4 =	vshra.s32 v11, $0x11  }
0xba: {  	[tilespmem:v5+s2+$0x0] =	vst.idx.add.s32.msk $0xffff, v3;
	v5 =	vshra.s32 v9, $0x11;
	v8 =	vshra.s32 v7, $0x11;
	v4 =	vand.u32 $0xFFFFFFF0, v4  }
0xbb: {  	v7 =	vld [tilespmem:s22+$0x10];
	v6 =	vadd.s32 v2, v4;
	v4 =	vand.u32 $0xFFFFFFF0, v5;
	v5 =	vand.u32 $0xFFFFFFF0, v8  }
0xbc: {  	[tilespmem:v10+s2+$0x0] =	vst.idx.add.s32.msk $0xffff, v3;
	v5 =	vadd.s32 v2, v5  }
0xbd: {  	s24 =	simm.s32 $0x14BC0;
	s23 =	simm.s32 $0x6;
	v8 =	vld [tilespmem:s22+$0xFFFFFFD0];
	v4 =	vadd.s32 v2, v4;
	v9 =	vshra.s32 v12, $0x11  }
.LBB2_7:
0xbe: {  	v10 =	vld [tilespmem:s24+$0x0];
	s23 =	sadd.s32 $0x2, s23;
	v9 =	vand.u32 $0xFFFFFFF0, v9  }
0xbf: {  	v11 =	vld [tilespmem:s24+$0xFFFFFFC0];
	p0 =	slt.u32 s23, $0x124;
	v9 =	vadd.s32 v2, v9  }
0xc0: {  	v7 =	vshra.s32 v7, $0x11;
	v12 =	vld [tilespmem:s21+$0xFFFFFFE0]  }
0xc1: {  	v7 =	vand.u32 $0xFFFFFFF0, v7;
	[tilespmem:v5+s14+$0x0] =	vst.idx.add.s32.msk $0xffff, v3  }
0xc2: {  	v5 =	vshra.s32 v8, $0x11;
	v7 =	vadd.s32 v2, v7;
	[tilespmem:v6+s2+$0x0] =	vst.idx.add.s32.msk $0xffff, v3  }
0xc3: {  	v6 =	vshra.s32 v10, $0x11;
	v5 =	vand.u32 $0xFFFFFFF0, v5;
	v8 =	vld [tilespmem:s20+$0xFFFFFFF0];
	s20 =	smov.u32 s21;
	s21 =	smov.u32 s22;
	s22 =	smov.u32 s24  }
0xc4: {  	v10 =	vshra.s32 v11, $0x11;
	v6 =	vand.u32 $0xFFFFFFF0, v6;
	v5 =	vadd.s32 v2, v5;
	[tilespmem:v9+s2+$0x0] =	vst.idx.add.s32.msk $0xffff, v3  }
0xc5: {  	v9 =	vand.u32 $0xFFFFFFF0, v10;
	v10 =	vadd.s32 v2, v6;
	v6 =	vshra.s32 v12, $0x11;
	v11 =	vld [tilespmem:s20+$0x30]  }
0xc6: {  	v9 =	vadd.s32 v2, v9;
	v6 =	vand.u32 $0xFFFFFFF0, v6;
	[tilespmem:v4+s14+$0x0] =	vst.idx.add.s32.msk $0xffff, v3  }
0xc7: {  	[tilespmem:v7+s14+$0x0] =	vst.idx.add.s32.msk $0xffff, v3;
	v6 =	vadd.s32 v2, v6  }
0xc8: {  	v12 =	vld [tilespmem:s21+$0x20];
	v4 =	vshra.s32 v8, $0x11  }
.Ltmp2:
0xc9: {  	[tilespmem:v5+s14+$0x0] =	vst.idx.add.s32.msk $0xffff, v3;
	v4 =	vand.u32 $0xFFFFFFF0, v4;
	(pc) =	sbr.rel @p0 .LBB2_7-.Ltmp2, $4  }
0xca: {  	[tilespmem:v10+s2+$0x0] =	vst.idx.add.s32.msk $0xffff, v3;
	v5 =	vshra.s32 v11, $0x11;
	v4 =	vadd.s32 v2, v4  }
0xcb: {  	v7 =	vld [tilespmem:s24+$0x10];
	v5 =	vand.u32 $0xFFFFFFF0, v5  }
0xcc: {  	[tilespmem:v9+s2+$0x0] =	vst.idx.add.s32.msk $0xffff, v3;
	v5 =	vadd.s32 v2, v5  }
0xcd: {  	s24 =	sadd.s32 $0x80, s24;
	v8 =	vld [tilespmem:s22+$0xFFFFFFD0];
	v9 =	vshra.s32 v12, $0x11  }
0xce: {  	_ =	sdelay $0x1  }
0xcf: {  	v7 =	vshra.s32 v7, $0x11  }
0xd0: {  	v7 =	vand.u32 $0xFFFFFFF0, v7  }
0xd1: {  	v8 =	vshra.s32 v8, $0x11;
	v7 =	vadd.s32 v2, v7  }
0xd2: {  	v8 =	vand.u32 $0xFFFFFFF0, v8  }
0xd3: {  	v10 =	vld [tilespmem:s21+$0xFFFFFFE0];
	v8 =	vadd.s32 v2, v8;
	_ =	sdelay $0x2  }
0xd4: {  	[tilespmem:v7+s14+$0x0] =	vst.idx.add.s32.msk $0xffff, v3  }
0xd5: {  	v7 =	vld [tilespmem:s22+$0x20]  }
0xd6: {  	v10 =	vshra.s32 v10, $0x11;
	[tilespmem:v8+s14+$0x0] =	vst.idx.add.s32.msk $0xffff, v3  }
0xd7: {  	v10 =	vand.u32 $0xFFFFFFF0, v10;
	v59 =	vld [tilespmem:s22+$0xFFFFFFE0]  }
0xd8: {  	v58 =	vand.u32 $0xFFFFFFF0, v9;
	v10 =	vadd.s32 v2, v10  }
0xd9: {  	v8 =	vadd.s32 v2, v58  }
0xda: {  	v7 =	vshra.s32 v7, $0x11  }
0xdb: {  	[tilespmem:v6+s2+$0x0] =	vst.idx.add.s32.msk $0xffff, v3;
	v60 =	vand.u32 $0xFFFFFFF0, v7  }
0xdc: {  	v61 =	vld [tilespmem:s20+$0xFFFFFFF0];
	v6 =	vadd.s32 v2, v60;
	v9 =	vshra.s32 v59, $0x11  }
0xdd: {  	[tilespmem:v10+s2+$0x0] =	vst.idx.add.s32.msk $0xffff, v3;
	v62 =	vand.u32 $0xFFFFFFF0, v9  }
0xde: {  	[tilespmem:v8+s2+$0x0] =	vst.idx.add.s32.msk $0xffff, v3;
	v8 =	vadd.s32 v2, v62  }
0xdf: {  	v10 =	vld [tilespmem:s21+$0xFFFFFFF0]  }
0xe0: {  	v63 =	vld [tilespmem:s21+$0x30]  }
0xe1: {  	[tilespmem:v6+s2+$0x0] =	vst.idx.add.s32.msk $0xffff, v3  }
0xe2: {  	v6 =	vld [tilespmem:s22+$0x30]  }
0xe3: {  	[tilespmem:v8+s2+$0x0] =	vst.idx.add.s32.msk $0xffff, v3  }
0xe4: {  	v8 =	vld [tilespmem:s22+$0xFFFFFFF0]  }
0xe5: {  	v7 =	vshra.s32 v61, $0x11  }
0xe6: {  	v7 =	vand.u32 $0xFFFFFFF0, v7;
	v10 =	vshra.s32 v10, $0x11  }
0xe7: {  	v7 =	vadd.s32 v2, v7;
	v10 =	vand.u32 $0xFFFFFFF0, v10;
	v9 =	vshra.s32 v63, $0x11  }
0xe8: {  	[tilespmem:v5+s14+$0x0] =	vst.idx.add.s32.msk $0xffff, v3;
	v5 =	vadd.s32 v2, v10;
	v9 =	vand.u32 $0xFFFFFFF0, v9;
	v6 =	vshra.s32 v6, $0x11  }
0xe9: {  	v9 =	vadd.s32 v2, v9;
	v6 =	vand.u32 $0xFFFFFFF0, v6;
	v8 =	vshra.s32 v8, $0x11  }
0xea: {  	s19 =	sadd.s32 $0x1, s19;
	v6 =	vadd.s32 v2, v6;
	v8 =	vand.u32 $0xFFFFFFF0, v8  }
0xeb: {  	[tilespmem:v4+s14+$0x0] =	vst.idx.add.s32.msk $0xffff, v3;
	p0 =	seq.s32 s19, $0x10;
	v4 =	vadd.s32 v2, v8  }
.Ltmp3:
0xec: {  	[tilespmem:v7+s14+$0x0] =	vst.idx.add.s32.msk $0xffff, v3;
	(pc) =	sbr.rel @!p0 .LBB2_4-.Ltmp3, $4  }
0xed: {  	[tilespmem:v5+s14+$0x0] =	vst.idx.add.s32.msk $0xffff, v3  }
0xee: {  	[tilespmem:v9+s14+$0x0] =	vst.idx.add.s32.msk $0xffff, v3  }
0xef: {  	[tilespmem:v6+s14+$0x0] =	vst.idx.add.s32.msk $0xffff, v3  }
0xf0: {  	[tilespmem:v4+s14+$0x0] =	vst.idx.add.s32.msk $0xffff, v3  }
0xf1: {  	s21 =	simm.s32 $0x0  }
0xf2: {  	v4 =	vld [tilespmem:s21+$0x7F00]  }
0xf3: {  	v5 =	vld [tilespmem:s21+$0xFF00]  }
0xf4: {  	v6 =	vld [tilespmem:s21+$0x7F10]  }
0xf5: {  	v7 =	vld [tilespmem:s21+$0xFF10]  }
0xf6: {  	v8 =	vld [tilespmem:s21+$0x7F20]  }
0xf7: {  	v9 =	vld [tilespmem:s21+$0xFF20]  }
0xf8: {  	v4 =	vadd.s32 v4, v5;
	v5 =	vld [tilespmem:s21+$0x7F30]  }
0xf9: {  	v4 =	vadd.s32 v6, v4;
	v6 =	vld [tilespmem:s21+$0xFF30]  }
0xfa: {  	v4 =	vadd.s32 v7, v4;
	v7 =	vld [tilespmem:s21+$0x7F40]  }
0xfb: {  	v4 =	vadd.s32 v8, v4;
	v8 =	vld [tilespmem:s21+$0xFF40]  }
0xfc: {  	v4 =	vadd.s32 v9, v4;
	v9 =	vld [tilespmem:s21+$0x7F50]  }
0xfd: {  	v4 =	vadd.s32 v5, v4;
	v5 =	vld [tilespmem:s21+$0xFF50]  }
0xfe: {  	v4 =	vadd.s32 v6, v4;
	v6 =	vld [tilespmem:s21+$0x7F60]  }
0xff: {  	v4 =	vadd.s32 v7, v4;
	v7 =	vld [tilespmem:s21+$0xFF60]  }
0x100: {  	v4 =	vadd.s32 v8, v4;
	v8 =	vld [tilespmem:s21+$0x7F70]  }
0x101: {  	v4 =	vadd.s32 v9, v4;
	v9 =	vld [tilespmem:s21+$0xFF70]  }
0x102: {  	v4 =	vadd.s32 v5, v4;
	v5 =	vld [tilespmem:s21+$0x7F80]  }
0x103: {  	v4 =	vadd.s32 v6, v4;
	v6 =	vld [tilespmem:s21+$0xFF80]  }
0x104: {  	v4 =	vadd.s32 v7, v4;
	v7 =	vld [tilespmem:s21+$0x7F90]  }
0x105: {  	v4 =	vadd.s32 v8, v4;
	v8 =	vld [tilespmem:s21+$0xFF90]  }
0x106: {  	v4 =	vadd.s32 v9, v4;
	v9 =	vld [tilespmem:s21+$0x7FA0]  }
0x107: {  	v4 =	vadd.s32 v5, v4;
	v5 =	vld [tilespmem:s21+$0xFFA0]  }
0x108: {  	v4 =	vadd.s32 v6, v4;
	v6 =	vld [tilespmem:s21+$0x7FB0]  }
0x109: {  	v4 =	vadd.s32 v7, v4;
	v7 =	vld [tilespmem:s21+$0xFFB0]  }
0x10a: {  	v4 =	vadd.s32 v8, v4;
	v8 =	vld [tilespmem:s21+$0x7FC0]  }
0x10b: {  	v4 =	vadd.s32 v9, v4;
	v9 =	vld [tilespmem:s21+$0xFFC0]  }
0x10c: {  	v4 =	vadd.s32 v5, v4;
	v5 =	vld [tilespmem:s21+$0x7FD0]  }
0x10d: {  	v4 =	vadd.s32 v6, v4;
	v6 =	vld [tilespmem:s21+$0xFFD0]  }
0x10e: {  	v4 =	vadd.s32 v7, v4;
	v7 =	vld [tilespmem:s21+$0x7FE0]  }
0x10f: {  	v4 =	vadd.s32 v8, v4;
	v8 =	vld [tilespmem:s21+$0xFFE0]  }
0x110: {  	v4 =	vadd.s32 v9, v4;
	v9 =	vld [tilespmem:s21+$0x7FF0]  }
0x111: {  	s22 =	simm.s32 $0xFFFFFF00;
	v4 =	vadd.s32 v5, v4;
	v5 =	vld [tilespmem:s21+$0xFFF0]  }
0x112: {  	v10 =	vld [tilespmem:s22+$0x7F00];
	v4 =	vadd.s32 v6, v4  }
0x113: {  	v6 =	vld [tilespmem:s22+$0xFF00];
	v4 =	vadd.s32 v7, v4  }
0x114: {  	v7 =	vld [tilespmem:s22+$0x7F10];
	v4 =	vadd.s32 v8, v4  }
0x115: {  	v8 =	vld [tilespmem:s22+$0xFF10];
	v4 =	vadd.s32 v9, v4  }
0x116: {  	v9 =	vld [tilespmem:s22+$0x7F20];
	v4 =	vadd.s32 v5, v4  }
0x117: {  	v5 =	vld [tilespmem:s22+$0xFF20];
	(xrf0) =	vadd.scan.msk.s32 $0xffff, v4  }
0x118: {  	v4 =	vadd.s32 v10, v6;
	v6 =	vld [tilespmem:s22+$0x7F30]  }
0x119: {  	v4 =	vadd.s32 v7, v4;
	v7 =	vld [tilespmem:s22+$0xFF30]  }
0x11a: {  	v4 =	vadd.s32 v8, v4;
	v8 =	vld [tilespmem:s22+$0x7F40]  }
0x11b: {  	v4 =	vadd.s32 v9, v4;
	v9 =	vld [tilespmem:s22+$0xFF40]  }
0x11c: {  	v4 =	vadd.s32 v5, v4;
	v5 =	vld [tilespmem:s22+$0x7F50]  }
0x11d: {  	v4 =	vadd.s32 v6, v4;
	v6 =	vld [tilespmem:s22+$0xFF50];
	v10, _, _ =	vpop (xrf0)  }
0x11e: {  	v4 =	vadd.s32 v7, v4;
	v7 =	vld [tilespmem:s22+$0x7F60];
	(v2sf) =	vpush v10, $0xF  }
0x11f: {  	v4 =	vadd.s32 v8, v4;
	v8 =	vld [tilespmem:s22+$0xFF60]  }
0x120: {  	v4 =	vadd.s32 v9, v4;
	v9 =	vld [tilespmem:s22+$0x7F70]  }
0x121: {  	v4 =	vadd.s32 v5, v4;
	v5 =	vld [tilespmem:s22+$0xFF70]  }
0x122: {  	v4 =	vadd.s32 v6, v4;
	v6 =	vld [tilespmem:s22+$0x7F80]  }
0x123: {  	v4 =	vadd.s32 v7, v4;
	v7 =	vld [tilespmem:s22+$0xFF80]  }
0x124: {  	v4 =	vadd.s32 v8, v4;
	v8 =	vld [tilespmem:s22+$0x7F90]  }
0x125: {  	v4 =	vadd.s32 v9, v4;
	v9 =	vld [tilespmem:s22+$0xFF90]  }
0x126: {  	v4 =	vadd.s32 v5, v4;
	v5 =	vld [tilespmem:s22+$0x7FA0]  }
0x127: {  	v4 =	vadd.s32 v6, v4;
	v6 =	vld [tilespmem:s22+$0xFFA0]  }
0x128: {  	v4 =	vadd.s32 v7, v4;
	v7 =	vld [tilespmem:s22+$0x7FB0]  }
0x129: {  	v4 =	vadd.s32 v8, v4;
	v8 =	vld [tilespmem:s22+$0xFFB0]  }
0x12a: {  	v4 =	vadd.s32 v9, v4;
	v9 =	vld [tilespmem:s22+$0x7FC0]  }
0x12b: {  	v10 =	vld [tilespmem:s22+$0xFFC0];
	v4 =	vadd.s32 v5, v4  }
0x12c: {  	v11 =	vld [tilespmem:s22+$0x7FD0];
	v4 =	vadd.s32 v6, v4  }
0x12d: {  	v12 =	vld [tilespmem:s22+$0xFFD0];
	v4 =	vadd.s32 v7, v4;
	s31 =	spop (v2sf)  }
0x12e: {  	v5 =	vadd.s32 v8, v4;
	v4 =	vld [tilespmem:s22+$0x7FE0];
	s21 =	sadd.s32 $0x0, s31  }
0x12f: {  	p0 =	por $0x1, $0x1;
	v6 =	vadd.s32 v9, v5;
	v5 =	vld [tilespmem:s22+$0xFFE0];
	p1 =	sgt.s32 s21, $0xEB32  }
0x130: {  	s20 =	simm.s32 $0x0;
	s19 =	simm.s32 $0x7F;
	v7 =	vadd.s32 v10, v6;
	v6 =	vld [tilespmem:s22+$0x7FF0];
	p0 =	por !p0, !p1  }
0x131: {  	s23 =	simm.s32 $0xFFFFFE00;
	v8 =	vadd.s32 v11, v7;
	v7 =	vld [tilespmem:s22+$0xFFF0];
	s22 =	simm.s32 $0x0;
	p0 =	por !p0, !p0  }
0x132: {  	s24 =	simm.s32 $0xFFFFF400;
	v9 =	vld [tilespmem:s23+$0x7F00];
	v8 =	vadd.s32 v12, v8;
	s22 =	smov.u32 @p0 s19;
	s20 =	smov.u32 @p0 s20  }
.LBB2_10:
0x133: {  	p0 =	seq.s32 s24, $0xFFFE0400;
	v10 =	vld [tilespmem:s23+$0xFF00];
	v4 =	vadd.s32 v4, v8;
	s25 =	smov.u32 s21  }
0x134: {  	v8 =	vld [tilespmem:s23+$0x7F10];
	v4 =	vadd.s32 v5, v4  }
0x135: {  	v5 =	vld [tilespmem:s23+$0xFF10];
	v4 =	vadd.s32 v6, v4  }
0x136: {  	v6 =	vld [tilespmem:s23+$0x7F20];
	v4 =	vadd.s32 v7, v4  }
0x137: {  	v7 =	vld [tilespmem:s23+$0xFF20];
	(xrf0) =	vadd.scan.msk.s32 $0xffff, v4  }
0x138: {  	v4 =	vadd.s32 v9, v10;
	v9 =	vld [tilespmem:s23+$0x7F30]  }
0x139: {  	v4 =	vadd.s32 v8, v4;
	v8 =	vld [tilespmem:s23+$0xFF30]  }
0x13a: {  	v4 =	vadd.s32 v5, v4;
	v5 =	vld [tilespmem:s23+$0x7F40]  }
0x13b: {  	v4 =	vadd.s32 v6, v4;
	v6 =	vld [tilespmem:s23+$0xFF40]  }
0x13c: {  	v4 =	vadd.s32 v7, v4;
	v7 =	vld [tilespmem:s23+$0x7F50]  }
0x13d: {  	v4 =	vadd.s32 v9, v4;
	v9 =	vld [tilespmem:s23+$0xFF50];
	v10, _, _ =	vpop (xrf0)  }
0x13e: {  	v4 =	vadd.s32 v8, v4;
	v8 =	vld [tilespmem:s23+$0x7F60];
	(v2sf) =	vpush v10, $0xF  }
0x13f: {  	v4 =	vadd.s32 v5, v4;
	v5 =	vld [tilespmem:s23+$0xFF60]  }
0x140: {  	v4 =	vadd.s32 v6, v4;
	v6 =	vld [tilespmem:s23+$0x7F70]  }
0x141: {  	v4 =	vadd.s32 v7, v4;
	v7 =	vld [tilespmem:s23+$0xFF70]  }
0x142: {  	v4 =	vadd.s32 v9, v4;
	v9 =	vld [tilespmem:s23+$0x7F80]  }
0x143: {  	v4 =	vadd.s32 v8, v4;
	v8 =	vld [tilespmem:s23+$0xFF80]  }
0x144: {  	v4 =	vadd.s32 v5, v4;
	v5 =	vld [tilespmem:s23+$0x7F90]  }
0x145: {  	v4 =	vadd.s32 v6, v4;
	v6 =	vld [tilespmem:s23+$0xFF90]  }
0x146: {  	v4 =	vadd.s32 v7, v4;
	v7 =	vld [tilespmem:s23+$0x7FA0]  }
0x147: {  	v4 =	vadd.s32 v9, v4;
	v9 =	vld [tilespmem:s23+$0xFFA0]  }
0x148: {  	v4 =	vadd.s32 v8, v4;
	v8 =	vld [tilespmem:s23+$0x7FB0]  }
0x149: {  	v4 =	vadd.s32 v5, v4;
	v5 =	vld [tilespmem:s23+$0xFFB0]  }
0x14a: {  	v4 =	vadd.s32 v6, v4;
	v6 =	vld [tilespmem:s23+$0x7FC0]  }
0x14b: {  	v4 =	vadd.s32 v7, v4;
	v7 =	vld [tilespmem:s23+$0xFFC0]  }
0x14c: {  	v4 =	vadd.s32 v9, v4;
	v9 =	vld [tilespmem:s23+$0x7FD0]  }
0x14d: {  	v4 =	vadd.s32 v8, v4;
	v8 =	vld [tilespmem:s23+$0xFFD0];
	s26 =	spop (v2sf)  }
.Ltmp4:
0x14e: {  	v5 =	vadd.s32 v5, v4;
	v4 =	vld [tilespmem:s23+$0x7FE0];
	s21 =	sadd.s32 s21, s26;
	(pc) =	sbr.rel @!p0 .LBB2_10-.Ltmp4, $4  }
0x14f: {  	p1 =	slt.s32 s25, $0xEB33;
	v6 =	vadd.s32 v6, v5;
	v5 =	vld [tilespmem:s23+$0xFFE0];
	p2 =	sgt.s32 s21, $0xEB32  }
0x150: {  	v7 =	vadd.s32 v7, v6;
	v6 =	vld [tilespmem:s23+$0x7FF0];
	p1 =	por !p1, !p2  }
0x151: {  	s19 =	sadd.s32 $0xFFFFFFFF, s19;
	v10 =	vadd.s32 v9, v7;
	v7 =	vld [tilespmem:s23+$0xFFF0];
	s23 =	sshra.s32 s24, $0x2;
	p1 =	por !p1, !p1  }
0x152: {  	s24 =	sadd.s32 $0xFFFFFC00, s24;
	v9 =	vld [tilespmem:s23+$0x7F00];
	v8 =	vadd.s32 v8, v10;
	s22 =	smov.u32 @p1 s19;
	s20 =	smov.u32 @p1 s25  }
0x153: {  	v10 =	vld [tilespmem:s23+$0xFF00]  }
0x154: {  	v11 =	vld [tilespmem:s23+$0x7F10]  }
0x155: {  	v12 =	vld [tilespmem:s23+$0xFF10]  }
0x156: {  	v13 =	vld [tilespmem:s23+$0x7F20]  }
0x157: {  	v14 =	vld [tilespmem:s23+$0xFF20]  }
0x158: {  	v9 =	vadd.s32 v9, v10;
	v10 =	vld [tilespmem:s23+$0x7F30]  }
0x159: {  	v9 =	vadd.s32 v11, v9;
	v11 =	vld [tilespmem:s23+$0xFF30]  }
0x15a: {  	v50 =	vld [tilespmem:s23+$0x7F40];
	v9 =	vadd.s32 v12, v9  }
0x15b: {  	v51 =	vld [tilespmem:s23+$0xFF40];
	v9 =	vadd.s32 v13, v9  }
0x15c: {  	v52 =	vld [tilespmem:s23+$0x7F50];
	v9 =	vadd.s32 v14, v9  }
0x15d: {  	v9 =	vadd.s32 v10, v9;
	v10 =	vld [tilespmem:s23+$0xFF50]  }
0x15e: {  	v9 =	vadd.s32 v11, v9;
	v11 =	vld [tilespmem:s23+$0x7F60]  }
0x15f: {  	v53 =	vld [tilespmem:s23+$0xFF60];
	v9 =	vadd.s32 v50, v9  }
0x160: {  	v54 =	vld [tilespmem:s23+$0x7F70];
	v9 =	vadd.s32 v51, v9  }
0x161: {  	v55 =	vld [tilespmem:s23+$0xFF70];
	v9 =	vadd.s32 v52, v9  }
0x162: {  	v9 =	vadd.s32 v10, v9;
	v10 =	vld [tilespmem:s23+$0x7F80]  }
0x163: {  	v9 =	vadd.s32 v11, v9;
	v11 =	vld [tilespmem:s23+$0xFF80]  }
0x164: {  	v56 =	vld [tilespmem:s23+$0x7F90];
	v9 =	vadd.s32 v53, v9  }
0x165: {  	v57 =	vld [tilespmem:s23+$0xFF90];
	v9 =	vadd.s32 v54, v9  }
0x166: {  	v58 =	vld [tilespmem:s23+$0x7FA0];
	v9 =	vadd.s32 v55, v9  }
0x167: {  	v9 =	vadd.s32 v10, v9;
	v10 =	vld [tilespmem:s23+$0xFFA0]  }
0x168: {  	v9 =	vadd.s32 v11, v9;
	v11 =	vld [tilespmem:s23+$0x7FB0]  }
0x169: {  	v59 =	vld [tilespmem:s23+$0xFFB0];
	v9 =	vadd.s32 v56, v9  }
0x16a: {  	v60 =	vld [tilespmem:s23+$0x7FC0];
	v9 =	vadd.s32 v57, v9  }
0x16b: {  	v61 =	vld [tilespmem:s23+$0xFFC0];
	v9 =	vadd.s32 v58, v9  }
0x16c: {  	v9 =	vadd.s32 v10, v9;
	v10 =	vld [tilespmem:s23+$0x7FD0]  }
0x16d: {  	v9 =	vadd.s32 v11, v9;
	v11 =	vld [tilespmem:s23+$0xFFD0]  }
0x16e: {  	v62 =	vld [tilespmem:s23+$0x7FE0];
	v9 =	vadd.s32 v59, v9  }
0x16f: {  	v63 =	vld [tilespmem:s23+$0xFFE0];
	v9 =	vadd.s32 v60, v9  }
0x170: {  	v4 =	vadd.s32 v4, v8;
	v8 =	vadd.s32 v61, v9;
	v9 =	vld [tilespmem:s23+$0x7FF0]  }
0x171: {  	v4 =	vadd.s32 v5, v4;
	v5 =	vadd.s32 v10, v8;
	v8 =	vld [tilespmem:s23+$0xFFF0]  }
0x172: {  	v4 =	vadd.s32 v6, v4;
	v5 =	vadd.s32 v11, v5  }
0x173: {  	v4 =	vadd.s32 v7, v4;
	v5 =	vadd.s32 v62, v5  }
0x174: {  	(xrf0) =	vadd.scan.msk.s32 $0xffff, v4;
	v4 =	vadd.s32 v63, v5  }
0x175: {  	v4 =	vadd.s32 v9, v4  }
0x176: {  	v4 =	vadd.s32 v8, v4  }
0x177: {  	(xrf0) =	vadd.scan.msk.s32 $0xffff, v4;
	_ =	sdelay $0x3  }
0x178: {  	v4, _, _ =	vpop (xrf0)  }
0x179: {  	(v2sf) =	vpush v4, $0xF  }
0x17a: {  	v4, _, _ =	vpop (xrf0)  }
0x17b: {  	(v2sf) =	vpush v4, $0xF;
	_ =	sdelay $0xc  }
0x17c: {  	s0 =	spop (v2sf)  }
0x17d: {  	s23 =	sadd.s32 s21, s0  }
0x17e: {  	p0 =	slt.s32 s21, $0xEB33;
	p1 =	sgt.s32 s23, $0xEB32;
	s24 =	spop (v2sf)  }
0x17f: {  	s19 =	sadd.s32 $0xFFFFFFFF, s19;
	p0 =	por !p0, !p1;
	s24 =	sadd.s32 s23, s24  }
0x180: {  	p5 =	slt.s32 s23, $0xEB33;
	p0 =	por !p0, !p0;
	p2 =	sgt.s32 s24, $0xEB32  }
0x181: {  	s22 =	smov.u32 @p0 s19;
	p1 =	por !p5, !p2  }
0x182: {  	s20 =	smov.u32 @p0 s21;
	s19 =	sadd.s32 $0xFFFFFFFF, s19;
	p0 =	por !p1, !p1  }
0x183: {  	s22 =	smov.u32 @p0 s19  }
0x184: {  	s19 =	sshll.u32 s22, $0xA  }
0x185: {  	s20 =	smov.u32 @p0 s23;
	s23 =	sshra.s32 s19, $0x2  }
0x186: {  	s24 =	sadd.s32 $0x8000, s23;
	v5 =	vmov s23  }
0x187: {  	v4 =	vmov s24;
	_ =	sdelay $0x2  }
0x188: {  	s25 =	simm.s32 $0xF0  }
0x189: {  	v6 =	vld.idx.msk [tilespmem:v5+s25+$0x0 ss:$0x1], $0xffff  }
0x18a: {  	v7 =	vld.idx.msk [tilespmem:v4+s25+$0x0 ss:$0x1], $0xffff;
	_ =	sdelay $0x4  }
0x18b: {  	v6 =	vadd.s32 v6, v7  }
0x18c: {  	(xrf0) =	vadd.scan.msk.s32 $0xffff, v6;
	_ =	sdelay $0x4  }
0x18d: {  	s26 =	simm.s32 $0xE0  }
0x18e: {  	v7 =	vld.idx.msk [tilespmem:v4+s26+$0x0 ss:$0x1], $0xffff;
	v6, _, _ =	vpop (xrf0)  }
0x18f: {  	s28 =	simm.s32 $0xD0;
	(v2sf) =	vpush v6, $0xF;
	v6 =	vld.idx.msk [tilespmem:v5+s26+$0x0 ss:$0x1], $0xffff  }
0x190: {  	s29 =	simm.s32 $0xC0;
	v8 =	vld.idx.msk [tilespmem:v5+s28+$0x0 ss:$0x1], $0xffff  }
0x191: {  	v10 =	vld.idx.msk [tilespmem:v5+s29+$0x0 ss:$0x1], $0xffff  }
0x192: {  	v9 =	vld.idx.msk [tilespmem:v4+s28+$0x0 ss:$0x1], $0xffff  }
0x193: {  	v11 =	vld.idx.msk [tilespmem:v4+s29+$0x0 ss:$0x1], $0xffff  }
0x194: {  	v6 =	vadd.s32 v6, v7  }
0x195: {  	(xrf0) =	vadd.scan.msk.s32 $0xffff, v6;
	_ =	sdelay $0x1  }
0x196: {  	v6 =	vadd.s32 v8, v9  }
0x197: {  	(xrf0) =	vadd.scan.msk.s32 $0xffff, v6;
	v6 =	vadd.s32 v10, v11;
	_ =	sdelay $0x2  }
0x198: {  	(xrf0) =	vadd.scan.msk.s32 $0xffff, v6;
	v6, _, _ =	vpop (xrf0)  }
0x199: {  	(v2sf) =	vpush v6, $0xF;
	_ =	sdelay $0x3  }
0x19a: {  	v9, _, _ =	vpop (xrf0)  }
0x19b: {  	s31 =	spop (v2sf);
	(v2sf) =	vpush v9, $0xF  }
0x19c: {  	s30 =	simm.s32 $0xB0  }
0x19d: {  	v7 =	vld.idx.msk [tilespmem:v5+s30+$0x0 ss:$0x1], $0xffff  }
0x19e: {  	v8 =	vld.idx.msk [tilespmem:v4+s30+$0x0 ss:$0x1], $0xffff  }
0x19f: {  	s23 =	sadd.s32 s20, s31  }
0x1a0: {  	p0 =	slt.s32 s20, $0xEB33;
	p6 =	sgt.s32 s23, $0xEB32  }
0x1a1: {  	s21 =	simm.s32 $0x0;
	s22 =	sshllo.u32 s22, $0x4;
	p0 =	por !p0, !p6  }
0x1a2: {  	s19 =	simm.s32 $0x0;
	s25 =	simm.s32 $0xA0;
	p0 =	por !p0, !p0  }
0x1a3: {  	s24 =	simm.s32 $0x240;
	v8 =	vadd.s32 v7, v8;
	v6 =	vld.idx.msk [tilespmem:v5+s25+$0x0 ss:$0x1], $0xffff;
	v7, _, _ =	vpop (xrf0);
	s21 =	smov.u32 @p0 s22;
	s19 =	smov.u32 @p0 s20  }
.LBB2_12:
0x1a4: {  	p0 =	sne.s32 s24, $0x0;
	v9 =	vld.idx.msk [tilespmem:v4+s25+$0x0 ss:$0x1], $0xffff;
	(xrf0) =	vadd.scan.msk.s32 $0xffff, v8;
	(v2sf) =	vpush v7, $0xF;
	s20 =	smov.u32 s23  }
0x1a5: {  	s25 =	spop (v2sf)  }
.Ltmp5:
0x1a6: {  	s23 =	sadd.s32 s23, s25;
	(pc) =	sbr.rel @p0 .LBB2_12-.Ltmp5, $4  }
0x1a7: {  	p1 =	slt.s32 s20, $0xEB33;
	p2 =	sgt.s32 s23, $0xEB32  }
0x1a8: {  	p1 =	por !p1, !p2  }
0x1a9: {  	s22 =	sadd.s32 $0xFFFFFFFF, s22;
	s25 =	sshra.s32 s24, $0x2;
	p1 =	por !p1, !p1  }
0x1aa: {  	s24 =	sadd.s32 $0xFFFFFFC0, s24;
	v8 =	vadd.s32 v6, v9;
	v6 =	vld.idx.msk [tilespmem:v5+s25+$0x0 ss:$0x1], $0xffff;
	v7, _, _ =	vpop (xrf0);
	s21 =	smov.u32 @p1 s22;
	s19 =	smov.u32 @p1 s20  }
0x1ab: {  	_ =	sdelay $0x3  }
0x1ac: {  	v4 =	vld.idx.msk [tilespmem:v4+s25+$0x0 ss:$0x1], $0xffff;
	_ =	sdelay $0x3  }
0x1ad: {  	(xrf0) =	vadd.scan.msk.s32 $0xffff, v8  }
0x1ae: {  	v4 =	vadd.s32 v6, v4  }
0x1af: {  	(xrf0) =	vadd.scan.msk.s32 $0xffff, v4  }
0x1b0: {  	(v2sf) =	vpush v7, $0xF;
	_ =	sdelay $0x2  }
0x1b1: {  	v4, _, _ =	vpop (xrf0)  }
0x1b2: {  	(v2sf) =	vpush v4, $0xF  }
0x1b3: {  	v4, _, _ =	vpop (xrf0)  }
0x1b4: {  	(v2sf) =	vpush v4, $0xF;
	_ =	sdelay $0x3  }
0x1b5: {  	s20 =	spop (v2sf)  }
0x1b6: {  	s20 =	sadd.s32 s23, s20;
	s24 =	spop (v2sf)  }
0x1b7: {  	p0 =	slt.s32 s23, $0xEB33;
	p1 =	sgt.s32 s20, $0xEB32;
	s24 =	sadd.s32 s20, s24  }
0x1b8: {  	p6 =	slt.s32 s20, $0xEB33;
	p0 =	por !p0, !p1;
	p2 =	sgt.s32 s24, $0xEB32  }
0x1b9: {  	s22 =	sadd.s32 $0xFFFFFFFF, s22;
	p3 =	por !p0, !p0;
	p1 =	por !p6, !p2  }
0x1ba: {  	s19 =	smov.u32 @p3 s23;
	p0 =	por !p1, !p1;
	s29 =	spop (v2sf)  }
0x1bb: {  	s21 =	smov.u32 @p3 s22;
	s19 =	smov.u32 @p0 s20;
	s20 =	sadd.s32 s24, s29  }
0x1bc: {  	s22 =	sadd.s32 $0xFFFFFFFF, s22;
	p2 =	slt.s32 s24, $0xEB33;
	p3 =	sgt.s32 s20, $0xEB32  }
0x1bd: {  	s21 =	smov.u32 @p0 s22;
	p1 =	por !p2, !p3  }
0x1be: {  	s22 =	sadd.s32 $0xFFFFFFFF, s22;
	p1 =	por !p1, !p1;
	s30 =	spop (v2sf)  }
0x1bf: {  	p4 =	slt.s32 s20, $0xEB33;
	s19 =	smov.u32 @p1 s24;
	s23 =	sadd.s32 s20, s30  }
0x1c0: {  	s21 =	smov.u32 @p1 s22;
	p5 =	sgt.s32 s23, $0xEB32;
	s31 =	spop (v2sf)  }
0x1c1: {  	s22 =	sadd.s32 $0xFFFFFFFF, s22;
	p0 =	por !p4, !p5;
	s25 =	sadd.s32 s23, s31  }
0x1c2: {  	p6 =	slt.s32 s23, $0xEB33;
	p0 =	por !p0, !p0;
	p2 =	sgt.s32 s25, $0xEB32  }
0x1c3: {  	s21 =	smov.u32 @p0 s22;
	s22 =	sadd.s32 $0xFFFFFFFF, s22;
	p1 =	por !p6, !p2  }
0x1c4: {  	s19 =	smov.u32 @p0 s20;
	s20 =	simm.s32 $0x40;
	p1 =	por !p1, !p1  }
0x1c5: {  	s21 =	smov.u32 @p1 s22;
	s19 =	smov.u32 @p1 s23;
	s22 =	simm.s32 $0x0  }
.LBB2_14:
0x1c6: {  	p0 =	sne.s32 s20, $0x1FFC0;
	[tilespmem:s22+$0x0] =	vst v1;
	s23 =	smov.u32 s20;
	s20 =	sadd.s32 $0x40, s20  }
.Ltmp6:
0x1c7: {  	[tilespmem:s22+$0x8000] =	vst v1;
	(pc) =	sbr.rel @p0 .LBB2_14-.Ltmp6, $2  }
0x1c8: {  	_ =	sdelay $0x2  }
0x1c9: {  	s22 =	sshra.s32 s23, $0x2  }
0x1ca: {  	[tilespmem:s22+$0x0] =	vst v1  }
0x1cb: {  	[tilespmem:s22+$0x8000] =	vst v1;
	s20 =	sadd.s32 $0xFFFFFC00, s21;
	s21 =	simm.s32 $0x0  }
0x1cc: {  	[tilespmem:s11], [sflag:$0x1] =	stream.strided.gather [hbm4b:s4+s9], $0x4980, s10, s9, $0x38;
	v4 =	vmov s20;
	[tilespmem:$0x19380] =	vst v63  }
.LBB2_16:
0x1cd: {  	s22 =	smul.u32 $0x49800, s21;
	_ =	sdelay $0x1  }
0x1ce: {  	s23 =	sadd.s32 s22, s5  }
0x1cf: {  	s23 =	sshrl.u32 s23, $0x3  }
0x1d0: {  	s23 =	sadd.s32 s3, s23  }
0x1d1: {  	[tilespmem:s12], [sflag:$0x2] =	stream.strided.gather [hbm4b:s23+s9], $0x4980, s10, s9, $0x38;
	[tilespmem:$0x19380] =	vst v63  }
0x1d2: {  	_ =	swait.ge [sflag:s13], $0x4980  }
0x1d3: {  	[sflag:s13] =	ssyncset.done $0x0  }
0x1d4: {  	s26 =	simm.s32 $0x10040;
	[sflag:s13] =	ssyncadd.s32 $0xFFFFB680  }
0x1d5: {  	v5 =	vld [tilespmem:s26+$0x0];
	_ =	sdelay $0x4  }
0x1d6: {  	v6 =	vshra.s32 v5, $0x15;
	v5 =	vshrl.u32 v5, $0x6  }
0x1d7: {  	vm0 =	veq.s32 v6, v4;
	v5 =	vand.u32 $0x7FF0, v5  }
0x1d8: {  	v5 =	vor.u32 v0, v5;
	_ =	sdelay $0x3  }
0x1d9: {  	v6 =	vld [tilespmem:s26+$0xFFFFFFC0]  }
0x1da: {  	[tilespmem:v5+s2+$0x0] =	vst.idx.add.s32.msk vm0, v3  }
0x1db: {  	v5 =	vld [tilespmem:s26+$0x10]  }
0x1dc: {  	s23 =	simm.s32 $0x100C0  }
0x1dd: {  	v7 =	vld [tilespmem:s23+$0x0]  }
0x1de: {  	v8 =	vshrl.u32 v6, $0x6;
	v6 =	vshra.s32 v6, $0x15  }
0x1df: {  	v8 =	vand.u32 $0x7FF0, v8;
	vm0 =	veq.s32 v6, v4  }
0x1e0: {  	v6 =	vor.u32 v0, v8;
	v8 =	vshra.s32 v5, $0x15  }
0x1e1: {  	v5 =	vshrl.u32 v5, $0x6;
	vm1 =	veq.s32 v8, v4  }
0x1e2: {  	v5 =	vand.u32 $0x7FF0, v5;
	v8 =	vshra.s32 v7, $0x15;
	v7 =	vshrl.u32 v7, $0x6  }
0x1e3: {  	v5 =	vor.u32 v0, v5;
	vm2 =	veq.s32 v8, v4;
	v7 =	vand.u32 $0x7FF0, v7  }
0x1e4: {  	v7 =	vor.u32 v0, v7  }
0x1e5: {  	[tilespmem:v6+s2+$0x0] =	vst.idx.add.s32.msk vm0, v3  }
0x1e6: {  	v6 =	vld [tilespmem:s23+$0xFFFFFFC0]  }
0x1e7: {  	v8 =	vld [tilespmem:s26+$0xFFFFFFD0]  }
0x1e8: {  	[tilespmem:v5+s14+$0x0] =	vst.idx.add.s32.msk vm1, v3  }
0x1e9: {  	[tilespmem:v7+s2+$0x0] =	vst.idx.add.s32.msk vm2, v3  }
0x1ea: {  	v5 =	vld [tilespmem:s23+$0x10]  }
0x1eb: {  	v7 =	vshrl.u32 v6, $0x6;
	v6 =	vshra.s32 v6, $0x15;
	v9 =	vld [tilespmem:s26+$0x20]  }
0x1ec: {  	s24 =	simm.s32 $0x10140;
	v7 =	vand.u32 $0x7FF0, v7;
	vm0 =	veq.s32 v6, v4  }
0x1ed: {  	v10 =	vld [tilespmem:s24+$0x0];
	v6 =	vshra.s32 v8, $0x15;
	v8 =	vshrl.u32 v8, $0x6;
	v7 =	vor.u32 v0, v7  }
0x1ee: {  	v8 =	vand.u32 $0x7FF0, v8;
	vm1 =	veq.s32 v6, v4  }
0x1ef: {  	v6 =	vor.u32 v0, v8;
	v8 =	vshra.s32 v5, $0x15;
	v5 =	vshrl.u32 v5, $0x6  }
0x1f0: {  	v12 =	vld [tilespmem:s24+$0xFFFFFFC0];
	v11 =	vshra.s32 v9, $0x15;
	vm2 =	veq.s32 v8, v4;
	v5 =	vand.u32 $0x7FF0, v5  }
0x1f1: {  	vm3 =	veq.s32 v11, v4;
	v8 =	vshrl.u32 v9, $0x6;
	v5 =	vor.u32 v0, v5  }
0x1f2: {  	[tilespmem:v7+s2+$0x0] =	vst.idx.add.s32.msk vm0, v3;
	v9 =	vshrl.u32 v10, $0x6;
	v7 =	vand.u32 $0x7FF0, v8;
	v8 =	vshra.s32 v10, $0x15  }
0x1f3: {  	v10 =	vld [tilespmem:s23+$0xFFFFFFD0];
	v7 =	vor.u32 v0, v7;
	vm0 =	veq.s32 v8, v4;
	v8 =	vand.u32 $0x7FF0, v9  }
0x1f4: {  	[tilespmem:v6+s14+$0x0] =	vst.idx.add.s32.msk vm1, v3;
	v6 =	vor.u32 v0, v8  }
0x1f5: {  	v11 =	vshra.s32 v12, $0x15;
	v9 =	vshrl.u32 v12, $0x6;
	v8 =	vld [tilespmem:s26+$0xFFFFFFE0]  }
0x1f6: {  	vm1 =	veq.s32 v11, v4;
	v9 =	vand.u32 $0x7FF0, v9;
	[tilespmem:v5+s14+$0x0] =	vst.idx.add.s32.msk vm2, v3  }
0x1f7: {  	v5 =	vor.u32 v0, v9;
	v9 =	vld [tilespmem:s23+$0x20]  }
0x1f8: {  	v11 =	vshra.s32 v10, $0x15;
	v10 =	vshrl.u32 v10, $0x6;
	[tilespmem:v7+s2+$0x0] =	vst.idx.add.s32.msk vm3, v3  }
0x1f9: {  	v7 =	vand.u32 $0x7FF0, v10;
	vm2 =	veq.s32 v11, v4;
	[tilespmem:v6+s2+$0x0] =	vst.idx.add.s32.msk vm0, v3  }
0x1fa: {  	v6 =	vor.u32 v0, v7;
	v7 =	vshra.s32 v8, $0x15;
	v8 =	vshrl.u32 v8, $0x6;
	v10 =	vld [tilespmem:s24+$0x10]  }
0x1fb: {  	v11 =	vld [tilespmem:s26+$0x30];
	vm0 =	veq.s32 v7, v4;
	v7 =	vand.u32 $0x7FF0, v8  }
0x1fc: {  	s25 =	simm.s32 $0x101C0;
	v7 =	vor.u32 v0, v7;
	[tilespmem:v5+s2+$0x0] =	vst.idx.add.s32.msk vm1, v3;
	v5 =	vshra.s32 v9, $0x15;
	v8 =	vshrl.u32 v9, $0x6  }
0x1fd: {  	v9 =	vld [tilespmem:s25+$0x0];
	vm1 =	veq.s32 v5, v4;
	v5 =	vand.u32 $0x7FF0, v8  }
0x1fe: {  	v13 =	vld [tilespmem:s24+$0xFFFFFFD0];
	v5 =	vor.u32 v0, v5  }
0x1ff: {  	v8 =	vld [tilespmem:s25+$0xFFFFFFC0];
	v12 =	vshra.s32 v10, $0x15;
	v10 =	vshrl.u32 v10, $0x6  }
0x200: {  	[tilespmem:v6+s14+$0x0] =	vst.idx.add.s32.msk vm2, v3;
	v6 =	vshra.s32 v11, $0x15;
	vm2 =	veq.s32 v12, v4;
	v10 =	vand.u32 $0x7FF0, v10  }
0x201: {  	v11 =	vshrl.u32 v11, $0x6;
	vm4 =	veq.s32 v6, v4;
	[tilespmem:v7+s2+$0x0] =	vst.idx.add.s32.msk vm0, v3;
	v6 =	vor.u32 v0, v10  }
0x202: {  	v11 =	vand.u32 $0x7FF0, v11;
	v10 =	vld [tilespmem:s23+$0xFFFFFFE0];
	v12 =	vshra.s32 v9, $0x15;
	v9 =	vshrl.u32 v9, $0x6  }
0x203: {  	v7 =	vor.u32 v0, v11;
	vm0 =	veq.s32 v12, v4;
	v9 =	vand.u32 $0x7FF0, v9;
	[tilespmem:v5+s2+$0x0] =	vst.idx.add.s32.msk vm1, v3  }
0x204: {  	v5 =	vshrl.u32 v8, $0x6;
	v8 =	vshra.s32 v8, $0x15;
	v9 =	vor.u32 v0, v9;
	v11 =	vld [tilespmem:s23+$0x30]  }
0x205: {  	v12 =	vshrl.u32 v13, $0x6;
	v5 =	vand.u32 $0x7FF0, v5;
	vm5 =	veq.s32 v8, v4;
	v8 =	vld [tilespmem:s26+$0xFFFFFFF0]  }
0x206: {  	v13 =	vshra.s32 v13, $0x15;
	v12 =	vand.u32 $0x7FF0, v12;
	v5 =	vor.u32 v0, v5;
	[tilespmem:v6+s14+$0x0] =	vst.idx.add.s32.msk vm2, v3  }
0x207: {  	vm3 =	veq.s32 v13, v4;
	v6 =	vshra.s32 v10, $0x15;
	v10 =	vshrl.u32 v10, $0x6;
	v13 =	vld [tilespmem:s24+$0x20]  }
0x208: {  	[tilespmem:v7+s14+$0x0] =	vst.idx.add.s32.msk vm4, v3;
	v7 =	vor.u32 v0, v12;
	vm2 =	veq.s32 v6, v4;
	v6 =	vand.u32 $0x7FF0, v10  }
0x209: {  	v6 =	vor.u32 v0, v6;
	[tilespmem:v9+s2+$0x0] =	vst.idx.add.s32.msk vm0, v3;
	v10 =	vshra.s32 v11, $0x15;
	v11 =	vshrl.u32 v11, $0x6  }
0x20a: {  	v9 =	vld [tilespmem:s25+$0x10];
	v14 =	vshra.s32 v8, $0x15;
	vm1 =	veq.s32 v10, v4;
	v10 =	vand.u32 $0x7FF0, v11  }
0x20b: {  	v11 =	vshrl.u32 v8, $0x6;
	[tilespmem:v5+s2+$0x0] =	vst.idx.add.s32.msk vm5, v3;
	vm0 =	veq.s32 v14, v4;
	v5 =	vor.u32 v0, v10  }
0x20c: {  	s28 =	simm.s32 $0x10240;
	s26 =	simm.s32 $0x6;
	v8 =	vand.u32 $0x7FF0, v11;
	v10 =	vld [tilespmem:s25+$0xFFFFFFD0];
	v11 =	vshra.s32 v13, $0x15;
	v12 =	vshrl.u32 v13, $0x6  }
.LBB2_17:
0x20d: {  	v13 =	vld [tilespmem:s28+$0x0];
	s26 =	sadd.s32 $0x2, s26;
	vm5 =	veq.s32 v11, v4;
	v11 =	vand.u32 $0x7FF0, v12;
	v8 =	vor.u32 v0, v8  }
0x20e: {  	v12 =	vld [tilespmem:s28+$0xFFFFFFC0];
	p0 =	slt.u32 s26, $0x124;
	v11 =	vor.u32 v0, v11  }
0x20f: {  	v14 =	vshra.s32 v9, $0x15;
	v9 =	vshrl.u32 v9, $0x6;
	[tilespmem:v7+s14+$0x0] =	vst.idx.add.s32.msk vm3, v3  }
0x210: {  	vm4 =	veq.s32 v14, v4;
	v7 =	vand.u32 $0x7FF0, v9;
	[tilespmem:v5+s14+$0x0] =	vst.idx.add.s32.msk vm1, v3  }
0x211: {  	v5 =	vshra.s32 v10, $0x15;
	v9 =	vshrl.u32 v10, $0x6;
	v10 =	vor.u32 v0, v7;
	v14 =	vld [tilespmem:s24+$0xFFFFFFE0]  }
0x212: {  	v7 =	vshra.s32 v13, $0x15;
	v13 =	vshrl.u32 v13, $0x6;
	v9 =	vand.u32 $0x7FF0, v9;
	[tilespmem:v6+s2+$0x0] =	vst.idx.add.s32.msk vm2, v3  }
0x213: {  	v6 =	vshrl.u32 v12, $0x6;
	vm1 =	veq.s32 v7, v4;
	v7 =	vand.u32 $0x7FF0, v13;
	[tilespmem:v11+s2+$0x0] =	vst.idx.add.s32.msk vm5, v3  }
0x214: {  	v11 =	vshra.s32 v12, $0x15;
	v6 =	vand.u32 $0x7FF0, v6;
	v12 =	vor.u32 v0, v7;
	v13 =	vld [tilespmem:s24+$0x30]  }
0x215: {  	vm3 =	veq.s32 v5, v4;
	vm5 =	veq.s32 v11, v4;
	v11 =	vor.u32 v0, v6;
	v15 =	vld [tilespmem:s23+$0xFFFFFFF0];
	s23 =	smov.u32 s24;
	s24 =	smov.u32 s25;
	s25 =	smov.u32 s28  }
0x216: {  	v7 =	vor.u32 v0, v9;
	[tilespmem:v10+s14+$0x0] =	vst.idx.add.s32.msk vm4, v3;
	v5 =	vshra.s32 v14, $0x15;
	v6 =	vshrl.u32 v14, $0x6  }
0x217: {  	v14 =	vld [tilespmem:s24+$0x20];
	vm2 =	veq.s32 v5, v4;
	v5 =	vand.u32 $0x7FF0, v6  }
.Ltmp7:
0x218: {  	v6 =	vor.u32 v0, v5;
	[tilespmem:v8+s14+$0x0] =	vst.idx.add.s32.msk vm0, v3;
	(pc) =	sbr.rel @p0 .LBB2_17-.Ltmp7, $4  }
0x219: {  	[tilespmem:v12+s2+$0x0] =	vst.idx.add.s32.msk vm1, v3;
	v5 =	vshra.s32 v13, $0x15;
	v8 =	vshrl.u32 v13, $0x6  }
0x21a: {  	v9 =	vld [tilespmem:s28+$0x10];
	vm1 =	veq.s32 v5, v4;
	v5 =	vand.u32 $0x7FF0, v8;
	v8 =	vshrl.u32 v15, $0x6  }
0x21b: {  	v13 =	vshra.s32 v15, $0x15;
	[tilespmem:v11+s2+$0x0] =	vst.idx.add.s32.msk vm5, v3;
	v5 =	vor.u32 v0, v5;
	v8 =	vand.u32 $0x7FF0, v8  }
0x21c: {  	s28 =	sadd.s32 $0x80, s28;
	vm0 =	veq.s32 v13, v4;
	v10 =	vld [tilespmem:s25+$0xFFFFFFD0];
	v11 =	vshra.s32 v14, $0x15;
	v12 =	vshrl.u32 v14, $0x6  }
0x21d: {  	_ =	sdelay $0x1  }
0x21e: {  	v13 =	vshra.s32 v9, $0x15;
	v9 =	vshrl.u32 v9, $0x6  }
0x21f: {  	vm4 =	veq.s32 v13, v4;
	v9 =	vand.u32 $0x7FF0, v9  }
0x220: {  	v9 =	vor.u32 v0, v9  }
0x221: {  	v13 =	vshra.s32 v10, $0x15;
	v10 =	vshrl.u32 v10, $0x6  }
0x222: {  	v10 =	vand.u32 $0x7FF0, v10;
	vm5 =	veq.s32 v13, v4  }
0x223: {  	[tilespmem:v7+s14+$0x0] =	vst.idx.add.s32.msk vm3, v3;
	v7 =	vor.u32 v0, v10  }
0x224: {  	v10 =	vld [tilespmem:s24+$0xFFFFFFE0]  }
0x225: {  	[tilespmem:v9+s14+$0x0] =	vst.idx.add.s32.msk vm4, v3  }
0x226: {  	v9 =	vld [tilespmem:s25+$0x20];
	_ =	sdelay $0x1  }
0x227: {  	vm3 =	veq.s32 v11, v4;
	v11 =	vand.u32 $0x7FF0, v12;
	[tilespmem:v7+s14+$0x0] =	vst.idx.add.s32.msk vm5, v3  }
0x228: {  	v7 =	vor.u32 v0, v11;
	v11 =	vshra.s32 v10, $0x15;
	v12 =	vld [tilespmem:s25+$0xFFFFFFE0]  }
0x229: {  	v10 =	vshrl.u32 v10, $0x6;
	vm4 =	veq.s32 v11, v4  }
0x22a: {  	v10 =	vand.u32 $0x7FF0, v10;
	v11 =	vshra.s32 v9, $0x15;
	v9 =	vshrl.u32 v9, $0x6  }
0x22b: {  	v10 =	vor.u32 v0, v10;
	vm5 =	veq.s32 v11, v4;
	v9 =	vand.u32 $0x7FF0, v9  }
0x22c: {  	[tilespmem:v6+s2+$0x0] =	vst.idx.add.s32.msk vm2, v3;
	v6 =	vor.u32 v0, v9  }
0x22d: {  	[tilespmem:v7+s2+$0x0] =	vst.idx.add.s32.msk vm3, v3;
	v7 =	vshra.s32 v12, $0x15;
	v9 =	vshrl.u32 v12, $0x6  }
0x22e: {  	v11 =	vld [tilespmem:s24+$0x30];
	vm2 =	veq.s32 v7, v4;
	v7 =	vand.u32 $0x7FF0, v9  }
0x22f: {  	v9 =	vld [tilespmem:s23+$0xFFFFFFF0];
	v7 =	vor.u32 v0, v7  }
0x230: {  	[tilespmem:v10+s2+$0x0] =	vst.idx.add.s32.msk vm4, v3  }
0x231: {  	[tilespmem:v6+s2+$0x0] =	vst.idx.add.s32.msk vm5, v3  }
0x232: {  	v6 =	vld [tilespmem:s25+$0x30]  }
0x233: {  	v12 =	vld [tilespmem:s24+$0xFFFFFFF0];
	v10 =	vshra.s32 v11, $0x15  }
0x234: {  	v8 =	vor.u32 v0, v8;
	v11 =	vshrl.u32 v11, $0x6;
	vm3 =	veq.s32 v10, v4;
	[tilespmem:v7+s2+$0x0] =	vst.idx.add.s32.msk vm2, v3  }
0x235: {  	v10 =	vshrl.u32 v9, $0x6;
	v9 =	vshra.s32 v9, $0x15;
	v7 =	vand.u32 $0x7FF0, v11;
	v11 =	vld [tilespmem:s25+$0xFFFFFFF0]  }
0x236: {  	v10 =	vand.u32 $0x7FF0, v10;
	vm2 =	veq.s32 v9, v4;
	v7 =	vor.u32 v0, v7  }
0x237: {  	v9 =	vor.u32 v0, v10;
	v10 =	vshra.s32 v6, $0x15;
	v6 =	vshrl.u32 v6, $0x6  }
0x238: {  	vm4 =	veq.s32 v10, v4;
	v6 =	vand.u32 $0x7FF0, v6;
	v10 =	vshrl.u32 v12, $0x6  }
0x239: {  	v12 =	vshra.s32 v12, $0x15;
	v6 =	vor.u32 v0, v6;
	v10 =	vand.u32 $0x7FF0, v10  }
0x23a: {  	vm5 =	veq.s32 v12, v4;
	v12 =	vshrl.u32 v11, $0x6;
	v11 =	vshra.s32 v11, $0x15  }
0x23b: {  	[tilespmem:v5+s14+$0x0] =	vst.idx.add.s32.msk vm1, v3;
	v5 =	vor.u32 v0, v10;
	v10 =	vand.u32 $0x7FF0, v12;
	vm1 =	veq.s32 v11, v4  }
0x23c: {  	[tilespmem:v8+s14+$0x0] =	vst.idx.add.s32.msk vm0, v3;
	v8 =	vor.u32 v0, v10  }
0x23d: {  	p0 =	seq.s32 s21, $0xF;
	[tilespmem:v7+s14+$0x0] =	vst.idx.add.s32.msk vm3, v3  }
0x23e: {  	s22 =	sadd.s32 @!p0 s22, s6;
	[tilespmem:v9+s14+$0x0] =	vst.idx.add.s32.msk vm2, v3  }
0x23f: {  	s22 =	sshrl.u32 @!p0 s22, $0x3;
	[tilespmem:v6+s14+$0x0] =	vst.idx.add.s32.msk vm4, v3  }
0x240: {  	s22 =	sadd.s32 @!p0 s3, s22;
	[tilespmem:v5+s14+$0x0] =	vst.idx.add.s32.msk vm5, v3  }
0x241: {  	s23 =	simm.s32 @!p0 $0x80;
	s24 =	simm.s32 @!p0 $0x400;
	s25 =	simm.s32 @!p0 $0x10000;
	[tilespmem:v8+s14+$0x0] =	vst.idx.add.s32.msk vm1, v3  }
0x242: {  	[tilespmem:s25], [sflag:$0x1] =	stream.strided.gather @!p0 [hbm4b:s22+s23], $0x4980, s24, s23, $0x38;
	[tilespmem:$0x19380] =	vst v63  }
0x243: {  	_ =	swait.ge [sflag:s15], $0x4980  }
0x244: {  	[sflag:s15] =	ssyncset.done $0x0  }
0x245: {  	s31 =	simm.s32 $0x149C0;
	[sflag:s15] =	ssyncadd.s32 $0xFFFFB680  }
0x246: {  	v5 =	vld [tilespmem:s31+$0x0];
	_ =	sdelay $0x4  }
0x247: {  	v6 =	vshra.s32 v5, $0x15;
	v5 =	vshrl.u32 v5, $0x6  }
0x248: {  	vm0 =	veq.s32 v6, v4;
	v5 =	vand.u32 $0x7FF0, v5  }
0x249: {  	v5 =	vor.u32 v0, v5;
	_ =	sdelay $0x3  }
0x24a: {  	v6 =	vld [tilespmem:s31+$0xFFFFFFC0]  }
0x24b: {  	[tilespmem:v5+s2+$0x0] =	vst.idx.add.s32.msk vm0, v3  }
0x24c: {  	v5 =	vld [tilespmem:s31+$0x10]  }
0x24d: {  	s22 =	simm.s32 $0x14A40  }
0x24e: {  	v7 =	vld [tilespmem:s22+$0x0]  }
0x24f: {  	v8 =	vshrl.u32 v6, $0x6;
	v6 =	vshra.s32 v6, $0x15  }
0x250: {  	v8 =	vand.u32 $0x7FF0, v8;
	vm0 =	veq.s32 v6, v4  }
0x251: {  	v6 =	vor.u32 v0, v8;
	v8 =	vshra.s32 v5, $0x15  }
0x252: {  	v5 =	vshrl.u32 v5, $0x6;
	vm1 =	veq.s32 v8, v4  }
0x253: {  	v5 =	vand.u32 $0x7FF0, v5;
	v8 =	vshra.s32 v7, $0x15;
	v7 =	vshrl.u32 v7, $0x6  }
0x254: {  	v5 =	vor.u32 v0, v5;
	vm2 =	veq.s32 v8, v4;
	v7 =	vand.u32 $0x7FF0, v7  }
0x255: {  	v7 =	vor.u32 v0, v7  }
0x256: {  	[tilespmem:v6+s2+$0x0] =	vst.idx.add.s32.msk vm0, v3  }
0x257: {  	v6 =	vld [tilespmem:s22+$0xFFFFFFC0]  }
0x258: {  	v8 =	vld [tilespmem:s31+$0xFFFFFFD0]  }
0x259: {  	[tilespmem:v5+s14+$0x0] =	vst.idx.add.s32.msk vm1, v3  }
0x25a: {  	[tilespmem:v7+s2+$0x0] =	vst.idx.add.s32.msk vm2, v3  }
0x25b: {  	v5 =	vld [tilespmem:s22+$0x10]  }
0x25c: {  	v7 =	vshrl.u32 v6, $0x6;
	v6 =	vshra.s32 v6, $0x15;
	v9 =	vld [tilespmem:s31+$0x20]  }
0x25d: {  	s23 =	simm.s32 $0x14AC0;
	v7 =	vand.u32 $0x7FF0, v7;
	vm0 =	veq.s32 v6, v4  }
0x25e: {  	v10 =	vld [tilespmem:s23+$0x0];
	v6 =	vshra.s32 v8, $0x15;
	v8 =	vshrl.u32 v8, $0x6;
	v7 =	vor.u32 v0, v7  }
0x25f: {  	v8 =	vand.u32 $0x7FF0, v8;
	vm1 =	veq.s32 v6, v4  }
0x260: {  	v6 =	vor.u32 v0, v8;
	v8 =	vshra.s32 v5, $0x15;
	v5 =	vshrl.u32 v5, $0x6  }
0x261: {  	v12 =	vld [tilespmem:s23+$0xFFFFFFC0];
	v11 =	vshra.s32 v9, $0x15;
	vm2 =	veq.s32 v8, v4;
	v5 =	vand.u32 $0x7FF0, v5  }
0x262: {  	vm3 =	veq.s32 v11, v4;
	v8 =	vshrl.u32 v9, $0x6;
	v5 =	vor.u32 v0, v5  }
0x263: {  	[tilespmem:v7+s2+$0x0] =	vst.idx.add.s32.msk vm0, v3;
	v9 =	vshrl.u32 v10, $0x6;
	v7 =	vand.u32 $0x7FF0, v8;
	v8 =	vshra.s32 v10, $0x15  }
0x264: {  	v10 =	vld [tilespmem:s22+$0xFFFFFFD0];
	v7 =	vor.u32 v0, v7;
	vm0 =	veq.s32 v8, v4;
	v8 =	vand.u32 $0x7FF0, v9  }
0x265: {  	[tilespmem:v6+s14+$0x0] =	vst.idx.add.s32.msk vm1, v3;
	v6 =	vor.u32 v0, v8  }
0x266: {  	v11 =	vshra.s32 v12, $0x15;
	v9 =	vshrl.u32 v12, $0x6;
	v8 =	vld [tilespmem:s31+$0xFFFFFFE0]  }
0x267: {  	vm1 =	veq.s32 v11, v4;
	v9 =	vand.u32 $0x7FF0, v9;
	[tilespmem:v5+s14+$0x0] =	vst.idx.add.s32.msk vm2, v3  }
0x268: {  	v5 =	vor.u32 v0, v9;
	v9 =	vld [tilespmem:s22+$0x20]  }
0x269: {  	v11 =	vshra.s32 v10, $0x15;
	v10 =	vshrl.u32 v10, $0x6;
	[tilespmem:v7+s2+$0x0] =	vst.idx.add.s32.msk vm3, v3  }
0x26a: {  	v7 =	vand.u32 $0x7FF0, v10;
	vm2 =	veq.s32 v11, v4;
	[tilespmem:v6+s2+$0x0] =	vst.idx.add.s32.msk vm0, v3  }
0x26b: {  	v6 =	vor.u32 v0, v7;
	v7 =	vshra.s32 v8, $0x15;
	v8 =	vshrl.u32 v8, $0x6;
	v10 =	vld [tilespmem:s23+$0x10]  }
0x26c: {  	v11 =	vld [tilespmem:s31+$0x30];
	vm0 =	veq.s32 v7, v4;
	v7 =	vand.u32 $0x7FF0, v8  }
0x26d: {  	s24 =	simm.s32 $0x14B40;
	v7 =	vor.u32 v0, v7;
	[tilespmem:v5+s2+$0x0] =	vst.idx.add.s32.msk vm1, v3;
	v5 =	vshra.s32 v9, $0x15;
	v8 =	vshrl.u32 v9, $0x6  }
0x26e: {  	v9 =	vld [tilespmem:s24+$0x0];
	vm1 =	veq.s32 v5, v4;
	v5 =	vand.u32 $0x7FF0, v8  }
0x26f: {  	v13 =	vld [tilespmem:s23+$0xFFFFFFD0];
	v5 =	vor.u32 v0, v5  }
0x270: {  	v8 =	vld [tilespmem:s24+$0xFFFFFFC0];
	v12 =	vshra.s32 v10, $0x15;
	v10 =	vshrl.u32 v10, $0x6  }
0x271: {  	[tilespmem:v6+s14+$0x0] =	vst.idx.add.s32.msk vm2, v3;
	v6 =	vshra.s32 v11, $0x15;
	vm2 =	veq.s32 v12, v4;
	v10 =	vand.u32 $0x7FF0, v10  }
0x272: {  	v11 =	vshrl.u32 v11, $0x6;
	vm4 =	veq.s32 v6, v4;
	[tilespmem:v7+s2+$0x0] =	vst.idx.add.s32.msk vm0, v3;
	v6 =	vor.u32 v0, v10  }
0x273: {  	v11 =	vand.u32 $0x7FF0, v11;
	v10 =	vld [tilespmem:s22+$0xFFFFFFE0];
	v12 =	vshra.s32 v9, $0x15;
	v9 =	vshrl.u32 v9, $0x6  }
0x274: {  	v7 =	vor.u32 v0, v11;
	vm0 =	veq.s32 v12, v4;
	v9 =	vand.u32 $0x7FF0, v9;
	[tilespmem:v5+s2+$0x0] =	vst.idx.add.s32.msk vm1, v3  }
0x275: {  	v5 =	vshrl.u32 v8, $0x6;
	v8 =	vshra.s32 v8, $0x15;
	v9 =	vor.u32 v0, v9;
	v11 =	vld [tilespmem:s22+$0x30]  }
0x276: {  	v12 =	vshrl.u32 v13, $0x6;
	v5 =	vand.u32 $0x7FF0, v5;
	vm5 =	veq.s32 v8, v4;
	v8 =	vld [tilespmem:s31+$0xFFFFFFF0]  }
0x277: {  	v13 =	vshra.s32 v13, $0x15;
	v12 =	vand.u32 $0x7FF0, v12;
	v5 =	vor.u32 v0, v5;
	[tilespmem:v6+s14+$0x0] =	vst.idx.add.s32.msk vm2, v3  }
0x278: {  	vm3 =	veq.s32 v13, v4;
	v6 =	vshra.s32 v10, $0x15;
	v10 =	vshrl.u32 v10, $0x6;
	v13 =	vld [tilespmem:s23+$0x20]  }
0x279: {  	[tilespmem:v7+s14+$0x0] =	vst.idx.add.s32.msk vm4, v3;
	v7 =	vor.u32 v0, v12;
	vm2 =	veq.s32 v6, v4;
	v6 =	vand.u32 $0x7FF0, v10  }
0x27a: {  	v6 =	vor.u32 v0, v6;
	[tilespmem:v9+s2+$0x0] =	vst.idx.add.s32.msk vm0, v3;
	v10 =	vshra.s32 v11, $0x15;
	v11 =	vshrl.u32 v11, $0x6  }
0x27b: {  	v9 =	vld [tilespmem:s24+$0x10];
	v14 =	vshra.s32 v8, $0x15;
	vm1 =	veq.s32 v10, v4;
	v10 =	vand.u32 $0x7FF0, v11  }
0x27c: {  	v11 =	vshrl.u32 v8, $0x6;
	[tilespmem:v5+s2+$0x0] =	vst.idx.add.s32.msk vm5, v3;
	vm0 =	veq.s32 v14, v4;
	v5 =	vor.u32 v0, v10  }
0x27d: {  	s26 =	simm.s32 $0x14BC0;
	s25 =	simm.s32 $0x6;
	v8 =	vand.u32 $0x7FF0, v11;
	v10 =	vld [tilespmem:s24+$0xFFFFFFD0];
	v11 =	vshra.s32 v13, $0x15;
	v12 =	vshrl.u32 v13, $0x6  }
.LBB2_19:
0x27e: {  	v13 =	vld [tilespmem:s26+$0x0];
	s25 =	sadd.s32 $0x2, s25;
	vm5 =	veq.s32 v11, v4;
	v11 =	vand.u32 $0x7FF0, v12;
	v8 =	vor.u32 v0, v8  }
0x27f: {  	v12 =	vld [tilespmem:s26+$0xFFFFFFC0];
	p0 =	slt.u32 s25, $0x124;
	v11 =	vor.u32 v0, v11  }
0x280: {  	v14 =	vshra.s32 v9, $0x15;
	v9 =	vshrl.u32 v9, $0x6;
	[tilespmem:v7+s14+$0x0] =	vst.idx.add.s32.msk vm3, v3  }
0x281: {  	vm4 =	veq.s32 v14, v4;
	v7 =	vand.u32 $0x7FF0, v9;
	[tilespmem:v5+s14+$0x0] =	vst.idx.add.s32.msk vm1, v3  }
0x282: {  	v5 =	vshra.s32 v10, $0x15;
	v9 =	vshrl.u32 v10, $0x6;
	v10 =	vor.u32 v0, v7;
	v14 =	vld [tilespmem:s23+$0xFFFFFFE0]  }
0x283: {  	v7 =	vshra.s32 v13, $0x15;
	v13 =	vshrl.u32 v13, $0x6;
	v9 =	vand.u32 $0x7FF0, v9;
	[tilespmem:v6+s2+$0x0] =	vst.idx.add.s32.msk vm2, v3  }
0x284: {  	v6 =	vshrl.u32 v12, $0x6;
	vm1 =	veq.s32 v7, v4;
	v7 =	vand.u32 $0x7FF0, v13;
	[tilespmem:v11+s2+$0x0] =	vst.idx.add.s32.msk vm5, v3  }
0x285: {  	v11 =	vshra.s32 v12, $0x15;
	v6 =	vand.u32 $0x7FF0, v6;
	v12 =	vor.u32 v0, v7;
	v13 =	vld [tilespmem:s23+$0x30]  }
0x286: {  	vm3 =	veq.s32 v5, v4;
	vm5 =	veq.s32 v11, v4;
	v11 =	vor.u32 v0, v6;
	v15 =	vld [tilespmem:s22+$0xFFFFFFF0];
	s22 =	smov.u32 s23;
	s23 =	smov.u32 s24;
	s24 =	smov.u32 s26  }
0x287: {  	v7 =	vor.u32 v0, v9;
	[tilespmem:v10+s14+$0x0] =	vst.idx.add.s32.msk vm4, v3;
	v5 =	vshra.s32 v14, $0x15;
	v6 =	vshrl.u32 v14, $0x6  }
0x288: {  	v14 =	vld [tilespmem:s23+$0x20];
	vm2 =	veq.s32 v5, v4;
	v5 =	vand.u32 $0x7FF0, v6  }
.Ltmp8:
0x289: {  	v6 =	vor.u32 v0, v5;
	[tilespmem:v8+s14+$0x0] =	vst.idx.add.s32.msk vm0, v3;
	(pc) =	sbr.rel @p0 .LBB2_19-.Ltmp8, $4  }
0x28a: {  	[tilespmem:v12+s2+$0x0] =	vst.idx.add.s32.msk vm1, v3;
	v5 =	vshra.s32 v13, $0x15;
	v8 =	vshrl.u32 v13, $0x6  }
0x28b: {  	v9 =	vld [tilespmem:s26+$0x10];
	vm1 =	veq.s32 v5, v4;
	v5 =	vand.u32 $0x7FF0, v8;
	v8 =	vshrl.u32 v15, $0x6  }
0x28c: {  	v13 =	vshra.s32 v15, $0x15;
	[tilespmem:v11+s2+$0x0] =	vst.idx.add.s32.msk vm5, v3;
	v5 =	vor.u32 v0, v5;
	v8 =	vand.u32 $0x7FF0, v8  }
0x28d: {  	s26 =	sadd.s32 $0x80, s26;
	vm0 =	veq.s32 v13, v4;
	v10 =	vld [tilespmem:s24+$0xFFFFFFD0];
	v11 =	vshra.s32 v14, $0x15;
	v12 =	vshrl.u32 v14, $0x6  }
0x28e: {  	_ =	sdelay $0x1  }
0x28f: {  	v13 =	vshra.s32 v9, $0x15;
	v43 =	vshrl.u32 v9, $0x6  }
0x290: {  	vm4 =	veq.s32 v13, v4;
	v9 =	vand.u32 $0x7FF0, v43  }
0x291: {  	v9 =	vor.u32 v0, v9;
	v44 =	vshra.s32 v10, $0x15;
	v45 =	vshrl.u32 v10, $0x6  }
0x292: {  	vm5 =	veq.s32 v44, v4;
	v10 =	vand.u32 $0x7FF0, v45  }
0x293: {  	[tilespmem:v7+s14+$0x0] =	vst.idx.add.s32.msk vm3, v3;
	v7 =	vor.u32 v0, v10  }
0x294: {  	v46 =	vld [tilespmem:s23+$0xFFFFFFE0];
	_ =	sdelay $0x1  }
0x295: {  	[tilespmem:v9+s14+$0x0] =	vst.idx.add.s32.msk vm4, v3  }
0x296: {  	v9 =	vld [tilespmem:s24+$0x20]  }
0x297: {  	vm15 =	veq.s32 v11, v4;
	v47 =	vand.u32 $0x7FF0, v12;
	[tilespmem:v7+s14+$0x0] =	vst.idx.add.s32.msk vm5, v3  }
0x298: {  	v48 =	vshra.s32 v46, $0x15;
	v10 =	vshrl.u32 v46, $0x6;
	v7 =	vor.u32 v0, v47;
	v49 =	vld [tilespmem:s24+$0xFFFFFFE0]  }
0x299: {  	vm8 =	veq.s32 v48, v4;
	v10 =	vand.u32 $0x7FF0, v10  }
0x29a: {  	v10 =	vor.u32 v0, v10  }
0x29b: {  	[tilespmem:v6+s2+$0x0] =	vst.idx.add.s32.msk vm2, v3;
	v50 =	vshra.s32 v9, $0x15;
	v9 =	vshrl.u32 v9, $0x6  }
0x29c: {  	v53 =	vld [tilespmem:s22+$0xFFFFFFF0];
	vm9 =	veq.s32 v50, v4;
	v9 =	vand.u32 $0x7FF0, v9  }
0x29d: {  	[tilespmem:v7+s2+$0x0] =	vst.idx.add.s32.msk vm15, v3;
	v6 =	vor.u32 v0, v9;
	v7 =	vshra.s32 v49, $0x15;
	v51 =	vshrl.u32 v49, $0x6  }
0x29e: {  	vm10 =	veq.s32 v7, v4;
	v7 =	vand.u32 $0x7FF0, v51  }
0x29f: {  	[tilespmem:v10+s2+$0x0] =	vst.idx.add.s32.msk vm8, v3;
	v7 =	vor.u32 v0, v7  }
0x2a0: {  	v55 =	vld [tilespmem:s23+$0xFFFFFFF0]  }
0x2a1: {  	v52 =	vld [tilespmem:s23+$0x30]  }
0x2a2: {  	v56 =	vshrl.u32 v53, $0x6;
	[tilespmem:v6+s2+$0x0] =	vst.idx.add.s32.msk vm9, v3  }
0x2a3: {  	v10 =	vand.u32 $0x7FF0, v56;
	v6 =	vld [tilespmem:s24+$0x30]  }
0x2a4: {  	v8 =	vor.u32 v0, v8;
	v58 =	vor.u32 v0, v10;
	[tilespmem:v7+s2+$0x0] =	vst.idx.add.s32.msk vm10, v3  }
0x2a5: {  	v9 =	vshra.s32 v53, $0x15;
	v60 =	vshrl.u32 v55, $0x6;
	v12 =	vshra.s32 v55, $0x15;
	v57 =	vld [tilespmem:s24+$0xFFFFFFF0]  }
0x2a6: {  	vm12 =	veq.s32 v9, v4;
	v10 =	vand.u32 $0x7FF0, v60;
	vm14 =	veq.s32 v12, v4  }
0x2a7: {  	[tilespmem:v5+s14+$0x0] =	vst.idx.add.s32.msk vm1, v3;
	v5 =	vor.u32 v0, v10;
	v54 =	vshra.s32 v52, $0x15;
	v11 =	vshrl.u32 v52, $0x6  }
0x2a8: {  	vm11 =	veq.s32 v54, v4;
	v7 =	vand.u32 $0x7FF0, v11;
	v59 =	vshra.s32 v6, $0x15  }
0x2a9: {  	v7 =	vor.u32 v0, v7;
	v6 =	vshrl.u32 v6, $0x6;
	vm13 =	veq.s32 v59, v4  }
0x2aa: {  	v6 =	vand.u32 $0x7FF0, v6;
	v61 =	vshrl.u32 v57, $0x6;
	v11 =	vshra.s32 v57, $0x15  }
0x2ab: {  	s21 =	sadd.s32 $0x1, s21;
	v6 =	vor.u32 v0, v6;
	v62 =	vand.u32 $0x7FF0, v61;
	vm15 =	veq.s32 v11, v4  }
0x2ac: {  	p0 =	sne.s32 s21, $0x10;
	[tilespmem:v8+s14+$0x0] =	vst.idx.add.s32.msk vm0, v3;
	v63 =	vor.u32 v0, v62  }
.Ltmp9:
0x2ad: {  	[tilespmem:v58+s14+$0x0] =	vst.idx.add.s32.msk vm12, v3;
	(pc) =	sbr.rel @p0 .LBB2_16-.Ltmp9, $4  }
0x2ae: {  	[tilespmem:v5+s14+$0x0] =	vst.idx.add.s32.msk vm14, v3  }
0x2af: {  	[tilespmem:v7+s14+$0x0] =	vst.idx.add.s32.msk vm11, v3  }
0x2b0: {  	[tilespmem:v6+s14+$0x0] =	vst.idx.add.s32.msk vm13, v3  }
0x2b1: {  	[tilespmem:v63+s14+$0x0] =	vst.idx.add.s32.msk vm15, v3  }
0x2b2: {  	s23 =	simm.s32 $0x0  }
0x2b3: {  	v4 =	vld [tilespmem:s23+$0x7F00]  }
0x2b4: {  	v5 =	vld [tilespmem:s23+$0xFF00]  }
0x2b5: {  	v6 =	vld [tilespmem:s23+$0x7F10]  }
0x2b6: {  	v7 =	vld [tilespmem:s23+$0xFF10]  }
0x2b7: {  	v8 =	vld [tilespmem:s23+$0x7F20]  }
0x2b8: {  	v9 =	vld [tilespmem:s23+$0xFF20]  }
0x2b9: {  	v4 =	vadd.s32 v4, v5;
	v5 =	vld [tilespmem:s23+$0x7F30]  }
0x2ba: {  	v4 =	vadd.s32 v6, v4;
	v6 =	vld [tilespmem:s23+$0xFF30]  }
0x2bb: {  	v4 =	vadd.s32 v7, v4;
	v7 =	vld [tilespmem:s23+$0x7F40]  }
0x2bc: {  	v4 =	vadd.s32 v8, v4;
	v8 =	vld [tilespmem:s23+$0xFF40]  }
0x2bd: {  	v4 =	vadd.s32 v9, v4;
	v9 =	vld [tilespmem:s23+$0x7F50]  }
0x2be: {  	v4 =	vadd.s32 v5, v4;
	v5 =	vld [tilespmem:s23+$0xFF50]  }
0x2bf: {  	v4 =	vadd.s32 v6, v4;
	v6 =	vld [tilespmem:s23+$0x7F60]  }
0x2c0: {  	v4 =	vadd.s32 v7, v4;
	v7 =	vld [tilespmem:s23+$0xFF60]  }
0x2c1: {  	v4 =	vadd.s32 v8, v4;
	v8 =	vld [tilespmem:s23+$0x7F70]  }
0x2c2: {  	v4 =	vadd.s32 v9, v4;
	v9 =	vld [tilespmem:s23+$0xFF70]  }
0x2c3: {  	v4 =	vadd.s32 v5, v4;
	v5 =	vld [tilespmem:s23+$0x7F80]  }
0x2c4: {  	v4 =	vadd.s32 v6, v4;
	v6 =	vld [tilespmem:s23+$0xFF80]  }
0x2c5: {  	v4 =	vadd.s32 v7, v4;
	v7 =	vld [tilespmem:s23+$0x7F90]  }
0x2c6: {  	v4 =	vadd.s32 v8, v4;
	v8 =	vld [tilespmem:s23+$0xFF90]  }
0x2c7: {  	v4 =	vadd.s32 v9, v4;
	v9 =	vld [tilespmem:s23+$0x7FA0]  }
0x2c8: {  	v4 =	vadd.s32 v5, v4;
	v5 =	vld [tilespmem:s23+$0xFFA0]  }
0x2c9: {  	v4 =	vadd.s32 v6, v4;
	v6 =	vld [tilespmem:s23+$0x7FB0]  }
0x2ca: {  	v4 =	vadd.s32 v7, v4;
	v7 =	vld [tilespmem:s23+$0xFFB0]  }
0x2cb: {  	v4 =	vadd.s32 v8, v4;
	v8 =	vld [tilespmem:s23+$0x7FC0]  }
0x2cc: {  	v4 =	vadd.s32 v9, v4;
	v9 =	vld [tilespmem:s23+$0xFFC0]  }
0x2cd: {  	v4 =	vadd.s32 v5, v4;
	v5 =	vld [tilespmem:s23+$0x7FD0]  }
0x2ce: {  	v4 =	vadd.s32 v6, v4;
	v6 =	vld [tilespmem:s23+$0xFFD0]  }
0x2cf: {  	v4 =	vadd.s32 v7, v4;
	v7 =	vld [tilespmem:s23+$0x7FE0]  }
0x2d0: {  	v4 =	vadd.s32 v8, v4;
	v8 =	vld [tilespmem:s23+$0xFFE0]  }
0x2d1: {  	v4 =	vadd.s32 v9, v4;
	v9 =	vld [tilespmem:s23+$0x7FF0]  }
0x2d2: {  	s24 =	simm.s32 $0xFFFFFF00;
	v4 =	vadd.s32 v5, v4;
	v5 =	vld [tilespmem:s23+$0xFFF0]  }
0x2d3: {  	v10 =	vld [tilespmem:s24+$0x7F00];
	v4 =	vadd.s32 v6, v4  }
0x2d4: {  	v6 =	vld [tilespmem:s24+$0xFF00];
	v4 =	vadd.s32 v7, v4  }
0x2d5: {  	v7 =	vld [tilespmem:s24+$0x7F10];
	v4 =	vadd.s32 v8, v4  }
0x2d6: {  	v8 =	vld [tilespmem:s24+$0xFF10];
	v4 =	vadd.s32 v9, v4  }
0x2d7: {  	v9 =	vld [tilespmem:s24+$0x7F20];
	v4 =	vadd.s32 v5, v4  }
0x2d8: {  	v5 =	vld [tilespmem:s24+$0xFF20];
	(xrf0) =	vadd.scan.msk.s32 $0xffff, v4  }
0x2d9: {  	v4 =	vadd.s32 v10, v6;
	v6 =	vld [tilespmem:s24+$0x7F30]  }
0x2da: {  	v4 =	vadd.s32 v7, v4;
	v7 =	vld [tilespmem:s24+$0xFF30]  }
0x2db: {  	v4 =	vadd.s32 v8, v4;
	v8 =	vld [tilespmem:s24+$0x7F40]  }
0x2dc: {  	v4 =	vadd.s32 v9, v4;
	v9 =	vld [tilespmem:s24+$0xFF40]  }
0x2dd: {  	v4 =	vadd.s32 v5, v4;
	v5 =	vld [tilespmem:s24+$0x7F50]  }
0x2de: {  	v4 =	vadd.s32 v6, v4;
	v6 =	vld [tilespmem:s24+$0xFF50];
	v10, _, _ =	vpop (xrf0)  }
0x2df: {  	v4 =	vadd.s32 v7, v4;
	v7 =	vld [tilespmem:s24+$0x7F60];
	(v2sf) =	vpush v10, $0xF  }
0x2e0: {  	v4 =	vadd.s32 v8, v4;
	v8 =	vld [tilespmem:s24+$0xFF60]  }
0x2e1: {  	v4 =	vadd.s32 v9, v4;
	v9 =	vld [tilespmem:s24+$0x7F70]  }
0x2e2: {  	v4 =	vadd.s32 v5, v4;
	v5 =	vld [tilespmem:s24+$0xFF70]  }
0x2e3: {  	v4 =	vadd.s32 v6, v4;
	v6 =	vld [tilespmem:s24+$0x7F80]  }
0x2e4: {  	v4 =	vadd.s32 v7, v4;
	v7 =	vld [tilespmem:s24+$0xFF80]  }
0x2e5: {  	v4 =	vadd.s32 v8, v4;
	v8 =	vld [tilespmem:s24+$0x7F90]  }
0x2e6: {  	v4 =	vadd.s32 v9, v4;
	v9 =	vld [tilespmem:s24+$0xFF90]  }
0x2e7: {  	v4 =	vadd.s32 v5, v4;
	v5 =	vld [tilespmem:s24+$0x7FA0]  }
0x2e8: {  	v4 =	vadd.s32 v6, v4;
	v6 =	vld [tilespmem:s24+$0xFFA0]  }
0x2e9: {  	v4 =	vadd.s32 v7, v4;
	v7 =	vld [tilespmem:s24+$0x7FB0]  }
0x2ea: {  	v4 =	vadd.s32 v8, v4;
	v8 =	vld [tilespmem:s24+$0xFFB0]  }
0x2eb: {  	v4 =	vadd.s32 v9, v4;
	v9 =	vld [tilespmem:s24+$0x7FC0]  }
0x2ec: {  	v10 =	vld [tilespmem:s24+$0xFFC0];
	v4 =	vadd.s32 v5, v4  }
0x2ed: {  	v11 =	vld [tilespmem:s24+$0x7FD0];
	v4 =	vadd.s32 v6, v4  }
0x2ee: {  	v12 =	vld [tilespmem:s24+$0xFFD0];
	v4 =	vadd.s32 v7, v4;
	s31 =	spop (v2sf)  }
0x2ef: {  	s19 =	ssub.s32 $0xEB33, s19;
	v5 =	vadd.s32 v8, v4;
	v4 =	vld [tilespmem:s24+$0x7FE0];
	s23 =	sadd.s32 $0x0, s31  }
0x2f0: {  	p0 =	sgt.s32 s19, $0x0;
	v6 =	vadd.s32 v9, v5;
	v5 =	vld [tilespmem:s24+$0xFFE0];
	p1 =	sge.s32 s23, s19  }
0x2f1: {  	s22 =	simm.s32 $0x0;
	s21 =	simm.s32 $0x7F;
	v7 =	vadd.s32 v10, v6;
	v6 =	vld [tilespmem:s24+$0x7FF0];
	p0 =	por !p0, !p1  }
0x2f2: {  	s25 =	simm.s32 $0xFFFFFE00;
	v8 =	vadd.s32 v11, v7;
	v7 =	vld [tilespmem:s24+$0xFFF0];
	s24 =	simm.s32 $0x0;
	p0 =	por !p0, !p0  }
0x2f3: {  	s26 =	simm.s32 $0xFFFFF400;
	v9 =	vld [tilespmem:s25+$0x7F00];
	v8 =	vadd.s32 v12, v8;
	s24 =	smov.u32 @p0 s21;
	s22 =	smov.u32 @p0 s22  }
.LBB2_22:
0x2f4: {  	p0 =	seq.s32 s26, $0xFFFE0400;
	v10 =	vld [tilespmem:s25+$0xFF00];
	v4 =	vadd.s32 v4, v8;
	s28 =	smov.u32 s23  }
0x2f5: {  	v8 =	vld [tilespmem:s25+$0x7F10];
	v4 =	vadd.s32 v5, v4  }
0x2f6: {  	v5 =	vld [tilespmem:s25+$0xFF10];
	v4 =	vadd.s32 v6, v4  }
0x2f7: {  	v6 =	vld [tilespmem:s25+$0x7F20];
	v4 =	vadd.s32 v7, v4  }
0x2f8: {  	v7 =	vld [tilespmem:s25+$0xFF20];
	(xrf0) =	vadd.scan.msk.s32 $0xffff, v4  }
0x2f9: {  	v4 =	vadd.s32 v9, v10;
	v9 =	vld [tilespmem:s25+$0x7F30]  }
0x2fa: {  	v4 =	vadd.s32 v8, v4;
	v8 =	vld [tilespmem:s25+$0xFF30]  }
0x2fb: {  	v4 =	vadd.s32 v5, v4;
	v5 =	vld [tilespmem:s25+$0x7F40]  }
0x2fc: {  	v4 =	vadd.s32 v6, v4;
	v6 =	vld [tilespmem:s25+$0xFF40]  }
0x2fd: {  	v4 =	vadd.s32 v7, v4;
	v7 =	vld [tilespmem:s25+$0x7F50]  }
0x2fe: {  	v4 =	vadd.s32 v9, v4;
	v9 =	vld [tilespmem:s25+$0xFF50];
	v10, _, _ =	vpop (xrf0)  }
0x2ff: {  	v4 =	vadd.s32 v8, v4;
	v8 =	vld [tilespmem:s25+$0x7F60];
	(v2sf) =	vpush v10, $0xF  }
0x300: {  	v4 =	vadd.s32 v5, v4;
	v5 =	vld [tilespmem:s25+$0xFF60]  }
0x301: {  	v4 =	vadd.s32 v6, v4;
	v6 =	vld [tilespmem:s25+$0x7F70]  }
0x302: {  	v4 =	vadd.s32 v7, v4;
	v7 =	vld [tilespmem:s25+$0xFF70]  }
0x303: {  	v4 =	vadd.s32 v9, v4;
	v9 =	vld [tilespmem:s25+$0x7F80]  }
0x304: {  	v4 =	vadd.s32 v8, v4;
	v8 =	vld [tilespmem:s25+$0xFF80]  }
0x305: {  	v4 =	vadd.s32 v5, v4;
	v5 =	vld [tilespmem:s25+$0x7F90]  }
0x306: {  	v4 =	vadd.s32 v6, v4;
	v6 =	vld [tilespmem:s25+$0xFF90]  }
0x307: {  	v4 =	vadd.s32 v7, v4;
	v7 =	vld [tilespmem:s25+$0x7FA0]  }
0x308: {  	v4 =	vadd.s32 v9, v4;
	v9 =	vld [tilespmem:s25+$0xFFA0]  }
0x309: {  	v4 =	vadd.s32 v8, v4;
	v8 =	vld [tilespmem:s25+$0x7FB0]  }
0x30a: {  	v4 =	vadd.s32 v5, v4;
	v5 =	vld [tilespmem:s25+$0xFFB0]  }
0x30b: {  	v4 =	vadd.s32 v6, v4;
	v6 =	vld [tilespmem:s25+$0x7FC0]  }
0x30c: {  	v4 =	vadd.s32 v7, v4;
	v7 =	vld [tilespmem:s25+$0xFFC0]  }
0x30d: {  	v4 =	vadd.s32 v9, v4;
	v9 =	vld [tilespmem:s25+$0x7FD0]  }
0x30e: {  	v4 =	vadd.s32 v8, v4;
	v8 =	vld [tilespmem:s25+$0xFFD0];
	s29 =	spop (v2sf)  }
.Ltmp10:
0x30f: {  	v5 =	vadd.s32 v5, v4;
	v4 =	vld [tilespmem:s25+$0x7FE0];
	s23 =	sadd.s32 s23, s29;
	(pc) =	sbr.rel @!p0 .LBB2_22-.Ltmp10, $4  }
0x310: {  	p1 =	slt.s32 s28, s19;
	v6 =	vadd.s32 v6, v5;
	v5 =	vld [tilespmem:s25+$0xFFE0];
	p2 =	sge.s32 s23, s19  }
0x311: {  	v7 =	vadd.s32 v7, v6;
	v6 =	vld [tilespmem:s25+$0x7FF0];
	p1 =	por !p1, !p2  }
0x312: {  	s21 =	sadd.s32 $0xFFFFFFFF, s21;
	v10 =	vadd.s32 v9, v7;
	v7 =	vld [tilespmem:s25+$0xFFF0];
	s25 =	sshra.s32 s26, $0x2;
	p1 =	por !p1, !p1  }
0x313: {  	s26 =	sadd.s32 $0xFFFFFC00, s26;
	v9 =	vld [tilespmem:s25+$0x7F00];
	v8 =	vadd.s32 v8, v10;
	s24 =	smov.u32 @p1 s21;
	s22 =	smov.u32 @p1 s28  }
0x314: {  	v10 =	vld [tilespmem:s25+$0xFF00]  }
0x315: {  	v11 =	vld [tilespmem:s25+$0x7F10]  }
0x316: {  	v12 =	vld [tilespmem:s25+$0xFF10]  }
0x317: {  	v13 =	vld [tilespmem:s25+$0x7F20]  }
0x318: {  	v14 =	vld [tilespmem:s25+$0xFF20]  }
0x319: {  	v9 =	vadd.s32 v9, v10;
	v10 =	vld [tilespmem:s25+$0x7F30]  }
0x31a: {  	v9 =	vadd.s32 v11, v9;
	v11 =	vld [tilespmem:s25+$0xFF30]  }
0x31b: {  	v50 =	vld [tilespmem:s25+$0x7F40];
	v9 =	vadd.s32 v12, v9  }
0x31c: {  	v51 =	vld [tilespmem:s25+$0xFF40];
	v9 =	vadd.s32 v13, v9  }
0x31d: {  	v52 =	vld [tilespmem:s25+$0x7F50];
	v9 =	vadd.s32 v14, v9  }
0x31e: {  	v9 =	vadd.s32 v10, v9;
	v10 =	vld [tilespmem:s25+$0xFF50]  }
0x31f: {  	v9 =	vadd.s32 v11, v9;
	v11 =	vld [tilespmem:s25+$0x7F60]  }
0x320: {  	v53 =	vld [tilespmem:s25+$0xFF60];
	v9 =	vadd.s32 v50, v9  }
0x321: {  	v54 =	vld [tilespmem:s25+$0x7F70];
	v9 =	vadd.s32 v51, v9  }
0x322: {  	v55 =	vld [tilespmem:s25+$0xFF70];
	v9 =	vadd.s32 v52, v9  }
0x323: {  	v9 =	vadd.s32 v10, v9;
	v10 =	vld [tilespmem:s25+$0x7F80]  }
0x324: {  	v9 =	vadd.s32 v11, v9;
	v11 =	vld [tilespmem:s25+$0xFF80]  }
0x325: {  	v56 =	vld [tilespmem:s25+$0x7F90];
	v9 =	vadd.s32 v53, v9  }
0x326: {  	v57 =	vld [tilespmem:s25+$0xFF90];
	v9 =	vadd.s32 v54, v9  }
0x327: {  	v58 =	vld [tilespmem:s25+$0x7FA0];
	v9 =	vadd.s32 v55, v9  }
0x328: {  	v9 =	vadd.s32 v10, v9;
	v10 =	vld [tilespmem:s25+$0xFFA0]  }
0x329: {  	v9 =	vadd.s32 v11, v9;
	v11 =	vld [tilespmem:s25+$0x7FB0]  }
0x32a: {  	v59 =	vld [tilespmem:s25+$0xFFB0];
	v9 =	vadd.s32 v56, v9  }
0x32b: {  	v60 =	vld [tilespmem:s25+$0x7FC0];
	v9 =	vadd.s32 v57, v9  }
0x32c: {  	v61 =	vld [tilespmem:s25+$0xFFC0];
	v9 =	vadd.s32 v58, v9  }
0x32d: {  	v9 =	vadd.s32 v10, v9;
	v10 =	vld [tilespmem:s25+$0x7FD0]  }
0x32e: {  	v9 =	vadd.s32 v11, v9;
	v11 =	vld [tilespmem:s25+$0xFFD0]  }
0x32f: {  	v62 =	vld [tilespmem:s25+$0x7FE0];
	v9 =	vadd.s32 v59, v9  }
0x330: {  	v63 =	vld [tilespmem:s25+$0xFFE0];
	v9 =	vadd.s32 v60, v9  }
0x331: {  	v4 =	vadd.s32 v4, v8;
	v8 =	vadd.s32 v61, v9;
	v9 =	vld [tilespmem:s25+$0x7FF0]  }
0x332: {  	v4 =	vadd.s32 v5, v4;
	v5 =	vadd.s32 v10, v8;
	v8 =	vld [tilespmem:s25+$0xFFF0]  }
0x333: {  	v4 =	vadd.s32 v6, v4;
	v5 =	vadd.s32 v11, v5  }
0x334: {  	v4 =	vadd.s32 v7, v4;
	v5 =	vadd.s32 v62, v5  }
0x335: {  	(xrf0) =	vadd.scan.msk.s32 $0xffff, v4;
	v4 =	vadd.s32 v63, v5  }
0x336: {  	v4 =	vadd.s32 v9, v4  }
0x337: {  	v4 =	vadd.s32 v8, v4  }
0x338: {  	(xrf0) =	vadd.scan.msk.s32 $0xffff, v4;
	_ =	sdelay $0x3  }
0x339: {  	v4, _, _ =	vpop (xrf0)  }
0x33a: {  	(v2sf) =	vpush v4, $0xF  }
0x33b: {  	v4, _, _ =	vpop (xrf0)  }
0x33c: {  	(v2sf) =	vpush v4, $0xF;
	_ =	sdelay $0xc  }
0x33d: {  	s29 =	spop (v2sf)  }
0x33e: {  	s25 =	sadd.s32 s23, s29  }
0x33f: {  	p0 =	slt.s32 s23, s19;
	p1 =	sge.s32 s25, s19;
	s26 =	spop (v2sf)  }
0x340: {  	s21 =	sadd.s32 $0xFFFFFFFF, s21;
	p0 =	por !p0, !p1;
	s26 =	sadd.s32 s25, s26  }
0x341: {  	p5 =	slt.s32 s25, s19;
	p0 =	por !p0, !p0;
	p2 =	sge.s32 s26, s19  }
0x342: {  	s24 =	smov.u32 @p0 s21;
	p1 =	por !p5, !p2  }
0x343: {  	s22 =	smov.u32 @p0 s23;
	s21 =	sadd.s32 $0xFFFFFFFF, s21;
	p0 =	por !p1, !p1  }
0x344: {  	s24 =	smov.u32 @p0 s21  }
0x345: {  	s21 =	sshll.u32 s24, $0xA  }
0x346: {  	s30 =	sshra.s32 s21, $0x2  }
0x347: {  	s31 =	sadd.s32 $0x8000, s30;
	v5 =	vmov s30  }
0x348: {  	v4 =	vmov s31;
	_ =	sdelay $0x2  }
0x349: {  	s0 =	simm.s32 $0xF0  }
0x34a: {  	v6 =	vld.idx.msk [tilespmem:v5+s0+$0x0 ss:$0x1], $0xffff  }
0x34b: {  	v7 =	vld.idx.msk [tilespmem:v4+s0+$0x0 ss:$0x1], $0xffff;
	_ =	sdelay $0x4  }
0x34c: {  	v6 =	vadd.s32 v6, v7  }
0x34d: {  	(xrf0) =	vadd.scan.msk.s32 $0xffff, v6;
	_ =	sdelay $0x4  }
0x34e: {  	s22 =	smov.u32 @p0 s25;
	s25 =	simm.s32 $0xE0  }
0x34f: {  	v7 =	vld.idx.msk [tilespmem:v4+s25+$0x0 ss:$0x1], $0xffff;
	v6, _, _ =	vpop (xrf0)  }
0x350: {  	s26 =	simm.s32 $0xD0;
	(v2sf) =	vpush v6, $0xF;
	v6 =	vld.idx.msk [tilespmem:v5+s25+$0x0 ss:$0x1], $0xffff  }
0x351: {  	s29 =	simm.s32 $0xC0;
	v8 =	vld.idx.msk [tilespmem:v5+s26+$0x0 ss:$0x1], $0xffff  }
0x352: {  	v10 =	vld.idx.msk [tilespmem:v5+s29+$0x0 ss:$0x1], $0xffff  }
0x353: {  	v9 =	vld.idx.msk [tilespmem:v4+s26+$0x0 ss:$0x1], $0xffff  }
0x354: {  	v11 =	vld.idx.msk [tilespmem:v4+s29+$0x0 ss:$0x1], $0xffff  }
0x355: {  	v6 =	vadd.s32 v6, v7  }
0x356: {  	(xrf0) =	vadd.scan.msk.s32 $0xffff, v6;
	_ =	sdelay $0x1  }
0x357: {  	v6 =	vadd.s32 v8, v9  }
0x358: {  	(xrf0) =	vadd.scan.msk.s32 $0xffff, v6;
	v6 =	vadd.s32 v10, v11;
	_ =	sdelay $0x2  }
0x359: {  	(xrf0) =	vadd.scan.msk.s32 $0xffff, v6;
	v6, _, _ =	vpop (xrf0)  }
0x35a: {  	(v2sf) =	vpush v6, $0xF;
	_ =	sdelay $0x3  }
0x35b: {  	v9, _, _ =	vpop (xrf0)  }
0x35c: {  	s31 =	spop (v2sf);
	(v2sf) =	vpush v9, $0xF  }
0x35d: {  	s30 =	simm.s32 $0xB0  }
0x35e: {  	v7 =	vld.idx.msk [tilespmem:v5+s30+$0x0 ss:$0x1], $0xffff  }
0x35f: {  	v8 =	vld.idx.msk [tilespmem:v4+s30+$0x0 ss:$0x1], $0xffff  }
0x360: {  	s25 =	sadd.s32 s22, s31  }
0x361: {  	p0 =	slt.s32 s22, s19;
	p6 =	sge.s32 s25, s19  }
0x362: {  	s28 =	simm.s32 $0xA0;
	s23 =	simm.s32 $0x0;
	p0 =	por !p0, !p6  }
0x363: {  	s24 =	sshllo.u32 s24, $0x4;
	s21 =	simm.s32 $0x0;
	p0 =	por !p0, !p0  }
0x364: {  	s26 =	simm.s32 $0x240;
	v8 =	vadd.s32 v7, v8;
	v6 =	vld.idx.msk [tilespmem:v5+s28+$0x0 ss:$0x1], $0xffff;
	v7, _, _ =	vpop (xrf0);
	s23 =	smov.u32 @p0 s24;
	s21 =	smov.u32 @p0 s22  }
.LBB2_24:
0x365: {  	p0 =	sne.s32 s26, $0x0;
	v9 =	vld.idx.msk [tilespmem:v4+s28+$0x0 ss:$0x1], $0xffff;
	(xrf0) =	vadd.scan.msk.s32 $0xffff, v8;
	(v2sf) =	vpush v7, $0xF;
	s22 =	smov.u32 s25  }
0x366: {  	s28 =	spop (v2sf)  }
.Ltmp11:
0x367: {  	s25 =	sadd.s32 s25, s28;
	(pc) =	sbr.rel @p0 .LBB2_24-.Ltmp11, $4  }
0x368: {  	p1 =	slt.s32 s22, s19;
	p2 =	sge.s32 s25, s19  }
0x369: {  	p1 =	por !p1, !p2  }
0x36a: {  	s24 =	sadd.s32 $0xFFFFFFFF, s24;
	s28 =	sshra.s32 s26, $0x2;
	p1 =	por !p1, !p1  }
0x36b: {  	s26 =	sadd.s32 $0xFFFFFFC0, s26;
	v8 =	vadd.s32 v6, v9;
	v6 =	vld.idx.msk [tilespmem:v5+s28+$0x0 ss:$0x1], $0xffff;
	v7, _, _ =	vpop (xrf0);
	s23 =	smov.u32 @p1 s24;
	s21 =	smov.u32 @p1 s22  }
0x36c: {  	_ =	sdelay $0x3  }
0x36d: {  	v4 =	vld.idx.msk [tilespmem:v4+s28+$0x0 ss:$0x1], $0xffff;
	_ =	sdelay $0x3  }
0x36e: {  	(xrf0) =	vadd.scan.msk.s32 $0xffff, v8  }
0x36f: {  	v4 =	vadd.s32 v6, v4  }
0x370: {  	(xrf0) =	vadd.scan.msk.s32 $0xffff, v4  }
0x371: {  	(v2sf) =	vpush v7, $0xF;
	_ =	sdelay $0x2  }
0x372: {  	v4, _, _ =	vpop (xrf0)  }
0x373: {  	(v2sf) =	vpush v4, $0xF  }
0x374: {  	v4, _, _ =	vpop (xrf0)  }
0x375: {  	(v2sf) =	vpush v4, $0xF;
	_ =	sdelay $0x3  }
0x376: {  	s22 =	spop (v2sf)  }
0x377: {  	s22 =	sadd.s32 s25, s22;
	s26 =	spop (v2sf)  }
0x378: {  	p0 =	slt.s32 s25, s19;
	p1 =	sge.s32 s22, s19;
	s26 =	sadd.s32 s22, s26  }
0x379: {  	p6 =	slt.s32 s22, s19;
	p0 =	por !p0, !p1;
	p2 =	sge.s32 s26, s19  }
0x37a: {  	s24 =	sadd.s32 $0xFFFFFFFF, s24;
	p3 =	por !p0, !p0;
	p1 =	por !p6, !p2  }
0x37b: {  	s21 =	smov.u32 @p3 s25;
	p0 =	por !p1, !p1;
	s29 =	spop (v2sf)  }
0x37c: {  	s23 =	smov.u32 @p3 s24;
	s21 =	smov.u32 @p0 s22;
	s22 =	sadd.s32 s26, s29  }
0x37d: {  	s24 =	sadd.s32 $0xFFFFFFFF, s24;
	p2 =	slt.s32 s26, s19;
	p3 =	sge.s32 s22, s19  }
0x37e: {  	s23 =	smov.u32 @p0 s24;
	p1 =	por !p2, !p3  }
0x37f: {  	s24 =	sadd.s32 $0xFFFFFFFF, s24;
	p1 =	por !p1, !p1;
	s30 =	spop (v2sf)  }
0x380: {  	p4 =	slt.s32 s22, s19;
	s21 =	smov.u32 @p1 s26;
	s25 =	sadd.s32 s22, s30  }
0x381: {  	s23 =	smov.u32 @p1 s24;
	p5 =	sge.s32 s25, s19;
	s31 =	spop (v2sf)  }
0x382: {  	s24 =	sadd.s32 $0xFFFFFFFF, s24;
	p0 =	por !p4, !p5;
	s28 =	sadd.s32 s25, s31  }
0x383: {  	p6 =	slt.s32 s25, s19;
	p0 =	por !p0, !p0;
	p2 =	sge.s32 s28, s19  }
0x384: {  	s23 =	smov.u32 @p0 s24;
	s24 =	sadd.s32 $0xFFFFFFFF, s24;
	p1 =	por !p6, !p2  }
0x385: {  	s21 =	smov.u32 @p0 s22;
	s22 =	simm.s32 $0x40;
	p1 =	por !p1, !p1  }
0x386: {  	s23 =	smov.u32 @p1 s24;
	s21 =	smov.u32 @p1 s25;
	s24 =	simm.s32 $0x0  }
.LBB2_26:
0x387: {  	p0 =	sne.s32 s22, $0xFFC0;
	[tilespmem:s24+$0x0] =	vst v1;
	s25 =	smov.u32 s22;
	s22 =	sadd.s32 $0x40, s22  }
.Ltmp12:
0x388: {  	[tilespmem:s24+$0x8000] =	vst v1;
	(pc) =	sbr.rel @p0 .LBB2_26-.Ltmp12, $2  }
0x389: {  	_ =	sdelay $0x2  }
0x38a: {  	s24 =	sshra.s32 s25, $0x2  }
0x38b: {  	[tilespmem:s24+$0x0] =	vst v1;
	s20 =	sshll.u32 s20, $0xB  }
0x38c: {  	[tilespmem:s24+$0x8000] =	vst v1;
	s22 =	simm.s32 $0x0;
	s20 =	sadd.s32 s20, s23  }
0x38d: {  	[tilespmem:s11], [sflag:$0x1] =	stream.strided.gather [hbm4b:s4+s9], $0x4980, s10, s9, $0x38;
	v4 =	vmov s20;
	[tilespmem:$0x19380] =	vst v63  }
.LBB2_28:
0x38e: {  	s23 =	smul.u32 $0x49800, s22;
	_ =	sdelay $0x1  }
0x38f: {  	s24 =	sadd.s32 s23, s5  }
0x390: {  	s24 =	sshrl.u32 s24, $0x3  }
0x391: {  	s24 =	sadd.s32 s3, s24  }
0x392: {  	[tilespmem:s12], [sflag:$0x2] =	stream.strided.gather [hbm4b:s24+s9], $0x4980, s10, s9, $0x38;
	[tilespmem:$0x19380] =	vst v63  }
0x393: {  	_ =	swait.ge [sflag:s13], $0x4980  }
0x394: {  	[sflag:s13] =	ssyncset.done $0x0  }
0x395: {  	s28 =	simm.s32 $0x10040;
	[sflag:s13] =	ssyncadd.s32 $0xFFFFB680  }
0x396: {  	v5 =	vld [tilespmem:s28+$0x0];
	_ =	sdelay $0x4  }
0x397: {  	v6 =	vshra.s32 v5, $0xA;
	v5 =	vshll.u32 v5, $0x4  }
0x398: {  	vm0 =	veq.s32 v6, v4;
	v5 =	vor.u32 v0, v5  }
0x399: {  	v5 =	vand.u32 $0x3FFF, v5;
	_ =	sdelay $0x3  }
0x39a: {  	v6 =	vld [tilespmem:s28+$0xFFFFFFC0]  }
0x39b: {  	[tilespmem:v5+s2+$0x0] =	vst.idx.add.s32.msk vm0, v3  }
0x39c: {  	v5 =	vld [tilespmem:s28+$0x10]  }
0x39d: {  	s24 =	simm.s32 $0x100C0  }
0x39e: {  	v7 =	vld [tilespmem:s24+$0x0]  }
0x39f: {  	v8 =	vshll.u32 v6, $0x4;
	v6 =	vshra.s32 v6, $0xA  }
0x3a0: {  	v8 =	vor.u32 v0, v8;
	vm0 =	veq.s32 v6, v4  }
0x3a1: {  	v6 =	vand.u32 $0x3FFF, v8;
	v8 =	vshra.s32 v5, $0xA  }
0x3a2: {  	v5 =	vshll.u32 v5, $0x4;
	vm1 =	veq.s32 v8, v4  }
0x3a3: {  	v5 =	vor.u32 v0, v5;
	v8 =	vshra.s32 v7, $0xA;
	v7 =	vshll.u32 v7, $0x4  }
0x3a4: {  	v5 =	vand.u32 $0x3FFF, v5;
	vm2 =	veq.s32 v8, v4;
	v7 =	vor.u32 v0, v7  }
0x3a5: {  	v7 =	vand.u32 $0x3FFF, v7  }
0x3a6: {  	[tilespmem:v6+s2+$0x0] =	vst.idx.add.s32.msk vm0, v3  }
0x3a7: {  	v6 =	vld [tilespmem:s24+$0xFFFFFFC0]  }
0x3a8: {  	v8 =	vld [tilespmem:s28+$0xFFFFFFD0]  }
0x3a9: {  	[tilespmem:v5+s14+$0x0] =	vst.idx.add.s32.msk vm1, v3  }
0x3aa: {  	[tilespmem:v7+s2+$0x0] =	vst.idx.add.s32.msk vm2, v3  }
0x3ab: {  	v5 =	vld [tilespmem:s24+$0x10]  }
0x3ac: {  	v7 =	vshll.u32 v6, $0x4;
	v6 =	vshra.s32 v6, $0xA;
	v9 =	vld [tilespmem:s28+$0x20]  }
0x3ad: {  	s25 =	simm.s32 $0x10140;
	v7 =	vor.u32 v0, v7;
	vm0 =	veq.s32 v6, v4  }
0x3ae: {  	v10 =	vld [tilespmem:s25+$0x0];
	v6 =	vshra.s32 v8, $0xA;
	v8 =	vshll.u32 v8, $0x4;
	v7 =	vand.u32 $0x3FFF, v7  }
0x3af: {  	v8 =	vor.u32 v0, v8;
	vm1 =	veq.s32 v6, v4  }
0x3b0: {  	v6 =	vand.u32 $0x3FFF, v8;
	v8 =	vshra.s32 v5, $0xA;
	v5 =	vshll.u32 v5, $0x4  }
0x3b1: {  	v12 =	vld [tilespmem:s25+$0xFFFFFFC0];
	v11 =	vshra.s32 v9, $0xA;
	vm2 =	veq.s32 v8, v4;
	v5 =	vor.u32 v0, v5  }
0x3b2: {  	vm3 =	veq.s32 v11, v4;
	v8 =	vshll.u32 v9, $0x4;
	v5 =	vand.u32 $0x3FFF, v5  }
0x3b3: {  	[tilespmem:v7+s2+$0x0] =	vst.idx.add.s32.msk vm0, v3;
	v9 =	vshll.u32 v10, $0x4;
	v7 =	vor.u32 v0, v8;
	v8 =	vshra.s32 v10, $0xA  }
0x3b4: {  	v10 =	vld [tilespmem:s24+$0xFFFFFFD0];
	v7 =	vand.u32 $0x3FFF, v7;
	vm0 =	veq.s32 v8, v4;
	v8 =	vor.u32 v0, v9  }
0x3b5: {  	[tilespmem:v6+s14+$0x0] =	vst.idx.add.s32.msk vm1, v3;
	v6 =	vand.u32 $0x3FFF, v8  }
0x3b6: {  	v11 =	vshra.s32 v12, $0xA;
	v9 =	vshll.u32 v12, $0x4;
	v8 =	vld [tilespmem:s28+$0xFFFFFFE0]  }
0x3b7: {  	vm1 =	veq.s32 v11, v4;
	v9 =	vor.u32 v0, v9;
	[tilespmem:v5+s14+$0x0] =	vst.idx.add.s32.msk vm2, v3  }
0x3b8: {  	v5 =	vand.u32 $0x3FFF, v9;
	v9 =	vld [tilespmem:s24+$0x20]  }
0x3b9: {  	v11 =	vshra.s32 v10, $0xA;
	v10 =	vshll.u32 v10, $0x4;
	[tilespmem:v7+s2+$0x0] =	vst.idx.add.s32.msk vm3, v3  }
0x3ba: {  	v7 =	vor.u32 v0, v10;
	vm2 =	veq.s32 v11, v4;
	[tilespmem:v6+s2+$0x0] =	vst.idx.add.s32.msk vm0, v3  }
0x3bb: {  	v6 =	vand.u32 $0x3FFF, v7;
	v7 =	vshra.s32 v8, $0xA;
	v8 =	vshll.u32 v8, $0x4;
	v10 =	vld [tilespmem:s25+$0x10]  }
0x3bc: {  	v11 =	vld [tilespmem:s28+$0x30];
	vm0 =	veq.s32 v7, v4;
	v7 =	vor.u32 v0, v8  }
0x3bd: {  	s26 =	simm.s32 $0x101C0;
	v7 =	vand.u32 $0x3FFF, v7;
	[tilespmem:v5+s2+$0x0] =	vst.idx.add.s32.msk vm1, v3;
	v5 =	vshra.s32 v9, $0xA;
	v8 =	vshll.u32 v9, $0x4  }
0x3be: {  	v9 =	vld [tilespmem:s26+$0x0];
	vm1 =	veq.s32 v5, v4;
	v5 =	vor.u32 v0, v8  }
0x3bf: {  	v13 =	vld [tilespmem:s25+$0xFFFFFFD0];
	v5 =	vand.u32 $0x3FFF, v5  }
0x3c0: {  	v8 =	vld [tilespmem:s26+$0xFFFFFFC0];
	v12 =	vshra.s32 v10, $0xA;
	v10 =	vshll.u32 v10, $0x4  }
0x3c1: {  	[tilespmem:v6+s14+$0x0] =	vst.idx.add.s32.msk vm2, v3;
	v6 =	vshra.s32 v11, $0xA;
	vm2 =	veq.s32 v12, v4;
	v10 =	vor.u32 v0, v10  }
0x3c2: {  	v11 =	vshll.u32 v11, $0x4;
	vm4 =	veq.s32 v6, v4;
	[tilespmem:v7+s2+$0x0] =	vst.idx.add.s32.msk vm0, v3;
	v6 =	vand.u32 $0x3FFF, v10  }
0x3c3: {  	v11 =	vor.u32 v0, v11;
	v10 =	vld [tilespmem:s24+$0xFFFFFFE0];
	v12 =	vshra.s32 v9, $0xA;
	v9 =	vshll.u32 v9, $0x4  }
0x3c4: {  	v7 =	vand.u32 $0x3FFF, v11;
	vm0 =	veq.s32 v12, v4;
	v9 =	vor.u32 v0, v9;
	[tilespmem:v5+s2+$0x0] =	vst.idx.add.s32.msk vm1, v3  }
0x3c5: {  	v5 =	vshll.u32 v8, $0x4;
	v8 =	vshra.s32 v8, $0xA;
	v9 =	vand.u32 $0x3FFF, v9;
	v11 =	vld [tilespmem:s24+$0x30]  }
0x3c6: {  	v12 =	vshll.u32 v13, $0x4;
	v5 =	vor.u32 v0, v5;
	vm5 =	veq.s32 v8, v4;
	v8 =	vld [tilespmem:s28+$0xFFFFFFF0]  }
0x3c7: {  	v13 =	vshra.s32 v13, $0xA;
	v12 =	vor.u32 v0, v12;
	v5 =	vand.u32 $0x3FFF, v5;
	[tilespmem:v6+s14+$0x0] =	vst.idx.add.s32.msk vm2, v3  }
0x3c8: {  	vm3 =	veq.s32 v13, v4;
	v6 =	vshra.s32 v10, $0xA;
	v10 =	vshll.u32 v10, $0x4;
	v13 =	vld [tilespmem:s25+$0x20]  }
0x3c9: {  	[tilespmem:v7+s14+$0x0] =	vst.idx.add.s32.msk vm4, v3;
	v7 =	vand.u32 $0x3FFF, v12;
	vm2 =	veq.s32 v6, v4;
	v6 =	vor.u32 v0, v10  }
0x3ca: {  	v6 =	vand.u32 $0x3FFF, v6;
	[tilespmem:v9+s2+$0x0] =	vst.idx.add.s32.msk vm0, v3;
	v10 =	vshra.s32 v11, $0xA;
	v11 =	vshll.u32 v11, $0x4  }
0x3cb: {  	v9 =	vld [tilespmem:s26+$0x10];
	v14 =	vshra.s32 v8, $0xA;
	vm1 =	veq.s32 v10, v4;
	v10 =	vor.u32 v0, v11  }
0x3cc: {  	v11 =	vshll.u32 v8, $0x4;
	[tilespmem:v5+s2+$0x0] =	vst.idx.add.s32.msk vm5, v3;
	vm0 =	veq.s32 v14, v4;
	v5 =	vand.u32 $0x3FFF, v10  }
0x3cd: {  	s29 =	simm.s32 $0x10240;
	s28 =	simm.s32 $0x6;
	v8 =	vor.u32 v0, v11;
	v10 =	vld [tilespmem:s26+$0xFFFFFFD0];
	v11 =	vshra.s32 v13, $0xA;
	v12 =	vshll.u32 v13, $0x4  }
.LBB2_29:
0x3ce: {  	v13 =	vld [tilespmem:s29+$0x0];
	s28 =	sadd.s32 $0x2, s28;
	vm5 =	veq.s32 v11, v4;
	v11 =	vor.u32 v0, v12;
	v8 =	vand.u32 $0x3FFF, v8  }
0x3cf: {  	v12 =	vld [tilespmem:s29+$0xFFFFFFC0];
	p0 =	slt.u32 s28, $0x124;
	v11 =	vand.u32 $0x3FFF, v11  }
0x3d0: {  	v14 =	vshra.s32 v9, $0xA;
	v9 =	vshll.u32 v9, $0x4;
	[tilespmem:v7+s14+$0x0] =	vst.idx.add.s32.msk vm3, v3  }
0x3d1: {  	vm4 =	veq.s32 v14, v4;
	v7 =	vor.u32 v0, v9;
	[tilespmem:v5+s14+$0x0] =	vst.idx.add.s32.msk vm1, v3  }
0x3d2: {  	v5 =	vshra.s32 v10, $0xA;
	v9 =	vshll.u32 v10, $0x4;
	v10 =	vand.u32 $0x3FFF, v7;
	v14 =	vld [tilespmem:s25+$0xFFFFFFE0]  }
0x3d3: {  	v7 =	vshra.s32 v13, $0xA;
	v13 =	vshll.u32 v13, $0x4;
	v9 =	vor.u32 v0, v9;
	[tilespmem:v6+s2+$0x0] =	vst.idx.add.s32.msk vm2, v3  }
0x3d4: {  	v6 =	vshll.u32 v12, $0x4;
	vm1 =	veq.s32 v7, v4;
	v7 =	vor.u32 v0, v13;
	[tilespmem:v11+s2+$0x0] =	vst.idx.add.s32.msk vm5, v3  }
0x3d5: {  	v11 =	vshra.s32 v12, $0xA;
	v6 =	vor.u32 v0, v6;
	v12 =	vand.u32 $0x3FFF, v7;
	v13 =	vld [tilespmem:s25+$0x30]  }
0x3d6: {  	vm3 =	veq.s32 v5, v4;
	vm5 =	veq.s32 v11, v4;
	v11 =	vand.u32 $0x3FFF, v6;
	v15 =	vld [tilespmem:s24+$0xFFFFFFF0];
	s24 =	smov.u32 s25;
	s25 =	smov.u32 s26;
	s26 =	smov.u32 s29  }
0x3d7: {  	v7 =	vand.u32 $0x3FFF, v9;
	[tilespmem:v10+s14+$0x0] =	vst.idx.add.s32.msk vm4, v3;
	v5 =	vshra.s32 v14, $0xA;
	v6 =	vshll.u32 v14, $0x4  }
0x3d8: {  	v14 =	vld [tilespmem:s25+$0x20];
	vm2 =	veq.s32 v5, v4;
	v5 =	vor.u32 v0, v6  }
.Ltmp13:
0x3d9: {  	v6 =	vand.u32 $0x3FFF, v5;
	[tilespmem:v8+s14+$0x0] =	vst.idx.add.s32.msk vm0, v3;
	(pc) =	sbr.rel @p0 .LBB2_29-.Ltmp13, $4  }
0x3da: {  	[tilespmem:v12+s2+$0x0] =	vst.idx.add.s32.msk vm1, v3;
	v5 =	vshra.s32 v13, $0xA;
	v8 =	vshll.u32 v13, $0x4  }
0x3db: {  	v9 =	vld [tilespmem:s29+$0x10];
	vm1 =	veq.s32 v5, v4;
	v5 =	vor.u32 v0, v8;
	v8 =	vshll.u32 v15, $0x4  }
0x3dc: {  	v13 =	vshra.s32 v15, $0xA;
	[tilespmem:v11+s2+$0x0] =	vst.idx.add.s32.msk vm5, v3;
	v5 =	vand.u32 $0x3FFF, v5;
	v8 =	vor.u32 v0, v8  }
0x3dd: {  	s29 =	sadd.s32 $0x80, s29;
	vm0 =	veq.s32 v13, v4;
	v10 =	vld [tilespmem:s26+$0xFFFFFFD0];
	v11 =	vshra.s32 v14, $0xA;
	v12 =	vshll.u32 v14, $0x4  }
0x3de: {  	_ =	sdelay $0x1  }
0x3df: {  	v13 =	vshra.s32 v9, $0xA;
	v9 =	vshll.u32 v9, $0x4  }
0x3e0: {  	vm4 =	veq.s32 v13, v4;
	v9 =	vor.u32 v0, v9  }
0x3e1: {  	v9 =	vand.u32 $0x3FFF, v9  }
0x3e2: {  	v13 =	vshra.s32 v10, $0xA;
	v10 =	vshll.u32 v10, $0x4  }
0x3e3: {  	v10 =	vor.u32 v0, v10;
	vm5 =	veq.s32 v13, v4  }
0x3e4: {  	[tilespmem:v7+s14+$0x0] =	vst.idx.add.s32.msk vm3, v3;
	v7 =	vand.u32 $0x3FFF, v10  }
0x3e5: {  	v10 =	vld [tilespmem:s25+$0xFFFFFFE0]  }
0x3e6: {  	[tilespmem:v9+s14+$0x0] =	vst.idx.add.s32.msk vm4, v3  }
0x3e7: {  	v9 =	vld [tilespmem:s26+$0x20];
	_ =	sdelay $0x1  }
0x3e8: {  	vm3 =	veq.s32 v11, v4;
	v11 =	vor.u32 v0, v12;
	[tilespmem:v7+s14+$0x0] =	vst.idx.add.s32.msk vm5, v3  }
0x3e9: {  	v7 =	vand.u32 $0x3FFF, v11;
	v11 =	vshra.s32 v10, $0xA;
	v12 =	vld [tilespmem:s26+$0xFFFFFFE0]  }
0x3ea: {  	v10 =	vshll.u32 v10, $0x4;
	vm4 =	veq.s32 v11, v4  }
0x3eb: {  	v10 =	vor.u32 v0, v10;
	v11 =	vshra.s32 v9, $0xA;
	v9 =	vshll.u32 v9, $0x4  }
0x3ec: {  	v10 =	vand.u32 $0x3FFF, v10;
	vm5 =	veq.s32 v11, v4;
	v9 =	vor.u32 v0, v9  }
0x3ed: {  	[tilespmem:v6+s2+$0x0] =	vst.idx.add.s32.msk vm2, v3;
	v6 =	vand.u32 $0x3FFF, v9  }
0x3ee: {  	[tilespmem:v7+s2+$0x0] =	vst.idx.add.s32.msk vm3, v3;
	v7 =	vshra.s32 v12, $0xA;
	v9 =	vshll.u32 v12, $0x4  }
0x3ef: {  	v11 =	vld [tilespmem:s25+$0x30];
	vm2 =	veq.s32 v7, v4;
	v7 =	vor.u32 v0, v9  }
0x3f0: {  	v9 =	vld [tilespmem:s24+$0xFFFFFFF0];
	v7 =	vand.u32 $0x3FFF, v7  }
0x3f1: {  	[tilespmem:v10+s2+$0x0] =	vst.idx.add.s32.msk vm4, v3  }
0x3f2: {  	[tilespmem:v6+s2+$0x0] =	vst.idx.add.s32.msk vm5, v3  }
0x3f3: {  	v6 =	vld [tilespmem:s26+$0x30]  }
0x3f4: {  	v12 =	vld [tilespmem:s25+$0xFFFFFFF0];
	v10 =	vshra.s32 v11, $0xA  }
0x3f5: {  	v8 =	vand.u32 $0x3FFF, v8;
	v11 =	vshll.u32 v11, $0x4;
	vm3 =	veq.s32 v10, v4;
	[tilespmem:v7+s2+$0x0] =	vst.idx.add.s32.msk vm2, v3  }
0x3f6: {  	v10 =	vshll.u32 v9, $0x4;
	v9 =	vshra.s32 v9, $0xA;
	v7 =	vor.u32 v0, v11;
	v11 =	vld [tilespmem:s26+$0xFFFFFFF0]  }
0x3f7: {  	v10 =	vor.u32 v0, v10;
	vm2 =	veq.s32 v9, v4;
	v7 =	vand.u32 $0x3FFF, v7  }
0x3f8: {  	v9 =	vand.u32 $0x3FFF, v10;
	v10 =	vshra.s32 v6, $0xA;
	v6 =	vshll.u32 v6, $0x4  }
0x3f9: {  	vm4 =	veq.s32 v10, v4;
	v6 =	vor.u32 v0, v6;
	v10 =	vshll.u32 v12, $0x4  }
0x3fa: {  	v12 =	vshra.s32 v12, $0xA;
	v6 =	vand.u32 $0x3FFF, v6;
	v10 =	vor.u32 v0, v10  }
0x3fb: {  	vm5 =	veq.s32 v12, v4;
	v12 =	vshll.u32 v11, $0x4;
	v11 =	vshra.s32 v11, $0xA  }
0x3fc: {  	[tilespmem:v5+s14+$0x0] =	vst.idx.add.s32.msk vm1, v3;
	v5 =	vand.u32 $0x3FFF, v10;
	v10 =	vor.u32 v0, v12;
	vm1 =	veq.s32 v11, v4  }
0x3fd: {  	[tilespmem:v8+s14+$0x0] =	vst.idx.add.s32.msk vm0, v3;
	v8 =	vand.u32 $0x3FFF, v10  }
0x3fe: {  	p0 =	seq.s32 s22, $0xF;
	[tilespmem:v7+s14+$0x0] =	vst.idx.add.s32.msk vm3, v3  }
0x3ff: {  	s23 =	sadd.s32 @!p0 s23, s6;
	[tilespmem:v9+s14+$0x0] =	vst.idx.add.s32.msk vm2, v3  }
0x400: {  	s23 =	sshrl.u32 @!p0 s23, $0x3;
	[tilespmem:v6+s14+$0x0] =	vst.idx.add.s32.msk vm4, v3  }
0x401: {  	s23 =	sadd.s32 @!p0 s3, s23;
	[tilespmem:v5+s14+$0x0] =	vst.idx.add.s32.msk vm5, v3  }
0x402: {  	s24 =	simm.s32 @!p0 $0x80;
	s25 =	simm.s32 @!p0 $0x400;
	s26 =	simm.s32 @!p0 $0x10000;
	[tilespmem:v8+s14+$0x0] =	vst.idx.add.s32.msk vm1, v3  }
0x403: {  	[tilespmem:s26], [sflag:$0x1] =	stream.strided.gather @!p0 [hbm4b:s23+s24], $0x4980, s25, s24, $0x38;
	[tilespmem:$0x19380] =	vst v63  }
0x404: {  	_ =	swait.ge [sflag:s15], $0x4980  }
0x405: {  	[sflag:s15] =	ssyncset.done $0x0  }
0x406: {  	s31 =	simm.s32 $0x149C0;
	[sflag:s15] =	ssyncadd.s32 $0xFFFFB680  }
0x407: {  	v5 =	vld [tilespmem:s31+$0x0];
	_ =	sdelay $0x4  }
0x408: {  	v6 =	vshra.s32 v5, $0xA;
	v5 =	vshll.u32 v5, $0x4  }
0x409: {  	vm0 =	veq.s32 v6, v4;
	v5 =	vor.u32 v0, v5  }
0x40a: {  	v5 =	vand.u32 $0x3FFF, v5;
	_ =	sdelay $0x3  }
0x40b: {  	v6 =	vld [tilespmem:s31+$0xFFFFFFC0]  }
0x40c: {  	[tilespmem:v5+s2+$0x0] =	vst.idx.add.s32.msk vm0, v3  }
0x40d: {  	v5 =	vld [tilespmem:s31+$0x10]  }
0x40e: {  	s23 =	simm.s32 $0x14A40  }
0x40f: {  	v7 =	vld [tilespmem:s23+$0x0]  }
0x410: {  	v8 =	vshll.u32 v6, $0x4;
	v6 =	vshra.s32 v6, $0xA  }
0x411: {  	v8 =	vor.u32 v0, v8;
	vm0 =	veq.s32 v6, v4  }
0x412: {  	v6 =	vand.u32 $0x3FFF, v8;
	v8 =	vshra.s32 v5, $0xA  }
0x413: {  	v5 =	vshll.u32 v5, $0x4;
	vm1 =	veq.s32 v8, v4  }
0x414: {  	v5 =	vor.u32 v0, v5;
	v8 =	vshra.s32 v7, $0xA;
	v7 =	vshll.u32 v7, $0x4  }
0x415: {  	v5 =	vand.u32 $0x3FFF, v5;
	vm2 =	veq.s32 v8, v4;
	v7 =	vor.u32 v0, v7  }
0x416: {  	v7 =	vand.u32 $0x3FFF, v7  }
0x417: {  	[tilespmem:v6+s2+$0x0] =	vst.idx.add.s32.msk vm0, v3  }
0x418: {  	v6 =	vld [tilespmem:s23+$0xFFFFFFC0]  }
0x419: {  	v8 =	vld [tilespmem:s31+$0xFFFFFFD0]  }
0x41a: {  	[tilespmem:v5+s14+$0x0] =	vst.idx.add.s32.msk vm1, v3  }
0x41b: {  	[tilespmem:v7+s2+$0x0] =	vst.idx.add.s32.msk vm2, v3  }
0x41c: {  	v5 =	vld [tilespmem:s23+$0x10]  }
0x41d: {  	v7 =	vshll.u32 v6, $0x4;
	v6 =	vshra.s32 v6, $0xA;
	v9 =	vld [tilespmem:s31+$0x20]  }
0x41e: {  	s24 =	simm.s32 $0x14AC0;
	v7 =	vor.u32 v0, v7;
	vm0 =	veq.s32 v6, v4  }
0x41f: {  	v10 =	vld [tilespmem:s24+$0x0];
	v6 =	vshra.s32 v8, $0xA;
	v8 =	vshll.u32 v8, $0x4;
	v7 =	vand.u32 $0x3FFF, v7  }
0x420: {  	v8 =	vor.u32 v0, v8;
	vm1 =	veq.s32 v6, v4  }
0x421: {  	v6 =	vand.u32 $0x3FFF, v8;
	v8 =	vshra.s32 v5, $0xA;
	v5 =	vshll.u32 v5, $0x4  }
0x422: {  	v12 =	vld [tilespmem:s24+$0xFFFFFFC0];
	v11 =	vshra.s32 v9, $0xA;
	vm2 =	veq.s32 v8, v4;
	v5 =	vor.u32 v0, v5  }
0x423: {  	vm3 =	veq.s32 v11, v4;
	v8 =	vshll.u32 v9, $0x4;
	v5 =	vand.u32 $0x3FFF, v5  }
0x424: {  	[tilespmem:v7+s2+$0x0] =	vst.idx.add.s32.msk vm0, v3;
	v9 =	vshll.u32 v10, $0x4;
	v7 =	vor.u32 v0, v8;
	v8 =	vshra.s32 v10, $0xA  }
0x425: {  	v10 =	vld [tilespmem:s23+$0xFFFFFFD0];
	v7 =	vand.u32 $0x3FFF, v7;
	vm0 =	veq.s32 v8, v4;
	v8 =	vor.u32 v0, v9  }
0x426: {  	[tilespmem:v6+s14+$0x0] =	vst.idx.add.s32.msk vm1, v3;
	v6 =	vand.u32 $0x3FFF, v8  }
0x427: {  	v11 =	vshra.s32 v12, $0xA;
	v9 =	vshll.u32 v12, $0x4;
	v8 =	vld [tilespmem:s31+$0xFFFFFFE0]  }
0x428: {  	vm1 =	veq.s32 v11, v4;
	v9 =	vor.u32 v0, v9;
	[tilespmem:v5+s14+$0x0] =	vst.idx.add.s32.msk vm2, v3  }
0x429: {  	v5 =	vand.u32 $0x3FFF, v9;
	v9 =	vld [tilespmem:s23+$0x20]  }
0x42a: {  	v11 =	vshra.s32 v10, $0xA;
	v10 =	vshll.u32 v10, $0x4;
	[tilespmem:v7+s2+$0x0] =	vst.idx.add.s32.msk vm3, v3  }
0x42b: {  	v7 =	vor.u32 v0, v10;
	vm2 =	veq.s32 v11, v4;
	[tilespmem:v6+s2+$0x0] =	vst.idx.add.s32.msk vm0, v3  }
0x42c: {  	v6 =	vand.u32 $0x3FFF, v7;
	v7 =	vshra.s32 v8, $0xA;
	v8 =	vshll.u32 v8, $0x4;
	v10 =	vld [tilespmem:s24+$0x10]  }
0x42d: {  	v11 =	vld [tilespmem:s31+$0x30];
	vm0 =	veq.s32 v7, v4;
	v7 =	vor.u32 v0, v8  }
0x42e: {  	s25 =	simm.s32 $0x14B40;
	v7 =	vand.u32 $0x3FFF, v7;
	[tilespmem:v5+s2+$0x0] =	vst.idx.add.s32.msk vm1, v3;
	v5 =	vshra.s32 v9, $0xA;
	v8 =	vshll.u32 v9, $0x4  }
0x42f: {  	v9 =	vld [tilespmem:s25+$0x0];
	vm1 =	veq.s32 v5, v4;
	v5 =	vor.u32 v0, v8  }
0x430: {  	v13 =	vld [tilespmem:s24+$0xFFFFFFD0];
	v5 =	vand.u32 $0x3FFF, v5  }
0x431: {  	v8 =	vld [tilespmem:s25+$0xFFFFFFC0];
	v12 =	vshra.s32 v10, $0xA;
	v10 =	vshll.u32 v10, $0x4  }
0x432: {  	[tilespmem:v6+s14+$0x0] =	vst.idx.add.s32.msk vm2, v3;
	v6 =	vshra.s32 v11, $0xA;
	vm2 =	veq.s32 v12, v4;
	v10 =	vor.u32 v0, v10  }
0x433: {  	v11 =	vshll.u32 v11, $0x4;
	vm4 =	veq.s32 v6, v4;
	[tilespmem:v7+s2+$0x0] =	vst.idx.add.s32.msk vm0, v3;
	v6 =	vand.u32 $0x3FFF, v10  }
0x434: {  	v11 =	vor.u32 v0, v11;
	v10 =	vld [tilespmem:s23+$0xFFFFFFE0];
	v12 =	vshra.s32 v9, $0xA;
	v9 =	vshll.u32 v9, $0x4  }
0x435: {  	v7 =	vand.u32 $0x3FFF, v11;
	vm0 =	veq.s32 v12, v4;
	v9 =	vor.u32 v0, v9;
	[tilespmem:v5+s2+$0x0] =	vst.idx.add.s32.msk vm1, v3  }
0x436: {  	v5 =	vshll.u32 v8, $0x4;
	v8 =	vshra.s32 v8, $0xA;
	v9 =	vand.u32 $0x3FFF, v9;
	v11 =	vld [tilespmem:s23+$0x30]  }
0x437: {  	v12 =	vshll.u32 v13, $0x4;
	v5 =	vor.u32 v0, v5;
	vm5 =	veq.s32 v8, v4;
	v8 =	vld [tilespmem:s31+$0xFFFFFFF0]  }
0x438: {  	v13 =	vshra.s32 v13, $0xA;
	v12 =	vor.u32 v0, v12;
	v5 =	vand.u32 $0x3FFF, v5;
	[tilespmem:v6+s14+$0x0] =	vst.idx.add.s32.msk vm2, v3  }
0x439: {  	vm3 =	veq.s32 v13, v4;
	v6 =	vshra.s32 v10, $0xA;
	v10 =	vshll.u32 v10, $0x4;
	v13 =	vld [tilespmem:s24+$0x20]  }
0x43a: {  	[tilespmem:v7+s14+$0x0] =	vst.idx.add.s32.msk vm4, v3;
	v7 =	vand.u32 $0x3FFF, v12;
	vm2 =	veq.s32 v6, v4;
	v6 =	vor.u32 v0, v10  }
0x43b: {  	v6 =	vand.u32 $0x3FFF, v6;
	[tilespmem:v9+s2+$0x0] =	vst.idx.add.s32.msk vm0, v3;
	v10 =	vshra.s32 v11, $0xA;
	v11 =	vshll.u32 v11, $0x4  }
0x43c: {  	v9 =	vld [tilespmem:s25+$0x10];
	v14 =	vshra.s32 v8, $0xA;
	vm1 =	veq.s32 v10, v4;
	v10 =	vor.u32 v0, v11  }
0x43d: {  	v11 =	vshll.u32 v8, $0x4;
	[tilespmem:v5+s2+$0x0] =	vst.idx.add.s32.msk vm5, v3;
	vm0 =	veq.s32 v14, v4;
	v5 =	vand.u32 $0x3FFF, v10  }
0x43e: {  	s28 =	simm.s32 $0x14BC0;
	s26 =	simm.s32 $0x6;
	v8 =	vor.u32 v0, v11;
	v10 =	vld [tilespmem:s25+$0xFFFFFFD0];
	v11 =	vshra.s32 v13, $0xA;
	v12 =	vshll.u32 v13, $0x4  }
.LBB2_31:
0x43f: {  	v13 =	vld [tilespmem:s28+$0x0];
	s26 =	sadd.s32 $0x2, s26;
	vm5 =	veq.s32 v11, v4;
	v11 =	vor.u32 v0, v12;
	v8 =	vand.u32 $0x3FFF, v8  }
0x440: {  	v12 =	vld [tilespmem:s28+$0xFFFFFFC0];
	p0 =	slt.u32 s26, $0x124;
	v11 =	vand.u32 $0x3FFF, v11  }
0x441: {  	v14 =	vshra.s32 v9, $0xA;
	v9 =	vshll.u32 v9, $0x4;
	[tilespmem:v7+s14+$0x0] =	vst.idx.add.s32.msk vm3, v3  }
0x442: {  	vm4 =	veq.s32 v14, v4;
	v7 =	vor.u32 v0, v9;
	[tilespmem:v5+s14+$0x0] =	vst.idx.add.s32.msk vm1, v3  }
0x443: {  	v5 =	vshra.s32 v10, $0xA;
	v9 =	vshll.u32 v10, $0x4;
	v10 =	vand.u32 $0x3FFF, v7;
	v14 =	vld [tilespmem:s24+$0xFFFFFFE0]  }
0x444: {  	v7 =	vshra.s32 v13, $0xA;
	v13 =	vshll.u32 v13, $0x4;
	v9 =	vor.u32 v0, v9;
	[tilespmem:v6+s2+$0x0] =	vst.idx.add.s32.msk vm2, v3  }
0x445: {  	v6 =	vshll.u32 v12, $0x4;
	vm1 =	veq.s32 v7, v4;
	v7 =	vor.u32 v0, v13;
	[tilespmem:v11+s2+$0x0] =	vst.idx.add.s32.msk vm5, v3  }
0x446: {  	v11 =	vshra.s32 v12, $0xA;
	v6 =	vor.u32 v0, v6;
	v12 =	vand.u32 $0x3FFF, v7;
	v13 =	vld [tilespmem:s24+$0x30]  }
0x447: {  	vm3 =	veq.s32 v5, v4;
	vm5 =	veq.s32 v11, v4;
	v11 =	vand.u32 $0x3FFF, v6;
	v15 =	vld [tilespmem:s23+$0xFFFFFFF0];
	s23 =	smov.u32 s24;
	s24 =	smov.u32 s25;
	s25 =	smov.u32 s28  }
0x448: {  	v7 =	vand.u32 $0x3FFF, v9;
	[tilespmem:v10+s14+$0x0] =	vst.idx.add.s32.msk vm4, v3;
	v5 =	vshra.s32 v14, $0xA;
	v6 =	vshll.u32 v14, $0x4  }
0x449: {  	v14 =	vld [tilespmem:s24+$0x20];
	vm2 =	veq.s32 v5, v4;
	v5 =	vor.u32 v0, v6  }
.Ltmp14:
0x44a: {  	v6 =	vand.u32 $0x3FFF, v5;
	[tilespmem:v8+s14+$0x0] =	vst.idx.add.s32.msk vm0, v3;
	(pc) =	sbr.rel @p0 .LBB2_31-.Ltmp14, $4  }
0x44b: {  	[tilespmem:v12+s2+$0x0] =	vst.idx.add.s32.msk vm1, v3;
	v5 =	vshra.s32 v13, $0xA;
	v8 =	vshll.u32 v13, $0x4  }
0x44c: {  	v9 =	vld [tilespmem:s28+$0x10];
	vm1 =	veq.s32 v5, v4;
	v5 =	vor.u32 v0, v8;
	v8 =	vshll.u32 v15, $0x4  }
0x44d: {  	v13 =	vshra.s32 v15, $0xA;
	[tilespmem:v11+s2+$0x0] =	vst.idx.add.s32.msk vm5, v3;
	v5 =	vand.u32 $0x3FFF, v5;
	v8 =	vor.u32 v0, v8  }
0x44e: {  	s28 =	sadd.s32 $0x80, s28;
	vm0 =	veq.s32 v13, v4;
	v10 =	vld [tilespmem:s25+$0xFFFFFFD0];
	v11 =	vshra.s32 v14, $0xA;
	v12 =	vshll.u32 v14, $0x4  }
0x44f: {  	_ =	sdelay $0x1  }
0x450: {  	v13 =	vshra.s32 v9, $0xA;
	v43 =	vshll.u32 v9, $0x4  }
0x451: {  	vm4 =	veq.s32 v13, v4;
	v9 =	vor.u32 v0, v43  }
0x452: {  	v9 =	vand.u32 $0x3FFF, v9;
	v44 =	vshra.s32 v10, $0xA;
	v45 =	vshll.u32 v10, $0x4  }
0x453: {  	vm5 =	veq.s32 v44, v4;
	v10 =	vor.u32 v0, v45  }
0x454: {  	[tilespmem:v7+s14+$0x0] =	vst.idx.add.s32.msk vm3, v3;
	v7 =	vand.u32 $0x3FFF, v10  }
0x455: {  	v46 =	vld [tilespmem:s24+$0xFFFFFFE0];
	_ =	sdelay $0x1  }
0x456: {  	[tilespmem:v9+s14+$0x0] =	vst.idx.add.s32.msk vm4, v3  }
0x457: {  	v9 =	vld [tilespmem:s25+$0x20]  }
0x458: {  	vm15 =	veq.s32 v11, v4;
	v47 =	vor.u32 v0, v12;
	[tilespmem:v7+s14+$0x0] =	vst.idx.add.s32.msk vm5, v3  }
0x459: {  	v48 =	vshra.s32 v46, $0xA;
	v10 =	vshll.u32 v46, $0x4;
	v7 =	vand.u32 $0x3FFF, v47;
	v49 =	vld [tilespmem:s25+$0xFFFFFFE0]  }
0x45a: {  	vm8 =	veq.s32 v48, v4;
	v10 =	vor.u32 v0, v10  }
0x45b: {  	v10 =	vand.u32 $0x3FFF, v10  }
0x45c: {  	[tilespmem:v6+s2+$0x0] =	vst.idx.add.s32.msk vm2, v3;
	v50 =	vshra.s32 v9, $0xA;
	v9 =	vshll.u32 v9, $0x4  }
0x45d: {  	v53 =	vld [tilespmem:s23+$0xFFFFFFF0];
	vm9 =	veq.s32 v50, v4;
	v9 =	vor.u32 v0, v9  }
0x45e: {  	[tilespmem:v7+s2+$0x0] =	vst.idx.add.s32.msk vm15, v3;
	v6 =	vand.u32 $0x3FFF, v9;
	v7 =	vshra.s32 v49, $0xA;
	v51 =	vshll.u32 v49, $0x4  }
0x45f: {  	vm10 =	veq.s32 v7, v4;
	v7 =	vor.u32 v0, v51  }
0x460: {  	[tilespmem:v10+s2+$0x0] =	vst.idx.add.s32.msk vm8, v3;
	v7 =	vand.u32 $0x3FFF, v7  }
0x461: {  	v55 =	vld [tilespmem:s24+$0xFFFFFFF0]  }
0x462: {  	v52 =	vld [tilespmem:s24+$0x30]  }
0x463: {  	v56 =	vshll.u32 v53, $0x4;
	[tilespmem:v6+s2+$0x0] =	vst.idx.add.s32.msk vm9, v3  }
0x464: {  	v10 =	vor.u32 v0, v56;
	v6 =	vld [tilespmem:s25+$0x30]  }
0x465: {  	v8 =	vand.u32 $0x3FFF, v8;
	v58 =	vand.u32 $0x3FFF, v10;
	[tilespmem:v7+s2+$0x0] =	vst.idx.add.s32.msk vm10, v3  }
0x466: {  	v9 =	vshra.s32 v53, $0xA;
	v60 =	vshll.u32 v55, $0x4;
	v12 =	vshra.s32 v55, $0xA;
	v57 =	vld [tilespmem:s25+$0xFFFFFFF0]  }
0x467: {  	vm12 =	veq.s32 v9, v4;
	v10 =	vor.u32 v0, v60;
	vm14 =	veq.s32 v12, v4  }
0x468: {  	[tilespmem:v5+s14+$0x0] =	vst.idx.add.s32.msk vm1, v3;
	v5 =	vand.u32 $0x3FFF, v10;
	v54 =	vshra.s32 v52, $0xA;
	v11 =	vshll.u32 v52, $0x4  }
0x469: {  	vm11 =	veq.s32 v54, v4;
	v7 =	vor.u32 v0, v11;
	v59 =	vshra.s32 v6, $0xA  }
0x46a: {  	v7 =	vand.u32 $0x3FFF, v7;
	v6 =	vshll.u32 v6, $0x4;
	vm13 =	veq.s32 v59, v4  }
0x46b: {  	v6 =	vor.u32 v0, v6;
	v61 =	vshll.u32 v57, $0x4;
	v11 =	vshra.s32 v57, $0xA  }
0x46c: {  	s22 =	sadd.s32 $0x1, s22;
	v6 =	vand.u32 $0x3FFF, v6;
	v62 =	vor.u32 v0, v61;
	vm15 =	veq.s32 v11, v4  }
0x46d: {  	p0 =	sne.s32 s22, $0x10;
	[tilespmem:v8+s14+$0x0] =	vst.idx.add.s32.msk vm0, v3;
	v63 =	vand.u32 $0x3FFF, v62  }
.Ltmp15:
0x46e: {  	[tilespmem:v58+s14+$0x0] =	vst.idx.add.s32.msk vm12, v3;
	(pc) =	sbr.rel @p0 .LBB2_28-.Ltmp15, $4  }
0x46f: {  	[tilespmem:v5+s14+$0x0] =	vst.idx.add.s32.msk vm14, v3  }
0x470: {  	[tilespmem:v7+s14+$0x0] =	vst.idx.add.s32.msk vm11, v3  }
0x471: {  	[tilespmem:v6+s14+$0x0] =	vst.idx.add.s32.msk vm13, v3  }
0x472: {  	[tilespmem:v63+s14+$0x0] =	vst.idx.add.s32.msk vm15, v3  }
0x473: {  	s24 =	simm.s32 $0x3FF0  }
0x474: {  	s23 =	simm.s32 $0xBFF0;
	v4 =	vld [tilespmem:s24+$0xFFFFFF10]  }
0x475: {  	v5 =	vld [tilespmem:s23+$0xFFFFFF10]  }
0x476: {  	v6 =	vld [tilespmem:s24+$0xFFFFFF20]  }
0x477: {  	v7 =	vld [tilespmem:s23+$0xFFFFFF20]  }
0x478: {  	v8 =	vld [tilespmem:s24+$0xFFFFFF30]  }
0x479: {  	v9 =	vld [tilespmem:s23+$0xFFFFFF30]  }
0x47a: {  	v4 =	vadd.s32 v4, v5;
	v5 =	vld [tilespmem:s24+$0xFFFFFF40]  }
0x47b: {  	v4 =	vadd.s32 v6, v4;
	v6 =	vld [tilespmem:s23+$0xFFFFFF40]  }
0x47c: {  	v4 =	vadd.s32 v7, v4;
	v7 =	vld [tilespmem:s24+$0xFFFFFF50]  }
0x47d: {  	v4 =	vadd.s32 v8, v4;
	v8 =	vld [tilespmem:s23+$0xFFFFFF50]  }
0x47e: {  	v4 =	vadd.s32 v9, v4;
	v9 =	vld [tilespmem:s24+$0xFFFFFF60]  }
0x47f: {  	v4 =	vadd.s32 v5, v4;
	v5 =	vld [tilespmem:s23+$0xFFFFFF60]  }
0x480: {  	v4 =	vadd.s32 v6, v4;
	v6 =	vld [tilespmem:s24+$0xFFFFFF70]  }
0x481: {  	v4 =	vadd.s32 v7, v4;
	v7 =	vld [tilespmem:s23+$0xFFFFFF70]  }
0x482: {  	v4 =	vadd.s32 v8, v4;
	v8 =	vld [tilespmem:s24+$0xFFFFFF80]  }
0x483: {  	v4 =	vadd.s32 v9, v4;
	v9 =	vld [tilespmem:s23+$0xFFFFFF80]  }
0x484: {  	v4 =	vadd.s32 v5, v4;
	v5 =	vld [tilespmem:s24+$0xFFFFFF90]  }
0x485: {  	v4 =	vadd.s32 v6, v4;
	v6 =	vld [tilespmem:s23+$0xFFFFFF90]  }
0x486: {  	v4 =	vadd.s32 v7, v4;
	v7 =	vld [tilespmem:s24+$0xFFFFFFA0]  }
0x487: {  	v4 =	vadd.s32 v8, v4;
	v8 =	vld [tilespmem:s23+$0xFFFFFFA0]  }
0x488: {  	v4 =	vadd.s32 v9, v4;
	v9 =	vld [tilespmem:s24+$0xFFFFFFB0]  }
0x489: {  	v4 =	vadd.s32 v5, v4;
	v5 =	vld [tilespmem:s23+$0xFFFFFFB0]  }
0x48a: {  	v4 =	vadd.s32 v6, v4;
	v6 =	vld [tilespmem:s24+$0xFFFFFFC0]  }
0x48b: {  	v4 =	vadd.s32 v7, v4;
	v7 =	vld [tilespmem:s23+$0xFFFFFFC0]  }
0x48c: {  	v4 =	vadd.s32 v8, v4;
	v8 =	vld [tilespmem:s24+$0xFFFFFFD0]  }
0x48d: {  	v4 =	vadd.s32 v9, v4;
	v9 =	vld [tilespmem:s23+$0xFFFFFFD0]  }
0x48e: {  	v10 =	vld [tilespmem:s24+$0xFFFFFFE0];
	v4 =	vadd.s32 v5, v4  }
0x48f: {  	v11 =	vld [tilespmem:s23+$0xFFFFFFE0];
	v4 =	vadd.s32 v6, v4  }
0x490: {  	v4 =	vadd.s32 v7, v4;
	v7 =	vld [tilespmem:s24+$0xFFFFFFF0]  }
0x491: {  	v5 =	vadd.s32 v8, v4;
	v4 =	vld [tilespmem:s23+$0xFFFFFFF0]  }
0x492: {  	s19 =	ssub.s32 s19, s21;
	v6 =	vadd.s32 v9, v5;
	v5 =	vld [tilespmem:s24+$0x0]  }
0x493: {  	s21 =	simm.s32 $0x0;
	s22 =	simm.s32 $0x3F;
	s28 =	simm.s32 $0x3EF0;
	v9 =	vadd.s32 v10, v6;
	v6 =	vld [tilespmem:s23+$0x0]  }
0x494: {  	s29 =	simm.s32 $0xBEF0;
	s30 =	simm.s32 $0x3D;
	s26 =	simm.s32 $0x0;
	v8 =	vld [tilespmem:s28+$0xFFFFFF10];
	v10 =	vadd.s32 v11, v9  }
0x495: {  	s25 =	simm.s32 $0x0;
	s24 =	simm.s32 $0x3E;
	s23 =	simm.s32 $0x0;
	v9 =	vld [tilespmem:s29+$0xFFFFFF10];
	v7 =	vadd.s32 v7, v10  }
.LBB2_34:
0x496: {  	p0 =	seq.s32 s30, $0x0;
	v10 =	vld [tilespmem:s28+$0xFFFFFF20];
	v4 =	vadd.s32 v4, v7;
	s31 =	smov.u32 s24;
	s24 =	smov.u32 s30  }
0x497: {  	v7 =	vld [tilespmem:s29+$0xFFFFFF20];
	v4 =	vadd.s32 v5, v4  }
0x498: {  	v5 =	vld [tilespmem:s28+$0xFFFFFF30];
	v4 =	vadd.s32 v6, v4  }
0x499: {  	v6 =	vld [tilespmem:s29+$0xFFFFFF30];
	(xrf0) =	vadd.scan.msk.s32 $0xffff, v4  }
0x49a: {  	v4 =	vadd.s32 v8, v9;
	v8 =	vld [tilespmem:s28+$0xFFFFFF40]  }
0x49b: {  	v4 =	vadd.s32 v10, v4;
	v9 =	vld [tilespmem:s29+$0xFFFFFF40]  }
0x49c: {  	v4 =	vadd.s32 v7, v4;
	v7 =	vld [tilespmem:s28+$0xFFFFFF50]  }
0x49d: {  	v4 =	vadd.s32 v5, v4;
	v5 =	vld [tilespmem:s29+$0xFFFFFF50]  }
0x49e: {  	v4 =	vadd.s32 v6, v4;
	v6 =	vld [tilespmem:s28+$0xFFFFFF60]  }
0x49f: {  	v4 =	vadd.s32 v8, v4;
	v8 =	vld [tilespmem:s29+$0xFFFFFF60];
	v10, _, _ =	vpop (xrf0)  }
0x4a0: {  	v4 =	vadd.s32 v9, v4;
	v9 =	vld [tilespmem:s28+$0xFFFFFF70];
	(v2sf) =	vpush v10, $0xF  }
0x4a1: {  	v4 =	vadd.s32 v7, v4;
	v7 =	vld [tilespmem:s29+$0xFFFFFF70]  }
0x4a2: {  	v4 =	vadd.s32 v5, v4;
	v5 =	vld [tilespmem:s28+$0xFFFFFF80]  }
0x4a3: {  	v4 =	vadd.s32 v6, v4;
	v6 =	vld [tilespmem:s29+$0xFFFFFF80]  }
0x4a4: {  	v4 =	vadd.s32 v8, v4;
	v8 =	vld [tilespmem:s28+$0xFFFFFF90]  }
0x4a5: {  	v4 =	vadd.s32 v9, v4;
	v9 =	vld [tilespmem:s29+$0xFFFFFF90]  }
0x4a6: {  	v4 =	vadd.s32 v7, v4;
	v7 =	vld [tilespmem:s28+$0xFFFFFFA0]  }
0x4a7: {  	v4 =	vadd.s32 v5, v4;
	v5 =	vld [tilespmem:s29+$0xFFFFFFA0]  }
0x4a8: {  	v4 =	vadd.s32 v6, v4;
	v6 =	vld [tilespmem:s28+$0xFFFFFFB0]  }
0x4a9: {  	v4 =	vadd.s32 v8, v4;
	v8 =	vld [tilespmem:s29+$0xFFFFFFB0]  }
0x4aa: {  	v4 =	vadd.s32 v9, v4;
	v9 =	vld [tilespmem:s28+$0xFFFFFFC0]  }
0x4ab: {  	v4 =	vadd.s32 v7, v4;
	v7 =	vld [tilespmem:s29+$0xFFFFFFC0]  }
0x4ac: {  	v4 =	vadd.s32 v5, v4;
	v5 =	vld [tilespmem:s28+$0xFFFFFFD0]  }
0x4ad: {  	v4 =	vadd.s32 v6, v4;
	v6 =	vld [tilespmem:s29+$0xFFFFFFD0]  }
0x4ae: {  	v4 =	vadd.s32 v8, v4;
	v8 =	vld [tilespmem:s28+$0xFFFFFFE0]  }
0x4af: {  	v4 =	vadd.s32 v9, v4;
	v9 =	vld [tilespmem:s29+$0xFFFFFFE0];
	s0 =	spop (v2sf)  }
0x4b0: {  	v4 =	vadd.s32 v7, v4;
	v7 =	vld [tilespmem:s28+$0xFFFFFFF0];
	s26 =	sadd.s32 s26, s0  }
.Ltmp16:
0x4b1: {  	p1 =	slt.s32 s25, s19;
	v5 =	vadd.s32 v5, v4;
	v4 =	vld [tilespmem:s29+$0xFFFFFFF0];
	p2 =	sge.s32 s26, s19;
	(pc) =	sbr.rel @!p0 .LBB2_34-.Ltmp16, $4  }
0x4b2: {  	v6 =	vadd.s32 v6, v5;
	v5 =	vld [tilespmem:s28+$0x0];
	p1 =	por !p1, !p2  }
0x4b3: {  	s28 =	sadd.s32 $0xFFFFFF00, s28;
	v10 =	vadd.s32 v8, v6;
	v6 =	vld [tilespmem:s29+$0x0];
	p1 =	por !p1, !p1  }
0x4b4: {  	s29 =	sadd.s32 $0xFFFFFF00, s29;
	v8 =	vld [tilespmem:s28+$0xFFFFFF10];
	v10 =	vadd.s32 v9, v10;
	s21 =	smov.u32 @p1 s22;
	s23 =	smov.u32 @p1 s25  }
0x4b5: {  	s30 =	sadd.s32 $0xFFFFFFFF, s30;
	s25 =	smov.u32 s26;
	s22 =	smov.u32 s31;
	v9 =	vld [tilespmem:s29+$0xFFFFFF10];
	v7 =	vadd.s32 v7, v10  }
0x4b6: {  	v10 =	vld [tilespmem:s28+$0xFFFFFF20]  }
0x4b7: {  	v11 =	vld [tilespmem:s29+$0xFFFFFF20]  }
0x4b8: {  	v12 =	vld [tilespmem:s28+$0xFFFFFF30]  }
0x4b9: {  	v13 =	vld [tilespmem:s29+$0xFFFFFF30]  }
0x4ba: {  	v8 =	vadd.s32 v8, v9;
	v9 =	vld [tilespmem:s28+$0xFFFFFF40]  }
0x4bb: {  	v8 =	vadd.s32 v10, v8;
	v10 =	vld [tilespmem:s29+$0xFFFFFF40]  }
0x4bc: {  	v8 =	vadd.s32 v11, v8;
	v11 =	vld [tilespmem:s28+$0xFFFFFF50]  }
0x4bd: {  	v54 =	vld [tilespmem:s29+$0xFFFFFF50];
	v8 =	vadd.s32 v12, v8  }
0x4be: {  	v55 =	vld [tilespmem:s28+$0xFFFFFF60];
	v8 =	vadd.s32 v13, v8  }
0x4bf: {  	v8 =	vadd.s32 v9, v8;
	v9 =	vld [tilespmem:s29+$0xFFFFFF60]  }
0x4c0: {  	v8 =	vadd.s32 v10, v8;
	v10 =	vld [tilespmem:s28+$0xFFFFFF70]  }
0x4c1: {  	v8 =	vadd.s32 v11, v8;
	v11 =	vld [tilespmem:s29+$0xFFFFFF70]  }
0x4c2: {  	v56 =	vld [tilespmem:s28+$0xFFFFFF80];
	v8 =	vadd.s32 v54, v8  }
0x4c3: {  	v57 =	vld [tilespmem:s29+$0xFFFFFF80];
	v8 =	vadd.s32 v55, v8  }
0x4c4: {  	v8 =	vadd.s32 v9, v8;
	v9 =	vld [tilespmem:s28+$0xFFFFFF90]  }
0x4c5: {  	v8 =	vadd.s32 v10, v8;
	v10 =	vld [tilespmem:s29+$0xFFFFFF90]  }
0x4c6: {  	v8 =	vadd.s32 v11, v8;
	v11 =	vld [tilespmem:s28+$0xFFFFFFA0]  }
0x4c7: {  	v58 =	vld [tilespmem:s29+$0xFFFFFFA0];
	v8 =	vadd.s32 v56, v8  }
0x4c8: {  	v59 =	vld [tilespmem:s28+$0xFFFFFFB0];
	v8 =	vadd.s32 v57, v8  }
0x4c9: {  	v8 =	vadd.s32 v9, v8;
	v9 =	vld [tilespmem:s29+$0xFFFFFFB0]  }
0x4ca: {  	v8 =	vadd.s32 v10, v8;
	v10 =	vld [tilespmem:s28+$0xFFFFFFC0]  }
0x4cb: {  	v8 =	vadd.s32 v11, v8;
	v11 =	vld [tilespmem:s29+$0xFFFFFFC0]  }
0x4cc: {  	v60 =	vld [tilespmem:s28+$0xFFFFFFD0];
	v8 =	vadd.s32 v58, v8  }
0x4cd: {  	v61 =	vld [tilespmem:s29+$0xFFFFFFD0];
	v8 =	vadd.s32 v59, v8  }
0x4ce: {  	v8 =	vadd.s32 v9, v8;
	v9 =	vld [tilespmem:s28+$0xFFFFFFE0]  }
0x4cf: {  	v8 =	vadd.s32 v10, v8;
	v10 =	vld [tilespmem:s29+$0xFFFFFFE0]  }
0x4d0: {  	v8 =	vadd.s32 v11, v8;
	v11 =	vld [tilespmem:s28+$0xFFFFFFF0]  }
0x4d1: {  	v62 =	vld [tilespmem:s29+$0xFFFFFFF0];
	v8 =	vadd.s32 v60, v8  }
0x4d2: {  	v63 =	vld [tilespmem:s28+$0x0];
	v8 =	vadd.s32 v61, v8  }
0x4d3: {  	v8 =	vadd.s32 v9, v8;
	v9 =	vld [tilespmem:s29+$0x0]  }
0x4d4: {  	v8 =	vadd.s32 v10, v8  }
0x4d5: {  	v4 =	vadd.s32 v4, v7;
	v7 =	vadd.s32 v11, v8  }
0x4d6: {  	v4 =	vadd.s32 v5, v4;
	v5 =	vadd.s32 v62, v7  }
0x4d7: {  	v4 =	vadd.s32 v6, v4;
	v5 =	vadd.s32 v63, v5  }
0x4d8: {  	(xrf0) =	vadd.scan.msk.s32 $0xffff, v4;
	v4 =	vadd.s32 v9, v5  }
0x4d9: {  	(xrf0) =	vadd.scan.msk.s32 $0xffff, v4;
	_ =	sdelay $0x4  }
0x4da: {  	v4, _, _ =	vpop (xrf0)  }
0x4db: {  	(v2sf) =	vpush v4, $0xF;
	v4, _, _ =	vpop (xrf0)  }
0x4dc: {  	(v2sf) =	vpush v4, $0xF;
	_ =	sdelay $0xd  }
0x4dd: {  	s0 =	spop (v2sf)  }
0x4de: {  	s0 =	sadd.s32 s26, s0;
	s29 =	spop (v2sf)  }
0x4df: {  	p0 =	slt.s32 s25, s19;
	p1 =	sge.s32 s0, s19;
	s26 =	sadd.s32 s0, s29  }
0x4e0: {  	p6 =	slt.s32 s0, s19;
	p0 =	por !p0, !p1;
	p2 =	sge.s32 s26, s19  }
0x4e1: {  	p0 =	por !p0, !p0;
	p1 =	por !p6, !p2  }
0x4e2: {  	s21 =	smov.u32 @p0 s22;
	s23 =	smov.u32 @p0 s25;
	p0 =	por !p1, !p1  }
0x4e3: {  	s21 =	smov.u32 @p0 s24  }
0x4e4: {  	s30 =	sshll.u32 s21, $0xA  }
0x4e5: {  	s31 =	sshra.s32 s30, $0x2  }
0x4e6: {  	s23 =	smov.u32 @p0 s0;
	s0 =	sadd.s32 $0x8000, s31;
	v4 =	vmov s31  }
0x4e7: {  	v5 =	vmov s0;
	_ =	sdelay $0x2  }
0x4e8: {  	s24 =	simm.s32 $0xF0  }
0x4e9: {  	v6 =	vld.idx.msk [tilespmem:v4+s24+$0x0 ss:$0x1], $0xffff  }
0x4ea: {  	v7 =	vld.idx.msk [tilespmem:v5+s24+$0x0 ss:$0x1], $0xffff;
	_ =	sdelay $0x4  }
0x4eb: {  	v6 =	vadd.s32 v6, v7  }
0x4ec: {  	(xrf0) =	vadd.scan.msk.s32 $0xffff, v6;
	_ =	sdelay $0x5  }
0x4ed: {  	v6, _, _ =	vpop (xrf0)  }
0x4ee: {  	s25 =	simm.s32 $0xE0;
	(v2sf) =	vpush v6, $0xF  }
0x4ef: {  	v7 =	vld.idx.msk [tilespmem:v4+s25+$0x0 ss:$0x1], $0xffff  }
0x4f0: {  	s26 =	simm.s32 $0xD0;
	v6 =	vld.idx.msk [tilespmem:v5+s25+$0x0 ss:$0x1], $0xffff  }
0x4f1: {  	v8 =	vld.idx.msk [tilespmem:v4+s26+$0x0 ss:$0x1], $0xffff  }
0x4f2: {  	s28 =	simm.s32 $0xC0;
	v9 =	vld.idx.msk [tilespmem:v5+s26+$0x0 ss:$0x1], $0xffff  }
0x4f3: {  	v10 =	vld.idx.msk [tilespmem:v4+s28+$0x0 ss:$0x1], $0xffff  }
0x4f4: {  	v11 =	vld.idx.msk [tilespmem:v5+s28+$0x0 ss:$0x1], $0xffff  }
0x4f5: {  	v6 =	vadd.s32 v7, v6  }
0x4f6: {  	(xrf0) =	vadd.scan.msk.s32 $0xffff, v6  }
0x4f7: {  	v6 =	vadd.s32 v8, v9  }
0x4f8: {  	(xrf0) =	vadd.scan.msk.s32 $0xffff, v6  }
0x4f9: {  	v6 =	vadd.s32 v10, v11;
	_ =	sdelay $0x2  }
0x4fa: {  	(xrf0) =	vadd.scan.msk.s32 $0xffff, v6;
	v6, _, _ =	vpop (xrf0)  }
0x4fb: {  	s29 =	simm.s32 $0xB0;
	s31 =	spop (v2sf);
	(v2sf) =	vpush v6, $0xF  }
0x4fc: {  	v7 =	vld.idx.msk [tilespmem:v4+s29+$0x0 ss:$0x1], $0xffff;
	v9, _, _ =	vpop (xrf0)  }
0x4fd: {  	v8 =	vld.idx.msk [tilespmem:v5+s29+$0x0 ss:$0x1], $0xffff;
	(v2sf) =	vpush v9, $0xF;
	_ =	sdelay $0x4  }
0x4fe: {  	v8 =	vadd.s32 v7, v8  }
0x4ff: {  	s22 =	sshllo.u32 s21, $0x4;
	s30 =	simm.s32 $0xA0  }
0x500: {  	s21 =	simm.s32 $0x0;
	p0 =	slt.s32 s23, s19;
	v7 =	vld.idx.msk [tilespmem:v5+s30+$0x0 ss:$0x1], $0xffff;
	s24 =	sadd.s32 s23, s31  }
0x501: {  	s25 =	simm.s32 $0x240;
	(xrf0) =	vadd.scan.msk.s32 $0xffff, v8;
	v8, _, _ =	vpop (xrf0);
	v6 =	vld.idx.msk [tilespmem:v4+s30+$0x0 ss:$0x1], $0xffff;
	p1 =	sge.s32 s24, s19;
	s23 =	smov.u32 s24  }
.LBB2_36:
0x502: {  	s0 =	smov.u32 s21;
	s26 =	smov.u32 s25;
	s28 =	sadd.s32 $0xFFFFFFC0, s25  }
0x503: {  	(v2sf) =	vpush v8, $0xF;
	p2 =	sne.s32 s25, $0x0;
	s0 =	smov.u32 @p1 s22;
	s22 =	sadd.s32 $0xFFFFFFFF, s22  }
.Ltmp17:
0x504: {  	s21 =	smov.u32 @p0 s0;
	(pc) =	sbr.rel @p2 .LBB2_36-.Ltmp17, $4  }
0x505: {  	s0 =	sshra.s32 s26, $0x2  }
0x506: {  	v10 =	vmov v6;
	s25 =	spop (v2sf);
	v6 =	vld.idx.msk [tilespmem:v4+s0+$0x0 ss:$0x1], $0xffff  }
0x507: {  	p0 =	slt.s32 s23, s19;
	v9 =	vadd.s32 v10, v7;
	v7 =	vld.idx.msk [tilespmem:v5+s0+$0x0 ss:$0x1], $0xffff;
	s24 =	sadd.s32 s24, s25  }
0x508: {  	s25 =	smov.u32 s28;
	(xrf0) =	vadd.scan.msk.s32 $0xffff, v9;
	v8, _, _ =	vpop (xrf0);
	p1 =	sge.s32 s24, s19;
	s23 =	smov.u32 s24  }
0x509: {  	_ =	sdelay $0x2  }
0x50a: {  	v4 =	vadd.s32 v6, v7  }
0x50b: {  	(xrf0) =	vadd.scan.msk.s32 $0xffff, v4  }
0x50c: {  	(v2sf) =	vpush v8, $0xF;
	_ =	sdelay $0x1  }
0x50d: {  	v4, _, _ =	vpop (xrf0)  }
0x50e: {  	(v2sf) =	vpush v4, $0xF;
	_ =	sdelay $0x1  }
0x50f: {  	v4, _, _ =	vpop (xrf0)  }
0x510: {  	(v2sf) =	vpush v4, $0xF;
	_ =	sdelay $0x1  }
0x511: {  	s0 =	smov.u32 s21  }
0x512: {  	s25 =	spop (v2sf);
	s0 =	smov.u32 @p1 s22  }
0x513: {  	s25 =	sadd.s32 s24, s25;
	s21 =	smov.u32 @p0 s0  }
0x514: {  	s22 =	sadd.s32 $0xFFFFFFFF, s22;
	p0 =	sge.s32 s25, s19;
	s24 =	smov.u32 s21  }
0x515: {  	p1 =	slt.s32 s23, s19;
	s24 =	smov.u32 @p0 s22;
	s26 =	spop (v2sf)  }
0x516: {  	s21 =	smov.u32 @p1 s24;
	s23 =	sadd.s32 s25, s26  }
0x517: {  	s22 =	sadd.s32 $0xFFFFFFFF, s22;
	s24 =	smov.u32 s21;
	p0 =	sge.s32 s23, s19  }
0x518: {  	p1 =	slt.s32 s25, s19;
	s24 =	smov.u32 @p0 s22;
	s28 =	spop (v2sf)  }
0x519: {  	s21 =	smov.u32 @p1 s24;
	s0 =	sadd.s32 s23, s28  }
0x51a: {  	s22 =	sadd.s32 $0xFFFFFFFF, s22;
	s24 =	smov.u32 s21;
	p0 =	sge.s32 s0, s19  }
0x51b: {  	p1 =	slt.s32 s23, s19;
	s24 =	smov.u32 @p0 s22;
	s29 =	spop (v2sf)  }
0x51c: {  	s21 =	smov.u32 @p1 s24;
	s23 =	sadd.s32 s0, s29  }
0x51d: {  	s22 =	sadd.s32 $0xFFFFFFFF, s22;
	s24 =	smov.u32 s21;
	p0 =	sge.s32 s23, s19  }
0x51e: {  	p1 =	slt.s32 s0, s19;
	s24 =	smov.u32 @p0 s22;
	s30 =	spop (v2sf)  }
0x51f: {  	s21 =	smov.u32 @p1 s24;
	s0 =	sadd.s32 s23, s30  }
0x520: {  	s22 =	sadd.s32 $0xFFFFFFFF, s22;
	p0 =	sge.s32 s0, s19;
	s0 =	smov.u32 s21  }
0x521: {  	p1 =	slt.s32 s23, s19;
	s0 =	smov.u32 @p0 s22  }
0x522: {  	s31 =	sshll.u32 s20, $0xA;
	s21 =	smov.u32 @p1 s0  }
0x523: {  	s18 =	sadd.s32 $0x1, s18;
	s0 =	sadd.s32 s31, s21  }
0x524: {  	p0 =	sne.s32 s18, s8;
	v4 =	vmov s0  }
.Ltmp18:
0x525: {  	[tilespmem:$0x19300] =	vst v4;
	(pc) =	sbr.rel @p0 .LBB2_1-.Ltmp18, $4  }
0x526: {  	[hbm4b:s7+s2] =	stream.linear.scatter [tilespmem:s16], [sflag:$0x3], $0x80, $0x38;
	[tilespmem:$0x19380] =	vst v63  }
0x527: {  	_ =	swait.ge [sflag:s17], $0x80  }
0x528: {  	[sflag:s17] =	ssyncset.done $0x0  }
0x529: {  	[sflag:s17] =	ssyncadd.s32 $0xFFFFFF80  }
0x52a: {  	_ =	sfence.sel $0x180000  }
0x52b: {  	[bflag:$0x0] =	sbarrier.arrive $0xFFFF  }
0x52c: {  	_ =	strace $0x90000047  }
0x52d: {  	[bflag:$0x2] =	sbarrier.arrive $0xFFFF  }
0x52e: {  	p0 =	sne.s32 s1, $0x0;
	s0 =	rddreg [dreg:$0x1]  }
0x52f: {  	s0 =	sadd.s32 @!p0 $0x100000, s0  }
0x530: {  	[sflag:s0] =	ssyncadd.tile.s32 @!p0 $0x1;
	_ =	shalt  }
.Lfunc_end2:
_tile_overlayer_lowered:
.L_overlay_start_2:
0x531: {  	(tag) =	ssettag $0x2  }
0x532: {  	s0 =	rddreg [dreg:$0x0];
	s2 =	stileid.u32  }
0x533: {  	s1 =	rddreg [dreg:$0x1];
	p0 =	sne.s32 s2, $0x0  }
0x534: {  	s3 =	rddreg [dreg:$0x2];
	[bflag:$0x3] =	sbarrier.arrive $0xFFFF;
	s2 =	simm.s32 @!p0 $0x1C03  }
0x535: {  	[timem:s3], [sflag:s2] =	dma.local @!p0 [hbm:s0], s1  }
0x536: {  	s0 =	simm.s32 @!p0 $0x3  }
0x537: {  	_ =	swait.ge @!p0 [sflag:s0], s1  }
0x538: {  	s1 =	ssub.s32 @!p0 $0x0, s1;
	[sflag:s0] =	ssyncset.done @!p0 $0x0  }
0x539: {  	[sflag:s0] =	ssyncadd.s32 @!p0 s1  }
0x53a: {  	[bflag:$0x3] =	sbarrier.arrive $0xFFFF  }
0x53b: {  	_ =	shalt  }

</sc_bundles>
